<compile_context>
chip_gen: v7x
topology: tpu7x:2x2x1
jax: 0.10.2.dev20260603
libtpu: 0.0.44.dev20260713+nightly
codegen_flags: <defaults>
</compile_context>

<pallas_src>
import jax
import jax.numpy as jnp
from jax import lax
from jax.experimental import pallas as pl
from jax.experimental.pallas import tpu as pltpu
from jax.experimental.pallas import tpu_sc as plsc

N = 10000
E = 320000
D = 128
NC = 2
NS = 16
NW = NC * NS
CB = 128
NCHT = E // CB
CHW = NCHT // NW
CXT = NCHT - CHW * NW
NP = 10240
RPT = NP // NS
NPA = 10112
RPA = NPA // NS
DEGQ = 6
AGQ = 3

_MESH = plsc.VectorSubcoreMesh(core_axis_name="c", subcore_axis_name="s")


def _wid_base_cnt():
    c = lax.axis_index("c")
    s = lax.axis_index("s")
    wid = s * NC + c
    base = CHW * wid + jnp.minimum(wid, CXT)
    cnt = CHW + jnp.where(wid < CXT, 1, 0)
    return c, s, wid, base, cnt


def _deg_body(ei3, ones, zeros, deg_out, hist, dbuf, ones_v, semi):
    c, s, wid, base, cnt = _wid_base_cnt()
    pltpu.sync_copy(ones, ones_v)
    pltpu.sync_copy(zeros, hist.at[pl.ds(s * RPT, RPT)])
    plsc.subcore_barrier()

    for b in range(DEGQ):
        pltpu.async_copy(ei3.at[1].at[base + b], dbuf.at[b], semi)

    def body(g, carry):
        for b in range(DEGQ):
            k = g * DEGQ + b
            pltpu.make_async_copy(ei3.at[1].at[base + k], dbuf.at[b],
                                  semi).wait()
            pltpu.sync_copy(ones_v, hist.at[dbuf.at[b]], add=True)

            @pl.when(k + DEGQ < cnt)
            def _():
                pltpu.async_copy(ei3.at[1].at[base + k + DEGQ], dbuf.at[b],
                                 semi)
        return carry

    lax.fori_loop(0, CHW // DEGQ, body, 0)

    @pl.when(wid < CXT)
    def _():
        b = CHW % DEGQ
        pltpu.make_async_copy(ei3.at[1].at[base + CHW], dbuf.at[b],
                              semi).wait()
        pltpu.sync_copy(ones_v, hist.at[dbuf.at[b]], add=True)

    plsc.subcore_barrier()
    pltpu.sync_copy(hist.at[pl.ds(s * RPT, RPT)],
                    deg_out.at[c].at[pl.ds(s * RPT, RPT)])


_deg_call = pl.kernel(
    _deg_body,
    out_type=jax.ShapeDtypeStruct((NC, NP), jnp.float32),
    mesh=_MESH,
    scratch_types=[
        pltpu.VMEM_SHARED((NP,), jnp.float32),
        pltpu.VMEM((DEGQ, CB), jnp.int32),
        pltpu.VMEM((CB,), jnp.float32),
        pltpu.SemaphoreType.DMA,
    ],
)


def _agg_body(ei3, xp, zeros, agg_out, acc, sbuf, dbuf, rows,
              semi0, semi1, semi2, semg0, semg1, semg2):
    c, s, wid, base, cnt = _wid_base_cnt()
    semi = (semi0, semi1, semi2)
    semg = (semg0, semg1, semg2)
    pltpu.sync_copy(zeros, acc.at[pl.ds(s * RPA, RPA)])
    plsc.subcore_barrier()

    def load_idx(k, b):
        pltpu.async_copy(ei3.at[0].at[base + k], sbuf.at[b], semi[b])
        pltpu.async_copy(ei3.at[1].at[base + k], dbuf.at[b], semi[b])

    def wait_idx(k, b):
        pltpu.make_async_copy(ei3.at[0].at[base + k], sbuf.at[b],
                              semi[b]).wait()
        pltpu.make_async_copy(ei3.at[1].at[base + k], dbuf.at[b],
                              semi[b]).wait()

    def fire_gather(b):
        pltpu.async_copy(xp.at[sbuf.at[b]], rows.at[b], semg[b])

    def wait_gather(b):
        pltpu.make_async_copy(xp.at[sbuf.at[b]], rows.at[b], semg[b]).wait()

    for b in range(AGQ):
        load_idx(b, b)
    wait_idx(0, 0)
    fire_gather(0)

    def body(g, carry):
        for b in range(AGQ):
            k = g * AGQ + b
            b1 = (b + 1) % AGQ

            @pl.when(k + 1 < cnt)
            def _():
                wait_idx(k + 1, b1)
                fire_gather(b1)

            wait_gather(b)
            pltpu.sync_copy(rows.at[b], acc.at[dbuf.at[b]], add=True)

            @pl.when(k + AGQ < cnt)
            def _():
                load_idx(k + AGQ, b)
        return carry

    lax.fori_loop(0, CHW // AGQ, body, 0)

    @pl.when(wid < CXT)
    def _():
        b = CHW % AGQ
        wait_gather(b)
        pltpu.sync_copy(rows.at[b], acc.at[dbuf.at[b]], add=True)

    plsc.subcore_barrier()
    pltpu.sync_copy(acc.at[pl.ds(s * RPA, RPA)],
                    agg_out.at[c].at[pl.ds(s * RPA, RPA)])


_agg_call = pl.kernel(
    _agg_body,
    out_type=jax.ShapeDtypeStruct((NC, NPA, D), jnp.float32),
    mesh=_MESH,
    scratch_types=[
        pltpu.VMEM_SHARED((NPA, D), jnp.float32),
        pltpu.VMEM((AGQ, CB), jnp.int32),
        pltpu.VMEM((AGQ, CB), jnp.int32),
        pltpu.VMEM((AGQ, CB, D), jnp.float32),
        pltpu.SemaphoreType.DMA,
        pltpu.SemaphoreType.DMA,
        pltpu.SemaphoreType.DMA,
        pltpu.SemaphoreType.DMA,
        pltpu.SemaphoreType.DMA,
        pltpu.SemaphoreType.DMA,
    ],
)


def _prep_body(deg_ref, x_ref, xp_ref, norm_ref):
    d = (deg_ref[0, :N] + deg_ref[1, :N])[:, None]
    norm = lax.rsqrt(jnp.maximum(d, 1.0))
    norm_ref[...] = norm
    xp_ref[...] = x_ref[...] * norm


_prep_call = pl.pallas_call(
    _prep_body,
    out_shape=(
        jax.ShapeDtypeStruct((N, D), jnp.float32),
        jax.ShapeDtypeStruct((N, 1), jnp.float32),
    ),
)


def _fin_body(agg_ref, norm_ref, w_ref, b_ref, o_ref):
    a = (agg_ref[0, :N] + agg_ref[1, :N]) * norm_ref[...]
    acc = jnp.dot(a, w_ref[...], preferred_element_type=jnp.float32)
    o_ref[...] = jnp.maximum(acc + b_ref[...], 0.0)


_fin_call = pl.pallas_call(
    _fin_body,
    out_shape=jax.ShapeDtypeStruct((N, D), jnp.float32),
)


def kernel(t, x, edge_index, W, b):
    ei3 = edge_index.reshape(2, NCHT, CB)
    ones = jnp.ones((CB,), jnp.float32)
    zeros_h = jnp.zeros((RPT,), jnp.float32)
    zeros_a = jnp.zeros((RPA, D), jnp.float32)
    deg = _deg_call(ei3, ones, zeros_h)
    xp, norm = _prep_call(deg, x)
    agg2 = _agg_call(ei3, xp, zeros_a)
    return _fin_call(agg2, norm, W, b.reshape(1, D))

# --- scband reference (transcript-rebuilt; emitter-appended) ---
"""Pipeline reference for scband-gcdefunc-6794638262306 (READ-ONLY COPY).

The authoritative reference and input builder live on the scoring server;
editing this copy changes nothing except your own understanding.
"""

import jax, jax.numpy as jnp
import numpy as np

N = 10000
E = 320000
D_IN = 128
D_HID = 128


def setup_inputs(seed: int = 0) -> dict:
    key = jax.random.key(seed)
    k1, k2, k3 = jax.random.split(key, 3)
    t = jnp.zeros((1,), dtype=jnp.float32)
    x = jax.random.normal(k1, (N, D_IN), dtype=jnp.float32)
    edge_index = jax.random.randint(k2, (2, E), 0, N, dtype=jnp.int32)
    W = jax.random.normal(k3, (D_IN, D_HID), dtype=jnp.float32) * (1.0 / np.sqrt(D_IN))
    b = jnp.zeros((D_HID,), dtype=jnp.float32)
    return {"t": t, "x": x, "edge_index": edge_index, "W": W, "b": b}


def reference(t, x, edge_index, W, b):
    # GCDEFunc.forward(t, x): increments nfe counter (side effect only), then
    # applies a GCNLayer: h = relu( D^{-1/2} A D^{-1/2} x @ W + b ), dropout=0.
    src = edge_index[0]
    dst = edge_index[1]
    deg = jnp.maximum(jnp.bincount(dst, length=N).astype(jnp.float32), 1.0)
    norm = deg ** -0.5
    # gather source node features, scale by src norm (memory-bound gather)
    m = jnp.take(x, src, axis=0) * norm[src][:, None]
    # scatter-add aggregation over destination nodes
    agg = jax.ops.segment_sum(m, dst, num_segments=N)
    agg = agg * norm[:, None]
    out = jax.nn.relu(agg @ W + b)
    return out

if __name__ == "__main__":
    import jax
    _d = setup_inputs()
    print(jax.jit(kernel)(*tuple(_d.values())))

</pallas_src>

<mosaic_0001>
#map = affine_map<(d0, d1) -> (0, 0, 0)>
#map1 = affine_map<(d0, d1) -> (0, 0)>
module attributes {stable_mosaic.version = 14 : i64} {
  func.func @_agg_body(%arg0: i32, %arg1: i32, %arg2: memref<2x2500x128xi32, #tpu.memory_space<hbm>>, %arg3: memref<10000x128xf32, #tpu.memory_space<hbm>>, %arg4: memref<632x128xf32, #tpu.memory_space<hbm>>, %arg5: memref<2x10112x128xf32, #tpu.memory_space<hbm>>, %arg6: memref<10112x128xf32, #tpu.memory_space<vmem_shared>>, %arg7: memref<3x128xi32, #tpu.memory_space<vmem>>, %arg8: memref<3x128xi32, #tpu.memory_space<vmem>>, %arg9: memref<3x128x128xf32, #tpu.memory_space<vmem>>, %arg10: memref<!tpu.dma_semaphore, #tpu.memory_space<semaphore_mem>>, %arg11: memref<!tpu.dma_semaphore, #tpu.memory_space<semaphore_mem>>, %arg12: memref<!tpu.dma_semaphore, #tpu.memory_space<semaphore_mem>>, %arg13: memref<!tpu.dma_semaphore, #tpu.memory_space<semaphore_mem>>, %arg14: memref<!tpu.dma_semaphore, #tpu.memory_space<semaphore_mem>>, %arg15: memref<!tpu.dma_semaphore, #tpu.memory_space<semaphore_mem>>) attributes {dimension_semantics = [#tpu.dimension_semantics<core_parallel>, #tpu.dimension_semantics<subcore_parallel>], iteration_bounds = array<i64: 2, 16>, scalar_prefetch = 0 : i64, scratch_operands = 10 : i64, tpu.core_type = #tpu.core_type<sc_vector_subcore>, window_params = [{transform_indices = #map}, {transform_indices = #map1}, {transform_indices = #map1}, {transform_indices = #map}]} {
    %mul3A = arith.constant 2 : i32
    %mul3A_0 = arith.muli %arg1, %mul3A : i32
    %add3A = arith.addi %mul3A_0, %arg0 : i32
    %mul3A_1 = arith.constant 78 : i32
    %mul3A_2 = arith.muli %mul3A_1, %add3A : i32
    %min3A = arith.constant 4 : i32
    %min3A_3 = arith.minsi %add3A, %min3A : i32
    %add3A_4 = arith.addi %mul3A_2, %min3A_3 : i32
    %lt3A = arith.constant 4 : i32
    %lt3A_5 = arith.cmpi slt, %add3A, %lt3A : i32
    %jit3A = arith.constant 1 : i32
    %jit3A_6 = arith.constant 0 : i32
    %select_n3A = arith.select %lt3A_5, %jit3A, %jit3A_6 : i32
    %add3A_7 = arith.constant 78 : i32
    %add3A_8 = arith.addi %add3A_7, %select_n3A : i32
    %mul3A_9 = arith.constant 632 : i32
    %mul3A_10 = arith.muli %arg1, %mul3A_9 : i32
    "tpu.region"() ({
      %run_scoped3A = tpu.sem_alloc : memref<!tpu.dma_semaphore, #tpu.memory_space<semaphore_mem>>
      %dma_start3A_226 = arith.constant 0 : i32
      %dma_start3A_227 = tpu.memref_slice %arg6[%mul3A_10, %dma_start3A_226] : memref<10112x128xf32, #tpu.memory_space<vmem_shared>> -> memref<632x128xf32, #tpu.memory_space<vmem_shared>>
      tpu.enqueue_dma source(%arg4 : memref<632x128xf32, #tpu.memory_space<hbm>>) target(%dma_start3A_227 : memref<632x128xf32, #tpu.memory_space<vmem_shared>>) target_semaphore(%run_scoped3A : memref<!tpu.dma_semaphore, #tpu.memory_space<semaphore_mem>>)
      %dma_wait3A_228 = arith.constant 0 : i32
      %dma_wait3A_229 = tpu.memref_slice %arg6[%mul3A_10, %dma_wait3A_228] : memref<10112x128xf32, #tpu.memory_space<vmem_shared>> -> memref<632x128xf32, #tpu.memory_space<vmem_shared>>
      tpu.wait_dma2 semaphore(%run_scoped3A : memref<!tpu.dma_semaphore, #tpu.memory_space<semaphore_mem>>) src(%arg4 : memref<632x128xf32, #tpu.memory_space<hbm>>) dst(%dma_wait3A_229 : memref<632x128xf32, #tpu.memory_space<vmem_shared>>)
      tpu.yield
    }) : () -> ()
    %barrier3A = arith.constant 0 : index
    tpu.barrier barrier_id(%barrier3A)
    %add3A_11 = arith.constant 0 : i32
    %add3A_12 = arith.addi %add3A_4, %add3A_11 : i32
    %dma_start3A = arith.constant 0 : i32
    %dma_start3A_13 = arith.constant 0 : i32
    %dma_start3A_14 = arith.constant 0 : i32
    %dma_start3A_15 = tpu.memref_slice %arg7[%dma_start3A_13, %dma_start3A_14] : memref<3x128xi32, #tpu.memory_space<vmem>> -> memref<1x128xi32, #tpu.memory_space<vmem>>
    %dma_start3A_16 = tpu.memref_squeeze %dma_start3A_15 : memref<1x128xi32, #tpu.memory_space<vmem>> -> memref<128xi32, #tpu.memory_space<vmem>>
    %dma_start3A_17 = arith.constant 0 : i32
    %dma_start3A_18 = arith.constant 0 : i32
    %dma_start3A_19 = tpu.memref_slice %arg2[%dma_start3A, %dma_start3A_17, %dma_start3A_18] : memref<2x2500x128xi32, #tpu.memory_space<hbm>> -> memref<1x2500x128xi32, #tpu.memory_space<hbm>>
    %dma_start3A_20 = tpu.memref_squeeze %dma_start3A_19 : memref<1x2500x128xi32, #tpu.memory_space<hbm>> -> memref<2500x128xi32, #tpu.memory_space<hbm>>
    %dma_start3A_21 = arith.constant 0 : i32
    %dma_start3A_22 = tpu.memref_slice %dma_start3A_20[%add3A_12, %dma_start3A_21] : memref<2500x128xi32, #tpu.memory_space<hbm>> -> memref<1x128xi32, #tpu.memory_space<hbm>>
    %dma_start3A_23 = tpu.memref_squeeze %dma_start3A_22 : memref<1x128xi32, #tpu.memory_space<hbm>> -> memref<128xi32, #tpu.memory_space<hbm>>
    %dma_start3A_24 = arith.constant 0 : i32
    %dma_start3A_25 = tpu.memref_slice %arg7[%dma_start3A_13, %dma_start3A_24] : memref<3x128xi32, #tpu.memory_space<vmem>> -> memref<1x128xi32, #tpu.memory_space<vmem>>
    %dma_start3A_26 = tpu.memref_squeeze %dma_start3A_25 : memref<1x128xi32, #tpu.memory_space<vmem>> -> memref<128xi32, #tpu.memory_space<vmem>>
    %dma_start3A_27 = arith.constant 0 : i32
    %dma_start3A_28 = arith.constant 0 : i32
    %dma_start3A_29 = tpu.memref_slice %arg2[%dma_start3A, %dma_start3A_27, %dma_start3A_28] : memref<2x2500x128xi32, #tpu.memory_space<hbm>> -> memref<1x2500x128xi32, #tpu.memory_space<hbm>>
    %dma_start3A_30 = tpu.memref_squeeze %dma_start3A_29 : memref<1x2500x128xi32, #tpu.memory_space<hbm>> -> memref<2500x128xi32, #tpu.memory_space<hbm>>
    %dma_start3A_31 = arith.constant 0 : i32
    %dma_start3A_32 = tpu.memref_slice %dma_start3A_30[%add3A_12, %dma_start3A_31] : memref<2500x128xi32, #tpu.memory_space<hbm>> -> memref<1x128xi32, #tpu.memory_space<hbm>>
    %dma_start3A_33 = tpu.memref_squeeze %dma_start3A_32 : memref<1x128xi32, #tpu.memory_space<hbm>> -> memref<128xi32, #tpu.memory_space<hbm>>
    tpu.enqueue_dma source(%dma_start3A_33 : memref<128xi32, #tpu.memory_space<hbm>>) target(%dma_start3A_26 : memref<128xi32, #tpu.memory_space<vmem>>) target_semaphore(%arg10 : memref<!tpu.dma_semaphore, #tpu.memory_space<semaphore_mem>>)
    %add3A_34 = arith.constant 0 : i32
    %add3A_35 = arith.addi %add3A_4, %add3A_34 : i32
    %dma_start3A_36 = arith.constant 1 : i32
    %dma_start3A_37 = arith.constant 0 : i32
    %dma_start3A_38 = arith.constant 0 : i32
    %dma_start3A_39 = tpu.memref_slice %arg8[%dma_start3A_37, %dma_start3A_38] : memref<3x128xi32, #tpu.memory_space<vmem>> -> memref<1x128xi32, #tpu.memory_space<vmem>>
    %dma_start3A_40 = tpu.memref_squeeze %dma_start3A_39 : memref<1x128xi32, #tpu.memory_space<vmem>> -> memref<128xi32, #tpu.memory_space<vmem>>
    %dma_start3A_41 = arith.constant 0 : i32
    %dma_start3A_42 = arith.constant 0 : i32
    %dma_start3A_43 = tpu.memref_slice %arg2[%dma_start3A_36, %dma_start3A_41, %dma_start3A_42] : memref<2x2500x128xi32, #tpu.memory_space<hbm>> -> memref<1x2500x128xi32, #tpu.memory_space<hbm>>
    %dma_start3A_44 = tpu.memref_squeeze %dma_start3A_43 : memref<1x2500x128xi32, #tpu.memory_space<hbm>> -> memref<2500x128xi32, #tpu.memory_space<hbm>>
    %dma_start3A_45 = arith.constant 0 : i32
    %dma_start3A_46 = tpu.memref_slice %dma_start3A_44[%add3A_35, %dma_start3A_45] : memref<2500x128xi32, #tpu.memory_space<hbm>> -> memref<1x128xi32, #tpu.memory_space<hbm>>
    %dma_start3A_47 = tpu.memref_squeeze %dma_start3A_46 : memref<1x128xi32, #tpu.memory_space<hbm>> -> memref<128xi32, #tpu.memory_space<hbm>>
    %dma_start3A_48 = arith.constant 0 : i32
    %dma_start3A_49 = tpu.memref_slice %arg8[%dma_start3A_37, %dma_start3A_48] : memref<3x128xi32, #tpu.memory_space<vmem>> -> memref<1x128xi32, #tpu.memory_space<vmem>>
    %dma_start3A_50 = tpu.memref_squeeze %dma_start3A_49 : memref<1x128xi32, #tpu.memory_space<vmem>> -> memref<128xi32, #tpu.memory_space<vmem>>
    %dma_start3A_51 = arith.constant 0 : i32
    %dma_start3A_52 = arith.constant 0 : i32
    %dma_start3A_53 = tpu.memref_slice %arg2[%dma_start3A_36, %dma_start3A_51, %dma_start3A_52] : memref<2x2500x128xi32, #tpu.memory_space<hbm>> -> memref<1x2500x128xi32, #tpu.memory_space<hbm>>
    %dma_start3A_54 = tpu.memref_squeeze %dma_start3A_53 : memref<1x2500x128xi32, #tpu.memory_space<hbm>> -> memref<2500x128xi32, #tpu.memory_space<hbm>>
    %dma_start3A_55 = arith.constant 0 : i32
    %dma_start3A_56 = tpu.memref_slice %dma_start3A_54[%add3A_35, %dma_start3A_55] : memref<2500x128xi32, #tpu.memory_space<hbm>> -> memref<1x128xi32, #tpu.memory_space<hbm>>
    %dma_start3A_57 = tpu.memref_squeeze %dma_start3A_56 : memref<1x128xi32, #tpu.memory_space<hbm>> -> memref<128xi32, #tpu.memory_space<hbm>>
    tpu.enqueue_dma source(%dma_start3A_57 : memref<128xi32, #tpu.memory_space<hbm>>) target(%dma_start3A_50 : memref<128xi32, #tpu.memory_space<vmem>>) target_semaphore(%arg10 : memref<!tpu.dma_semaphore, #tpu.memory_space<semaphore_mem>>)
    %add3A_58 = arith.constant 1 : i32
    %add3A_59 = arith.addi %add3A_4, %add3A_58 : i32
    %dma_start3A_60 = arith.constant 0 : i32
    %dma_start3A_61 = arith.constant 1 : i32
    %dma_start3A_62 = arith.constant 0 : i32
    %dma_start3A_63 = tpu.memref_slice %arg7[%dma_start3A_61, %dma_start3A_62] : memref<3x128xi32, #tpu.memory_space<vmem>> -> memref<1x128xi32, #tpu.memory_space<vmem>>
    %dma_start3A_64 = tpu.memref_squeeze %dma_start3A_63 : memref<1x128xi32, #tpu.memory_space<vmem>> -> memref<128xi32, #tpu.memory_space<vmem>>
    %dma_start3A_65 = arith.constant 0 : i32
    %dma_start3A_66 = arith.constant 0 : i32
    %dma_start3A_67 = tpu.memref_slice %arg2[%dma_start3A_60, %dma_start3A_65, %dma_start3A_66] : memref<2x2500x128xi32, #tpu.memory_space<hbm>> -> memref<1x2500x128xi32, #tpu.memory_space<hbm>>
    %dma_start3A_68 = tpu.memref_squeeze %dma_start3A_67 : memref<1x2500x128xi32, #tpu.memory_space<hbm>> -> memref<2500x128xi32, #tpu.memory_space<hbm>>
    %dma_start3A_69 = arith.constant 0 : i32
    %dma_start3A_70 = tpu.memref_slice %dma_start3A_68[%add3A_59, %dma_start3A_69] : memref<2500x128xi32, #tpu.memory_space<hbm>> -> memref<1x128xi32, #tpu.memory_space<hbm>>
    %dma_start3A_71 = tpu.memref_squeeze %dma_start3A_70 : memref<1x128xi32, #tpu.memory_space<hbm>> -> memref<128xi32, #tpu.memory_space<hbm>>
    %dma_start3A_72 = arith.constant 0 : i32
    %dma_start3A_73 = tpu.memref_slice %arg7[%dma_start3A_61, %dma_start3A_72] : memref<3x128xi32, #tpu.memory_space<vmem>> -> memref<1x128xi32, #tpu.memory_space<vmem>>
    %dma_start3A_74 = tpu.memref_squeeze %dma_start3A_73 : memref<1x128xi32, #tpu.memory_space<vmem>> -> memref<128xi32, #tpu.memory_space<vmem>>
    %dma_start3A_75 = arith.constant 0 : i32
    %dma_start3A_76 = arith.constant 0 : i32
    %dma_start3A_77 = tpu.memref_slice %arg2[%dma_start3A_60, %dma_start3A_75, %dma_start3A_76] : memref<2x2500x128xi32, #tpu.memory_space<hbm>> -> memref<1x2500x128xi32, #tpu.memory_space<hbm>>
    %dma_start3A_78 = tpu.memref_squeeze %dma_start3A_77 : memref<1x2500x128xi32, #tpu.memory_space<hbm>> -> memref<2500x128xi32, #tpu.memory_space<hbm>>
    %dma_start3A_79 = arith.constant 0 : i32
    %dma_start3A_80 = tpu.memref_slice %dma_start3A_78[%add3A_59, %dma_start3A_79] : memref<2500x128xi32, #tpu.memory_space<hbm>> -> memref<1x128xi32, #tpu.memory_space<hbm>>
    %dma_start3A_81 = tpu.memref_squeeze %dma_start3A_80 : memref<1x128xi32, #tpu.memory_space<hbm>> -> memref<128xi32, #tpu.memory_space<hbm>>
    tpu.enqueue_dma source(%dma_start3A_81 : memref<128xi32, #tpu.memory_space<hbm>>) target(%dma_start3A_74 : memref<128xi32, #tpu.memory_space<vmem>>) target_semaphore(%arg11 : memref<!tpu.dma_semaphore, #tpu.memory_space<semaphore_mem>>)
    %add3A_82 = arith.constant 1 : i32
    %add3A_83 = arith.addi %add3A_4, %add3A_82 : i32
    %dma_start3A_84 = arith.constant 1 : i32
    %dma_start3A_85 = arith.constant 1 : i32
    %dma_start3A_86 = arith.constant 0 : i32
    %dma_start3A_87 = tpu.memref_slice %arg8[%dma_start3A_85, %dma_start3A_86] : memref<3x128xi32, #tpu.memory_space<vmem>> -> memref<1x128xi32, #tpu.memory_space<vmem>>
    %dma_start3A_88 = tpu.memref_squeeze %dma_start3A_87 : memref<1x128xi32, #tpu.memory_space<vmem>> -> memref<128xi32, #tpu.memory_space<vmem>>
    %dma_start3A_89 = arith.constant 0 : i32
    %dma_start3A_90 = arith.constant 0 : i32
    %dma_start3A_91 = tpu.memref_slice %arg2[%dma_start3A_84, %dma_start3A_89, %dma_start3A_90] : memref<2x2500x128xi32, #tpu.memory_space<hbm>> -> memref<1x2500x128xi32, #tpu.memory_space<hbm>>
    %dma_start3A_92 = tpu.memref_squeeze %dma_start3A_91 : memref<1x2500x128xi32, #tpu.memory_space<hbm>> -> memref<2500x128xi32, #tpu.memory_space<hbm>>
    %dma_start3A_93 = arith.constant 0 : i32
    %dma_start3A_94 = tpu.memref_slice %dma_start3A_92[%add3A_83, %dma_start3A_93] : memref<2500x128xi32, #tpu.memory_space<hbm>> -> memref<1x128xi32, #tpu.memory_space<hbm>>
    %dma_start3A_95 = tpu.memref_squeeze %dma_start3A_94 : memref<1x128xi32, #tpu.memory_space<hbm>> -> memref<128xi32, #tpu.memory_space<hbm>>
    %dma_start3A_96 = arith.constant 0 : i32
    %dma_start3A_97 = tpu.memref_slice %arg8[%dma_start3A_85, %dma_start3A_96] : memref<3x128xi32, #tpu.memory_space<vmem>> -> memref<1x128xi32, #tpu.memory_space<vmem>>
    %dma_start3A_98 = tpu.memref_squeeze %dma_start3A_97 : memref<1x128xi32, #tpu.memory_space<vmem>> -> memref<128xi32, #tpu.memory_space<vmem>>
    %dma_start3A_99 = arith.constant 0 : i32
    %dma_start3A_100 = arith.constant 0 : i32
    %dma_start3A_101 = tpu.memref_slice %arg2[%dma_start3A_84, %dma_start3A_99, %dma_start3A_100] : memref<2x2500x128xi32, #tpu.memory_space<hbm>> -> memref<1x2500x128xi32, #tpu.memory_space<hbm>>
    %dma_start3A_102 = tpu.memref_squeeze %dma_start3A_101 : memref<1x2500x128xi32, #tpu.memory_space<hbm>> -> memref<2500x128xi32, #tpu.memory_space<hbm>>
    %dma_start3A_103 = arith.constant 0 : i32
    %dma_start3A_104 = tpu.memref_slice %dma_start3A_102[%add3A_83, %dma_start3A_103] : memref<2500x128xi32, #tpu.memory_space<hbm>> -> memref<1x128xi32, #tpu.memory_space<hbm>>
    %dma_start3A_105 = tpu.memref_squeeze %dma_start3A_104 : memref<1x128xi32, #tpu.memory_space<hbm>> -> memref<128xi32, #tpu.memory_space<hbm>>
    tpu.enqueue_dma source(%dma_start3A_105 : memref<128xi32, #tpu.memory_space<hbm>>) target(%dma_start3A_98 : memref<128xi32, #tpu.memory_space<vmem>>) target_semaphore(%arg11 : memref<!tpu.dma_semaphore, #tpu.memory_space<semaphore_mem>>)
    %add3A_106 = arith.constant 2 : i32
    %add3A_107 = arith.addi %add3A_4, %add3A_106 : i32
    %dma_start3A_108 = arith.constant 0 : i32
    %dma_start3A_109 = arith.constant 2 : i32
    %dma_start3A_110 = arith.constant 0 : i32
    %dma_start3A_111 = tpu.memref_slice %arg7[%dma_start3A_109, %dma_start3A_110] : memref<3x128xi32, #tpu.memory_space<vmem>> -> memref<1x128xi32, #tpu.memory_space<vmem>>
    %dma_start3A_112 = tpu.memref_squeeze %dma_start3A_111 : memref<1x128xi32, #tpu.memory_space<vmem>> -> memref<128xi32, #tpu.memory_space<vmem>>
    %dma_start3A_113 = arith.constant 0 : i32
    %dma_start3A_114 = arith.constant 0 : i32
    %dma_start3A_115 = tpu.memref_slice %arg2[%dma_start3A_108, %dma_start3A_113, %dma_start3A_114] : memref<2x2500x128xi32, #tpu.memory_space<hbm>> -> memref<1x2500x128xi32, #tpu.memory_space<hbm>>
    %dma_start3A_116 = tpu.memref_squeeze %dma_start3A_115 : memref<1x2500x128xi32, #tpu.memory_space<hbm>> -> memref<2500x128xi32, #tpu.memory_space<hbm>>
    %dma_start3A_117 = arith.constant 0 : i32
    %dma_start3A_118 = tpu.memref_slice %dma_start3A_116[%add3A_107, %dma_start3A_117] : memref<2500x128xi32, #tpu.memory_space<hbm>> -> memref<1x128xi32, #tpu.memory_space<hbm>>
    %dma_start3A_119 = tpu.memref_squeeze %dma_start3A_118 : memref<1x128xi32, #tpu.memory_space<hbm>> -> memref<128xi32, #tpu.memory_space<hbm>>
    %dma_start3A_120 = arith.constant 0 : i32
    %dma_start3A_121 = tpu.memref_slice %arg7[%dma_start3A_109, %dma_start3A_120] : memref<3x128xi32, #tpu.memory_space<vmem>> -> memref<1x128xi32, #tpu.memory_space<vmem>>
    %dma_start3A_122 = tpu.memref_squeeze %dma_start3A_121 : memref<1x128xi32, #tpu.memory_space<vmem>> -> memref<128xi32, #tpu.memory_space<vmem>>
    %dma_start3A_123 = arith.constant 0 : i32
    %dma_start3A_124 = arith.constant 0 : i32
    %dma_start3A_125 = tpu.memref_slice %arg2[%dma_start3A_108, %dma_start3A_123, %dma_start3A_124] : memref<2x2500x128xi32, #tpu.memory_space<hbm>> -> memref<1x2500x128xi32, #tpu.memory_space<hbm>>
    %dma_start3A_126 = tpu.memref_squeeze %dma_start3A_125 : memref<1x2500x128xi32, #tpu.memory_space<hbm>> -> memref<2500x128xi32, #tpu.memory_space<hbm>>
    %dma_start3A_127 = arith.constant 0 : i32
    %dma_start3A_128 = tpu.memref_slice %dma_start3A_126[%add3A_107, %dma_start3A_127] : memref<2500x128xi32, #tpu.memory_space<hbm>> -> memref<1x128xi32, #tpu.memory_space<hbm>>
    %dma_start3A_129 = tpu.memref_squeeze %dma_start3A_128 : memref<1x128xi32, #tpu.memory_space<hbm>> -> memref<128xi32, #tpu.memory_space<hbm>>
    tpu.enqueue_dma source(%dma_start3A_129 : memref<128xi32, #tpu.memory_space<hbm>>) target(%dma_start3A_122 : memref<128xi32, #tpu.memory_space<vmem>>) target_semaphore(%arg12 : memref<!tpu.dma_semaphore, #tpu.memory_space<semaphore_mem>>)
    %add3A_130 = arith.constant 2 : i32
    %add3A_131 = arith.addi %add3A_4, %add3A_130 : i32
    %dma_start3A_132 = arith.constant 1 : i32
    %dma_start3A_133 = arith.constant 2 : i32
    %dma_start3A_134 = arith.constant 0 : i32
    %dma_start3A_135 = tpu.memref_slice %arg8[%dma_start3A_133, %dma_start3A_134] : memref<3x128xi32, #tpu.memory_space<vmem>> -> memref<1x128xi32, #tpu.memory_space<vmem>>
    %dma_start3A_136 = tpu.memref_squeeze %dma_start3A_135 : memref<1x128xi32, #tpu.memory_space<vmem>> -> memref<128xi32, #tpu.memory_space<vmem>>
    %dma_start3A_137 = arith.constant 0 : i32
    %dma_start3A_138 = arith.constant 0 : i32
    %dma_start3A_139 = tpu.memref_slice %arg2[%dma_start3A_132, %dma_start3A_137, %dma_start3A_138] : memref<2x2500x128xi32, #tpu.memory_space<hbm>> -> memref<1x2500x128xi32, #tpu.memory_space<hbm>>
    %dma_start3A_140 = tpu.memref_squeeze %dma_start3A_139 : memref<1x2500x128xi32, #tpu.memory_space<hbm>> -> memref<2500x128xi32, #tpu.memory_space<hbm>>
    %dma_start3A_141 = arith.constant 0 : i32
    %dma_start3A_142 = tpu.memref_slice %dma_start3A_140[%add3A_131, %dma_start3A_141] : memref<2500x128xi32, #tpu.memory_space<hbm>> -> memref<1x128xi32, #tpu.memory_space<hbm>>
    %dma_start3A_143 = tpu.memref_squeeze %dma_start3A_142 : memref<1x128xi32, #tpu.memory_space<hbm>> -> memref<128xi32, #tpu.memory_space<hbm>>
    %dma_start3A_144 = arith.constant 0 : i32
    %dma_start3A_145 = tpu.memref_slice %arg8[%dma_start3A_133, %dma_start3A_144] : memref<3x128xi32, #tpu.memory_space<vmem>> -> memref<1x128xi32, #tpu.memory_space<vmem>>
    %dma_start3A_146 = tpu.memref_squeeze %dma_start3A_145 : memref<1x128xi32, #tpu.memory_space<vmem>> -> memref<128xi32, #tpu.memory_space<vmem>>
    %dma_start3A_147 = arith.constant 0 : i32
    %dma_start3A_148 = arith.constant 0 : i32
    %dma_start3A_149 = tpu.memref_slice %arg2[%dma_start3A_132, %dma_start3A_147, %dma_start3A_148] : memref<2x2500x128xi32, #tpu.memory_space<hbm>> -> memref<1x2500x128xi32, #tpu.memory_space<hbm>>
    %dma_start3A_150 = tpu.memref_squeeze %dma_start3A_149 : memref<1x2500x128xi32, #tpu.memory_space<hbm>> -> memref<2500x128xi32, #tpu.memory_space<hbm>>
    %dma_start3A_151 = arith.constant 0 : i32
    %dma_start3A_152 = tpu.memref_slice %dma_start3A_150[%add3A_131, %dma_start3A_151] : memref<2500x128xi32, #tpu.memory_space<hbm>> -> memref<1x128xi32, #tpu.memory_space<hbm>>
    %dma_start3A_153 = tpu.memref_squeeze %dma_start3A_152 : memref<1x128xi32, #tpu.memory_space<hbm>> -> memref<128xi32, #tpu.memory_space<hbm>>
    tpu.enqueue_dma source(%dma_start3A_153 : memref<128xi32, #tpu.memory_space<hbm>>) target(%dma_start3A_146 : memref<128xi32, #tpu.memory_space<vmem>>) target_semaphore(%arg12 : memref<!tpu.dma_semaphore, #tpu.memory_space<semaphore_mem>>)
    %add3A_154 = arith.constant 0 : i32
    %add3A_155 = arith.addi %add3A_4, %add3A_154 : i32
    %dma_wait3A = arith.constant 0 : i32
    %dma_wait3A_156 = arith.constant 0 : i32
    %dma_wait3A_157 = arith.constant 0 : i32
    %dma_wait3A_158 = tpu.memref_slice %arg7[%dma_wait3A_156, %dma_wait3A_157] : memref<3x128xi32, #tpu.memory_space<vmem>> -> memref<1x128xi32, #tpu.memory_space<vmem>>
    %dma_wait3A_159 = tpu.memref_squeeze %dma_wait3A_158 : memref<1x128xi32, #tpu.memory_space<vmem>> -> memref<128xi32, #tpu.memory_space<vmem>>
    %dma_wait3A_160 = arith.constant 0 : i32
    %dma_wait3A_161 = arith.constant 0 : i32
    %dma_wait3A_162 = tpu.memref_slice %arg2[%dma_wait3A, %dma_wait3A_160, %dma_wait3A_161] : memref<2x2500x128xi32, #tpu.memory_space<hbm>> -> memref<1x2500x128xi32, #tpu.memory_space<hbm>>
    %dma_wait3A_163 = tpu.memref_squeeze %dma_wait3A_162 : memref<1x2500x128xi32, #tpu.memory_space<hbm>> -> memref<2500x128xi32, #tpu.memory_space<hbm>>
    %dma_wait3A_164 = arith.constant 0 : i32
    %dma_wait3A_165 = tpu.memref_slice %dma_wait3A_163[%add3A_155, %dma_wait3A_164] : memref<2500x128xi32, #tpu.memory_space<hbm>> -> memref<1x128xi32, #tpu.memory_space<hbm>>
    %dma_wait3A_166 = tpu.memref_squeeze %dma_wait3A_165 : memref<1x128xi32, #tpu.memory_space<hbm>> -> memref<128xi32, #tpu.memory_space<hbm>>
    %dma_wait3A_167 = arith.constant 0 : i32
    %dma_wait3A_168 = tpu.memref_slice %arg7[%dma_wait3A_156, %dma_wait3A_167] : memref<3x128xi32, #tpu.memory_space<vmem>> -> memref<1x128xi32, #tpu.memory_space<vmem>>
    %dma_wait3A_169 = tpu.memref_squeeze %dma_wait3A_168 : memref<1x128xi32, #tpu.memory_space<vmem>> -> memref<128xi32, #tpu.memory_space<vmem>>
    %dma_wait3A_170 = arith.constant 0 : i32
    %dma_wait3A_171 = arith.constant 0 : i32
    %dma_wait3A_172 = tpu.memref_slice %arg2[%dma_wait3A, %dma_wait3A_170, %dma_wait3A_171] : memref<2x2500x128xi32, #tpu.memory_space<hbm>> -> memref<1x2500x128xi32, #tpu.memory_space<hbm>>
    %dma_wait3A_173 = tpu.memref_squeeze %dma_wait3A_172 : memref<1x2500x128xi32, #tpu.memory_space<hbm>> -> memref<2500x128xi32, #tpu.memory_space<hbm>>
    %dma_wait3A_174 = arith.constant 0 : i32
    %dma_wait3A_175 = tpu.memref_slice %dma_wait3A_173[%add3A_155, %dma_wait3A_174] : memref<2500x128xi32, #tpu.memory_space<hbm>> -> memref<1x128xi32, #tpu.memory_space<hbm>>
    %dma_wait3A_176 = tpu.memref_squeeze %dma_wait3A_175 : memref<1x128xi32, #tpu.memory_space<hbm>> -> memref<128xi32, #tpu.memory_space<hbm>>
    tpu.wait_dma2 semaphore(%arg10 : memref<!tpu.dma_semaphore, #tpu.memory_space<semaphore_mem>>) src(%dma_wait3A_176 : memref<128xi32, #tpu.memory_space<hbm>>) dst(%dma_wait3A_169 : memref<128xi32, #tpu.memory_space<vmem>>)
    %add3A_177 = arith.constant 0 : i32
    %add3A_178 = arith.addi %add3A_4, %add3A_177 : i32
    %dma_wait3A_179 = arith.constant 1 : i32
    %dma_wait3A_180 = arith.constant 0 : i32
    %dma_wait3A_181 = arith.constant 0 : i32
    %dma_wait3A_182 = tpu.memref_slice %arg8[%dma_wait3A_180, %dma_wait3A_181] : memref<3x128xi32, #tpu.memory_space<vmem>> -> memref<1x128xi32, #tpu.memory_space<vmem>>
    %dma_wait3A_183 = tpu.memref_squeeze %dma_wait3A_182 : memref<1x128xi32, #tpu.memory_space<vmem>> -> memref<128xi32, #tpu.memory_space<vmem>>
    %dma_wait3A_184 = arith.constant 0 : i32
    %dma_wait3A_185 = arith.constant 0 : i32
    %dma_wait3A_186 = tpu.memref_slice %arg2[%dma_wait3A_179, %dma_wait3A_184, %dma_wait3A_185] : memref<2x2500x128xi32, #tpu.memory_space<hbm>> -> memref<1x2500x128xi32, #tpu.memory_space<hbm>>
    %dma_wait3A_187 = tpu.memref_squeeze %dma_wait3A_186 : memref<1x2500x128xi32, #tpu.memory_space<hbm>> -> memref<2500x128xi32, #tpu.memory_space<hbm>>
    %dma_wait3A_188 = arith.constant 0 : i32
    %dma_wait3A_189 = tpu.memref_slice %dma_wait3A_187[%add3A_178, %dma_wait3A_188] : memref<2500x128xi32, #tpu.memory_space<hbm>> -> memref<1x128xi32, #tpu.memory_space<hbm>>
    %dma_wait3A_190 = tpu.memref_squeeze %dma_wait3A_189 : memref<1x128xi32, #tpu.memory_space<hbm>> -> memref<128xi32, #tpu.memory_space<hbm>>
    %dma_wait3A_191 = arith.constant 0 : i32
    %dma_wait3A_192 = tpu.memref_slice %arg8[%dma_wait3A_180, %dma_wait3A_191] : memref<3x128xi32, #tpu.memory_space<vmem>> -> memref<1x128xi32, #tpu.memory_space<vmem>>
    %dma_wait3A_193 = tpu.memref_squeeze %dma_wait3A_192 : memref<1x128xi32, #tpu.memory_space<vmem>> -> memref<128xi32, #tpu.memory_space<vmem>>
    %dma_wait3A_194 = arith.constant 0 : i32
    %dma_wait3A_195 = arith.constant 0 : i32
    %dma_wait3A_196 = tpu.memref_slice %arg2[%dma_wait3A_179, %dma_wait3A_194, %dma_wait3A_195] : memref<2x2500x128xi32, #tpu.memory_space<hbm>> -> memref<1x2500x128xi32, #tpu.memory_space<hbm>>
    %dma_wait3A_197 = tpu.memref_squeeze %dma_wait3A_196 : memref<1x2500x128xi32, #tpu.memory_space<hbm>> -> memref<2500x128xi32, #tpu.memory_space<hbm>>
    %dma_wait3A_198 = arith.constant 0 : i32
    %dma_wait3A_199 = tpu.memref_slice %dma_wait3A_197[%add3A_178, %dma_wait3A_198] : memref<2500x128xi32, #tpu.memory_space<hbm>> -> memref<1x128xi32, #tpu.memory_space<hbm>>
    %dma_wait3A_200 = tpu.memref_squeeze %dma_wait3A_199 : memref<1x128xi32, #tpu.memory_space<hbm>> -> memref<128xi32, #tpu.memory_space<hbm>>
    tpu.wait_dma2 semaphore(%arg10 : memref<!tpu.dma_semaphore, #tpu.memory_space<semaphore_mem>>) src(%dma_wait3A_200 : memref<128xi32, #tpu.memory_space<hbm>>) dst(%dma_wait3A_193 : memref<128xi32, #tpu.memory_space<vmem>>)
    %dma_start3A_201 = arith.constant 0 : i32
    %dma_start3A_202 = arith.constant 0 : i32
    %dma_start3A_203 = arith.constant 0 : i32
    %dma_start3A_204 = arith.constant 0 : i32
    %dma_start3A_205 = tpu.memref_slice %arg9[%dma_start3A_202, %dma_start3A_203, %dma_start3A_204] : memref<3x128x128xf32, #tpu.memory_space<vmem>> -> memref<1x128x128xf32, #tpu.memory_space<vmem>>
    %dma_start3A_206 = tpu.memref_squeeze %dma_start3A_205 : memref<1x128x128xf32, #tpu.memory_space<vmem>> -> memref<128x128xf32, #tpu.memory_space<vmem>>
    %dma_start3A_207 = arith.constant 0 : i32
    %dma_start3A_208 = tpu.memref_slice %arg7[%dma_start3A_201, %dma_start3A_207] : memref<3x128xi32, #tpu.memory_space<vmem>> -> memref<1x128xi32, #tpu.memory_space<vmem>>
    %dma_start3A_209 = tpu.memref_squeeze %dma_start3A_208 : memref<1x128xi32, #tpu.memory_space<vmem>> -> memref<128xi32, #tpu.memory_space<vmem>>
    %dma_start3A_210 = arith.constant 0 : i32
    %dma_start3A_211 = arith.constant 0 : i32
    %dma_start3A_212 = tpu.memref_slice %arg3[%dma_start3A_210, %dma_start3A_211] : memref<10000x128xf32, #tpu.memory_space<hbm>> -> memref<10000x128xf32, #tpu.memory_space<hbm>>
    tpu.enqueue_indirect_dma source(%dma_start3A_212 : memref<10000x128xf32, #tpu.memory_space<hbm>>) target(%dma_start3A_206 : memref<128x128xf32, #tpu.memory_space<vmem>>) offsets(%dma_start3A_209 : memref<128xi32, #tpu.memory_space<vmem>>) semaphore(%arg13 : memref<!tpu.dma_semaphore, #tpu.memory_space<semaphore_mem>>)
    %scan3A = arith.constant 0 : i32
    %scan3A_213 = arith.constant 0 : i32
    %scan3A_214 = arith.constant 26 : i32
    %scan3A_215 = arith.addi %scan3A_213, %scan3A_214 : i32
    %scan3A_216 = arith.constant 1 : i32
    scf.for %scan3A_226 = %scan3A_213 to %scan3A_215 step %scan3A_216  : i32 {
      %mul3A_227 = arith.constant 3 : i32
      %mul3A_228 = arith.muli %scan3A_226, %mul3A_227 : i32
      %add3A_229 = arith.constant 0 : i32
      %add3A_230 = arith.addi %mul3A_228, %add3A_229 : i32
      %add3A_231 = arith.constant 1 : i32
      %add3A_232 = arith.addi %add3A_230, %add3A_231 : i32
      %lt3A_233 = arith.cmpi slt, %add3A_232, %add3A_8 : i32
      %convert_element_type3A_234 = arith.extui %lt3A_233 : i1 to i32
      %cond3A_235 = arith.constant 0 : i32
      %cond3A_236 = arith.cmpi ne, %convert_element_type3A_234, %cond3A_235 : i32
      scf.if %cond3A_236 {
        %add3A_316 = arith.constant 1 : i32
        %add3A_317 = arith.addi %add3A_230, %add3A_316 : i32
        %add3A_318 = arith.addi %add3A_4, %add3A_317 : i32
        %dma_wait3A_319 = arith.constant 0 : i32
        %dma_wait3A_320 = arith.constant 1 : i32
        %dma_wait3A_321 = arith.constant 0 : i32
        %dma_wait3A_322 = tpu.memref_slice %arg7[%dma_wait3A_320, %dma_wait3A_321] : memref<3x128xi32, #tpu.memory_space<vmem>> -> memref<1x128xi32, #tpu.memory_space<vmem>>
        %dma_wait3A_323 = tpu.memref_squeeze %dma_wait3A_322 : memref<1x128xi32, #tpu.memory_space<vmem>> -> memref<128xi32, #tpu.memory_space<vmem>>
        %dma_wait3A_324 = arith.constant 0 : i32
        %dma_wait3A_325 = arith.constant 0 : i32
        %dma_wait3A_326 = tpu.memref_slice %arg2[%dma_wait3A_319, %dma_wait3A_324, %dma_wait3A_325] : memref<2x2500x128xi32, #tpu.memory_space<hbm>> -> memref<1x2500x128xi32, #tpu.memory_space<hbm>>
        %dma_wait3A_327 = tpu.memref_squeeze %dma_wait3A_326 : memref<1x2500x128xi32, #tpu.memory_space<hbm>> -> memref<2500x128xi32, #tpu.memory_space<hbm>>
        %dma_wait3A_328 = arith.constant 0 : i32
        %dma_wait3A_329 = tpu.memref_slice %dma_wait3A_327[%add3A_318, %dma_wait3A_328] : memref<2500x128xi32, #tpu.memory_space<hbm>> -> memref<1x128xi32, #tpu.memory_space<hbm>>
        %dma_wait3A_330 = tpu.memref_squeeze %dma_wait3A_329 : memref<1x128xi32, #tpu.memory_space<hbm>> -> memref<128xi32, #tpu.memory_space<hbm>>
        %dma_wait3A_331 = arith.constant 0 : i32
        %dma_wait3A_332 = tpu.memref_slice %arg7[%dma_wait3A_320, %dma_wait3A_331] : memref<3x128xi32, #tpu.memory_space<vmem>> -> memref<1x128xi32, #tpu.memory_space<vmem>>
        %dma_wait3A_333 = tpu.memref_squeeze %dma_wait3A_332 : memref<1x128xi32, #tpu.memory_space<vmem>> -> memref<128xi32, #tpu.memory_space<vmem>>
        %dma_wait3A_334 = arith.constant 0 : i32
        %dma_wait3A_335 = arith.constant 0 : i32
        %dma_wait3A_336 = tpu.memref_slice %arg2[%dma_wait3A_319, %dma_wait3A_334, %dma_wait3A_335] : memref<2x2500x128xi32, #tpu.memory_space<hbm>> -> memref<1x2500x128xi32, #tpu.memory_space<hbm>>
        %dma_wait3A_337 = tpu.memref_squeeze %dma_wait3A_336 : memref<1x2500x128xi32, #tpu.memory_space<hbm>> -> memref<2500x128xi32, #tpu.memory_space<hbm>>
        %dma_wait3A_338 = arith.constant 0 : i32
        %dma_wait3A_339 = tpu.memref_slice %dma_wait3A_337[%add3A_318, %dma_wait3A_338] : memref<2500x128xi32, #tpu.memory_space<hbm>> -> memref<1x128xi32, #tpu.memory_space<hbm>>
        %dma_wait3A_340 = tpu.memref_squeeze %dma_wait3A_339 : memref<1x128xi32, #tpu.memory_space<hbm>> -> memref<128xi32, #tpu.memory_space<hbm>>
        tpu.wait_dma2 semaphore(%arg11 : memref<!tpu.dma_semaphore, #tpu.memory_space<semaphore_mem>>) src(%dma_wait3A_340 : memref<128xi32, #tpu.memory_space<hbm>>) dst(%dma_wait3A_333 : memref<128xi32, #tpu.memory_space<vmem>>)
        %add3A_341 = arith.addi %add3A_4, %add3A_317 : i32
        %dma_wait3A_342 = arith.constant 1 : i32
        %dma_wait3A_343 = arith.constant 1 : i32
        %dma_wait3A_344 = arith.constant 0 : i32
        %dma_wait3A_345 = tpu.memref_slice %arg8[%dma_wait3A_343, %dma_wait3A_344] : memref<3x128xi32, #tpu.memory_space<vmem>> -> memref<1x128xi32, #tpu.memory_space<vmem>>
        %dma_wait3A_346 = tpu.memref_squeeze %dma_wait3A_345 : memref<1x128xi32, #tpu.memory_space<vmem>> -> memref<128xi32, #tpu.memory_space<vmem>>
        %dma_wait3A_347 = arith.constant 0 : i32
        %dma_wait3A_348 = arith.constant 0 : i32
        %dma_wait3A_349 = tpu.memref_slice %arg2[%dma_wait3A_342, %dma_wait3A_347, %dma_wait3A_348] : memref<2x2500x128xi32, #tpu.memory_space<hbm>> -> memref<1x2500x128xi32, #tpu.memory_space<hbm>>
        %dma_wait3A_350 = tpu.memref_squeeze %dma_wait3A_349 : memref<1x2500x128xi32, #tpu.memory_space<hbm>> -> memref<2500x128xi32, #tpu.memory_space<hbm>>
        %dma_wait3A_351 = arith.constant 0 : i32
        %dma_wait3A_352 = tpu.memref_slice %dma_wait3A_350[%add3A_341, %dma_wait3A_351] : memref<2500x128xi32, #tpu.memory_space<hbm>> -> memref<1x128xi32, #tpu.memory_space<hbm>>
        %dma_wait3A_353 = tpu.memref_squeeze %dma_wait3A_352 : memref<1x128xi32, #tpu.memory_space<hbm>> -> memref<128xi32, #tpu.memory_space<hbm>>
        %dma_wait3A_354 = arith.constant 0 : i32
        %dma_wait3A_355 = tpu.memref_slice %arg8[%dma_wait3A_343, %dma_wait3A_354] : memref<3x128xi32, #tpu.memory_space<vmem>> -> memref<1x128xi32, #tpu.memory_space<vmem>>
        %dma_wait3A_356 = tpu.memref_squeeze %dma_wait3A_355 : memref<1x128xi32, #tpu.memory_space<vmem>> -> memref<128xi32, #tpu.memory_space<vmem>>
        %dma_wait3A_357 = arith.constant 0 : i32
        %dma_wait3A_358 = arith.constant 0 : i32
        %dma_wait3A_359 = tpu.memref_slice %arg2[%dma_wait3A_342, %dma_wait3A_357, %dma_wait3A_358] : memref<2x2500x128xi32, #tpu.memory_space<hbm>> -> memref<1x2500x128xi32, #tpu.memory_space<hbm>>
        %dma_wait3A_360 = tpu.memref_squeeze %dma_wait3A_359 : memref<1x2500x128xi32, #tpu.memory_space<hbm>> -> memref<2500x128xi32, #tpu.memory_space<hbm>>
        %dma_wait3A_361 = arith.constant 0 : i32
        %dma_wait3A_362 = tpu.memref_slice %dma_wait3A_360[%add3A_341, %dma_wait3A_361] : memref<2500x128xi32, #tpu.memory_space<hbm>> -> memref<1x128xi32, #tpu.memory_space<hbm>>
        %dma_wait3A_363 = tpu.memref_squeeze %dma_wait3A_362 : memref<1x128xi32, #tpu.memory_space<hbm>> -> memref<128xi32, #tpu.memory_space<hbm>>
        tpu.wait_dma2 semaphore(%arg11 : memref<!tpu.dma_semaphore, #tpu.memory_space<semaphore_mem>>) src(%dma_wait3A_363 : memref<128xi32, #tpu.memory_space<hbm>>) dst(%dma_wait3A_356 : memref<128xi32, #tpu.memory_space<vmem>>)
        %dma_start3A_364 = arith.constant 1 : i32
        %dma_start3A_365 = arith.constant 1 : i32
        %dma_start3A_366 = arith.constant 0 : i32
        %dma_start3A_367 = arith.constant 0 : i32
        %dma_start3A_368 = tpu.memref_slice %arg9[%dma_start3A_365, %dma_start3A_366, %dma_start3A_367] : memref<3x128x128xf32, #tpu.memory_space<vmem>> -> memref<1x128x128xf32, #tpu.memory_space<vmem>>
        %dma_start3A_369 = tpu.memref_squeeze %dma_start3A_368 : memref<1x128x128xf32, #tpu.memory_space<vmem>> -> memref<128x128xf32, #tpu.memory_space<vmem>>
        %dma_start3A_370 = arith.constant 0 : i32
        %dma_start3A_371 = tpu.memref_slice %arg7[%dma_start3A_364, %dma_start3A_370] : memref<3x128xi32, #tpu.memory_space<vmem>> -> memref<1x128xi32, #tpu.memory_space<vmem>>
        %dma_start3A_372 = tpu.memref_squeeze %dma_start3A_371 : memref<1x128xi32, #tpu.memory_space<vmem>> -> memref<128xi32, #tpu.memory_space<vmem>>
        %dma_start3A_373 = arith.constant 0 : i32
        %dma_start3A_374 = arith.constant 0 : i32
        %dma_start3A_375 = tpu.memref_slice %arg3[%dma_start3A_373, %dma_start3A_374] : memref<10000x128xf32, #tpu.memory_space<hbm>> -> memref<10000x128xf32, #tpu.memory_space<hbm>>
        tpu.enqueue_indirect_dma source(%dma_start3A_375 : memref<10000x128xf32, #tpu.memory_space<hbm>>) target(%dma_start3A_369 : memref<128x128xf32, #tpu.memory_space<vmem>>) offsets(%dma_start3A_372 : memref<128xi32, #tpu.memory_space<vmem>>) semaphore(%arg14 : memref<!tpu.dma_semaphore, #tpu.memory_space<semaphore_mem>>)
      } else {
      }
      %dma_wait3A_237 = arith.constant 0 : i32
      %dma_wait3A_238 = arith.constant 0 : i32
      %dma_wait3A_239 = arith.constant 0 : i32
      %dma_wait3A_240 = arith.constant 0 : i32
      %dma_wait3A_241 = tpu.memref_slice %arg9[%dma_wait3A_238, %dma_wait3A_239, %dma_wait3A_240] : memref<3x128x128xf32, #tpu.memory_space<vmem>> -> memref<1x128x128xf32, #tpu.memory_space<vmem>>
      %dma_wait3A_242 = tpu.memref_squeeze %dma_wait3A_241 : memref<1x128x128xf32, #tpu.memory_space<vmem>> -> memref<128x128xf32, #tpu.memory_space<vmem>>
      %dma_wait3A_243 = arith.constant 0 : i32
      %dma_wait3A_244 = tpu.memref_slice %arg7[%dma_wait3A_237, %dma_wait3A_243] : memref<3x128xi32, #tpu.memory_space<vmem>> -> memref<1x128xi32, #tpu.memory_space<vmem>>
      %dma_wait3A_245 = tpu.memref_squeeze %dma_wait3A_244 : memref<1x128xi32, #tpu.memory_space<vmem>> -> memref<128xi32, #tpu.memory_space<vmem>>
      %dma_wait3A_246 = arith.constant 0 : i32
      %dma_wait3A_247 = arith.constant 0 : i32
      %dma_wait3A_248 = tpu.memref_slice %arg3[%dma_wait3A_246, %dma_wait3A_247] : memref<10000x128xf32, #tpu.memory_space<hbm>> -> memref<10000x128xf32, #tpu.memory_space<hbm>>
      tpu.wait_indirect_dma semaphore(%arg13 : memref<!tpu.dma_semaphore, #tpu.memory_space<semaphore_mem>>) src(%dma_wait3A_248 : memref<10000x128xf32, #tpu.memory_space<hbm>>) dst(%dma_wait3A_242 : memref<128x128xf32, #tpu.memory_space<vmem>>)
      %run_scoped3A = arith.constant 0 : i32
      %run_scoped3A_249 = arith.constant 0 : i32
      "tpu.region"() ({
        %run_scoped3A_316 = tpu.sem_alloc : memref<!tpu.dma_semaphore, #tpu.memory_space<semaphore_mem>>
        %dma_start3A_317 = arith.constant 0 : i32
        %dma_start3A_318 = arith.constant 0 : i32
        %dma_start3A_319 = tpu.memref_slice %arg9[%run_scoped3A, %dma_start3A_317, %dma_start3A_318] : memref<3x128x128xf32, #tpu.memory_space<vmem>> -> memref<1x128x128xf32, #tpu.memory_space<vmem>>
        %dma_start3A_320 = tpu.memref_squeeze %dma_start3A_319 : memref<1x128x128xf32, #tpu.memory_space<vmem>> -> memref<128x128xf32, #tpu.memory_space<vmem>>
        %dma_start3A_321 = arith.constant 0 : i32
        %dma_start3A_322 = tpu.memref_slice %arg8[%run_scoped3A_249, %dma_start3A_321] : memref<3x128xi32, #tpu.memory_space<vmem>> -> memref<1x128xi32, #tpu.memory_space<vmem>>
        %dma_start3A_323 = tpu.memref_squeeze %dma_start3A_322 : memref<1x128xi32, #tpu.memory_space<vmem>> -> memref<128xi32, #tpu.memory_space<vmem>>
        %dma_start3A_324 = arith.constant 0 : i32
        %dma_start3A_325 = arith.constant 0 : i32
        %dma_start3A_326 = tpu.memref_slice %arg6[%dma_start3A_324, %dma_start3A_325] : memref<10112x128xf32, #tpu.memory_space<vmem_shared>> -> memref<10112x128xf32, #tpu.memory_space<vmem_shared>>
        tpu.enqueue_indirect_dma source(%dma_start3A_320 : memref<128x128xf32, #tpu.memory_space<vmem>>) target(%dma_start3A_326 : memref<10112x128xf32, #tpu.memory_space<vmem_shared>>) offsets(%dma_start3A_323 : memref<128xi32, #tpu.memory_space<vmem>>) semaphore(%run_scoped3A_316 : memref<!tpu.dma_semaphore, #tpu.memory_space<semaphore_mem>>) {add = true}
        %dma_wait3A_327 = arith.constant 0 : i32
        %dma_wait3A_328 = arith.constant 0 : i32
        %dma_wait3A_329 = tpu.memref_slice %arg9[%run_scoped3A, %dma_wait3A_327, %dma_wait3A_328] : memref<3x128x128xf32, #tpu.memory_space<vmem>> -> memref<1x128x128xf32, #tpu.memory_space<vmem>>
        %dma_wait3A_330 = tpu.memref_squeeze %dma_wait3A_329 : memref<1x128x128xf32, #tpu.memory_space<vmem>> -> memref<128x128xf32, #tpu.memory_space<vmem>>
        %dma_wait3A_331 = arith.constant 0 : i32
        %dma_wait3A_332 = tpu.memref_slice %arg8[%run_scoped3A_249, %dma_wait3A_331] : memref<3x128xi32, #tpu.memory_space<vmem>> -> memref<1x128xi32, #tpu.memory_space<vmem>>
        %dma_wait3A_333 = tpu.memref_squeeze %dma_wait3A_332 : memref<1x128xi32, #tpu.memory_space<vmem>> -> memref<128xi32, #tpu.memory_space<vmem>>
        %dma_wait3A_334 = arith.constant 0 : i32
        %dma_wait3A_335 = arith.constant 0 : i32
        %dma_wait3A_336 = tpu.memref_slice %arg6[%dma_wait3A_334, %dma_wait3A_335] : memref<10112x128xf32, #tpu.memory_space<vmem_shared>> -> memref<10112x128xf32, #tpu.memory_space<vmem_shared>>
        tpu.wait_indirect_dma semaphore(%run_scoped3A_316 : memref<!tpu.dma_semaphore, #tpu.memory_space<semaphore_mem>>) src(%dma_wait3A_330 : memref<128x128xf32, #tpu.memory_space<vmem>>) dst(%dma_wait3A_336 : memref<10112x128xf32, #tpu.memory_space<vmem_shared>>)
        tpu.yield
      }) : () -> ()
      %add3A_250 = arith.constant 3 : i32
      %add3A_251 = arith.addi %add3A_230, %add3A_250 : i32
      %lt3A_252 = arith.cmpi slt, %add3A_251, %add3A_8 : i32
      %convert_element_type3A_253 = arith.extui %lt3A_252 : i1 to i32
      %cond3A_254 = arith.constant 0 : i32
      %cond3A_255 = arith.cmpi ne, %convert_element_type3A_253, %cond3A_254 : i32
      scf.if %cond3A_255 {
        %add3A_316 = arith.constant 3 : i32
        %add3A_317 = arith.addi %add3A_230, %add3A_316 : i32
        %add3A_318 = arith.addi %add3A_4, %add3A_317 : i32
        %dma_start3A_319 = arith.constant 0 : i32
        %dma_start3A_320 = arith.constant 0 : i32
        %dma_start3A_321 = arith.constant 0 : i32
        %dma_start3A_322 = tpu.memref_slice %arg7[%dma_start3A_320, %dma_start3A_321] : memref<3x128xi32, #tpu.memory_space<vmem>> -> memref<1x128xi32, #tpu.memory_space<vmem>>
        %dma_start3A_323 = tpu.memref_squeeze %dma_start3A_322 : memref<1x128xi32, #tpu.memory_space<vmem>> -> memref<128xi32, #tpu.memory_space<vmem>>
        %dma_start3A_324 = arith.constant 0 : i32
        %dma_start3A_325 = arith.constant 0 : i32
        %dma_start3A_326 = tpu.memref_slice %arg2[%dma_start3A_319, %dma_start3A_324, %dma_start3A_325] : memref<2x2500x128xi32, #tpu.memory_space<hbm>> -> memref<1x2500x128xi32, #tpu.memory_space<hbm>>
        %dma_start3A_327 = tpu.memref_squeeze %dma_start3A_326 : memref<1x2500x128xi32, #tpu.memory_space<hbm>> -> memref<2500x128xi32, #tpu.memory_space<hbm>>
        %dma_start3A_328 = arith.constant 0 : i32
        %dma_start3A_329 = tpu.memref_slice %dma_start3A_327[%add3A_318, %dma_start3A_328] : memref<2500x128xi32, #tpu.memory_space<hbm>> -> memref<1x128xi32, #tpu.memory_space<hbm>>
        %dma_start3A_330 = tpu.memref_squeeze %dma_start3A_329 : memref<1x128xi32, #tpu.memory_space<hbm>> -> memref<128xi32, #tpu.memory_space<hbm>>
        %dma_start3A_331 = arith.constant 0 : i32
        %dma_start3A_332 = tpu.memref_slice %arg7[%dma_start3A_320, %dma_start3A_331] : memref<3x128xi32, #tpu.memory_space<vmem>> -> memref<1x128xi32, #tpu.memory_space<vmem>>
        %dma_start3A_333 = tpu.memref_squeeze %dma_start3A_332 : memref<1x128xi32, #tpu.memory_space<vmem>> -> memref<128xi32, #tpu.memory_space<vmem>>
        %dma_start3A_334 = arith.constant 0 : i32
        %dma_start3A_335 = arith.constant 0 : i32
        %dma_start3A_336 = tpu.memref_slice %arg2[%dma_start3A_319, %dma_start3A_334, %dma_start3A_335] : memref<2x2500x128xi32, #tpu.memory_space<hbm>> -> memref<1x2500x128xi32, #tpu.memory_space<hbm>>
        %dma_start3A_337 = tpu.memref_squeeze %dma_start3A_336 : memref<1x2500x128xi32, #tpu.memory_space<hbm>> -> memref<2500x128xi32, #tpu.memory_space<hbm>>
        %dma_start3A_338 = arith.constant 0 : i32
        %dma_start3A_339 = tpu.memref_slice %dma_start3A_337[%add3A_318, %dma_start3A_338] : memref<2500x128xi32, #tpu.memory_space<hbm>> -> memref<1x128xi32, #tpu.memory_space<hbm>>
        %dma_start3A_340 = tpu.memref_squeeze %dma_start3A_339 : memref<1x128xi32, #tpu.memory_space<hbm>> -> memref<128xi32, #tpu.memory_space<hbm>>
        tpu.enqueue_dma source(%dma_start3A_340 : memref<128xi32, #tpu.memory_space<hbm>>) target(%dma_start3A_333 : memref<128xi32, #tpu.memory_space<vmem>>) target_semaphore(%arg10 : memref<!tpu.dma_semaphore, #tpu.memory_space<semaphore_mem>>)
        %add3A_341 = arith.addi %add3A_4, %add3A_317 : i32
        %dma_start3A_342 = arith.constant 1 : i32
        %dma_start3A_343 = arith.constant 0 : i32
        %dma_start3A_344 = arith.constant 0 : i32
        %dma_start3A_345 = tpu.memref_slice %arg8[%dma_start3A_343, %dma_start3A_344] : memref<3x128xi32, #tpu.memory_space<vmem>> -> memref<1x128xi32, #tpu.memory_space<vmem>>
        %dma_start3A_346 = tpu.memref_squeeze %dma_start3A_345 : memref<1x128xi32, #tpu.memory_space<vmem>> -> memref<128xi32, #tpu.memory_space<vmem>>
        %dma_start3A_347 = arith.constant 0 : i32
        %dma_start3A_348 = arith.constant 0 : i32
        %dma_start3A_349 = tpu.memref_slice %arg2[%dma_start3A_342, %dma_start3A_347, %dma_start3A_348] : memref<2x2500x128xi32, #tpu.memory_space<hbm>> -> memref<1x2500x128xi32, #tpu.memory_space<hbm>>
        %dma_start3A_350 = tpu.memref_squeeze %dma_start3A_349 : memref<1x2500x128xi32, #tpu.memory_space<hbm>> -> memref<2500x128xi32, #tpu.memory_space<hbm>>
        %dma_start3A_351 = arith.constant 0 : i32
        %dma_start3A_352 = tpu.memref_slice %dma_start3A_350[%add3A_341, %dma_start3A_351] : memref<2500x128xi32, #tpu.memory_space<hbm>> -> memref<1x128xi32, #tpu.memory_space<hbm>>
        %dma_start3A_353 = tpu.memref_squeeze %dma_start3A_352 : memref<1x128xi32, #tpu.memory_space<hbm>> -> memref<128xi32, #tpu.memory_space<hbm>>
        %dma_start3A_354 = arith.constant 0 : i32
        %dma_start3A_355 = tpu.memref_slice %arg8[%dma_start3A_343, %dma_start3A_354] : memref<3x128xi32, #tpu.memory_space<vmem>> -> memref<1x128xi32, #tpu.memory_space<vmem>>
        %dma_start3A_356 = tpu.memref_squeeze %dma_start3A_355 : memref<1x128xi32, #tpu.memory_space<vmem>> -> memref<128xi32, #tpu.memory_space<vmem>>
        %dma_start3A_357 = arith.constant 0 : i32
        %dma_start3A_358 = arith.constant 0 : i32
        %dma_start3A_359 = tpu.memref_slice %arg2[%dma_start3A_342, %dma_start3A_357, %dma_start3A_358] : memref<2x2500x128xi32, #tpu.memory_space<hbm>> -> memref<1x2500x128xi32, #tpu.memory_space<hbm>>
        %dma_start3A_360 = tpu.memref_squeeze %dma_start3A_359 : memref<1x2500x128xi32, #tpu.memory_space<hbm>> -> memref<2500x128xi32, #tpu.memory_space<hbm>>
        %dma_start3A_361 = arith.constant 0 : i32
        %dma_start3A_362 = tpu.memref_slice %dma_start3A_360[%add3A_341, %dma_start3A_361] : memref<2500x128xi32, #tpu.memory_space<hbm>> -> memref<1x128xi32, #tpu.memory_space<hbm>>
        %dma_start3A_363 = tpu.memref_squeeze %dma_start3A_362 : memref<1x128xi32, #tpu.memory_space<hbm>> -> memref<128xi32, #tpu.memory_space<hbm>>
        tpu.enqueue_dma source(%dma_start3A_363 : memref<128xi32, #tpu.memory_space<hbm>>) target(%dma_start3A_356 : memref<128xi32, #tpu.memory_space<vmem>>) target_semaphore(%arg10 : memref<!tpu.dma_semaphore, #tpu.memory_space<semaphore_mem>>)
      } else {
      }
      %mul3A_256 = arith.constant 3 : i32
      %mul3A_257 = arith.muli %scan3A_226, %mul3A_256 : i32
      %add3A_258 = arith.constant 1 : i32
      %add3A_259 = arith.addi %mul3A_257, %add3A_258 : i32
      %add3A_260 = arith.constant 1 : i32
      %add3A_261 = arith.addi %add3A_259, %add3A_260 : i32
      %lt3A_262 = arith.cmpi slt, %add3A_261, %add3A_8 : i32
      %convert_element_type3A_263 = arith.extui %lt3A_262 : i1 to i32
      %cond3A_264 = arith.constant 0 : i32
      %cond3A_265 = arith.cmpi ne, %convert_element_type3A_263, %cond3A_264 : i32
      scf.if %cond3A_265 {
        %add3A_316 = arith.constant 1 : i32
        %add3A_317 = arith.addi %add3A_259, %add3A_316 : i32
        %add3A_318 = arith.addi %add3A_4, %add3A_317 : i32
        %dma_wait3A_319 = arith.constant 0 : i32
        %dma_wait3A_320 = arith.constant 2 : i32
        %dma_wait3A_321 = arith.constant 0 : i32
        %dma_wait3A_322 = tpu.memref_slice %arg7[%dma_wait3A_320, %dma_wait3A_321] : memref<3x128xi32, #tpu.memory_space<vmem>> -> memref<1x128xi32, #tpu.memory_space<vmem>>
        %dma_wait3A_323 = tpu.memref_squeeze %dma_wait3A_322 : memref<1x128xi32, #tpu.memory_space<vmem>> -> memref<128xi32, #tpu.memory_space<vmem>>
        %dma_wait3A_324 = arith.constant 0 : i32
        %dma_wait3A_325 = arith.constant 0 : i32
        %dma_wait3A_326 = tpu.memref_slice %arg2[%dma_wait3A_319, %dma_wait3A_324, %dma_wait3A_325] : memref<2x2500x128xi32, #tpu.memory_space<hbm>> -> memref<1x2500x128xi32, #tpu.memory_space<hbm>>
        %dma_wait3A_327 = tpu.memref_squeeze %dma_wait3A_326 : memref<1x2500x128xi32, #tpu.memory_space<hbm>> -> memref<2500x128xi32, #tpu.memory_space<hbm>>
        %dma_wait3A_328 = arith.constant 0 : i32
        %dma_wait3A_329 = tpu.memref_slice %dma_wait3A_327[%add3A_318, %dma_wait3A_328] : memref<2500x128xi32, #tpu.memory_space<hbm>> -> memref<1x128xi32, #tpu.memory_space<hbm>>
        %dma_wait3A_330 = tpu.memref_squeeze %dma_wait3A_329 : memref<1x128xi32, #tpu.memory_space<hbm>> -> memref<128xi32, #tpu.memory_space<hbm>>
        %dma_wait3A_331 = arith.constant 0 : i32
        %dma_wait3A_332 = tpu.memref_slice %arg7[%dma_wait3A_320, %dma_wait3A_331] : memref<3x128xi32, #tpu.memory_space<vmem>> -> memref<1x128xi32, #tpu.memory_space<vmem>>
        %dma_wait3A_333 = tpu.memref_squeeze %dma_wait3A_332 : memref<1x128xi32, #tpu.memory_space<vmem>> -> memref<128xi32, #tpu.memory_space<vmem>>
        %dma_wait3A_334 = arith.constant 0 : i32
        %dma_wait3A_335 = arith.constant 0 : i32
        %dma_wait3A_336 = tpu.memref_slice %arg2[%dma_wait3A_319, %dma_wait3A_334, %dma_wait3A_335] : memref<2x2500x128xi32, #tpu.memory_space<hbm>> -> memref<1x2500x128xi32, #tpu.memory_space<hbm>>
        %dma_wait3A_337 = tpu.memref_squeeze %dma_wait3A_336 : memref<1x2500x128xi32, #tpu.memory_space<hbm>> -> memref<2500x128xi32, #tpu.memory_space<hbm>>
        %dma_wait3A_338 = arith.constant 0 : i32
        %dma_wait3A_339 = tpu.memref_slice %dma_wait3A_337[%add3A_318, %dma_wait3A_338] : memref<2500x128xi32, #tpu.memory_space<hbm>> -> memref<1x128xi32, #tpu.memory_space<hbm>>
        %dma_wait3A_340 = tpu.memref_squeeze %dma_wait3A_339 : memref<1x128xi32, #tpu.memory_space<hbm>> -> memref<128xi32, #tpu.memory_space<hbm>>
        tpu.wait_dma2 semaphore(%arg12 : memref<!tpu.dma_semaphore, #tpu.memory_space<semaphore_mem>>) src(%dma_wait3A_340 : memref<128xi32, #tpu.memory_space<hbm>>) dst(%dma_wait3A_333 : memref<128xi32, #tpu.memory_space<vmem>>)
        %add3A_341 = arith.addi %add3A_4, %add3A_317 : i32
        %dma_wait3A_342 = arith.constant 1 : i32
        %dma_wait3A_343 = arith.constant 2 : i32
        %dma_wait3A_344 = arith.constant 0 : i32
        %dma_wait3A_345 = tpu.memref_slice %arg8[%dma_wait3A_343, %dma_wait3A_344] : memref<3x128xi32, #tpu.memory_space<vmem>> -> memref<1x128xi32, #tpu.memory_space<vmem>>
        %dma_wait3A_346 = tpu.memref_squeeze %dma_wait3A_345 : memref<1x128xi32, #tpu.memory_space<vmem>> -> memref<128xi32, #tpu.memory_space<vmem>>
        %dma_wait3A_347 = arith.constant 0 : i32
        %dma_wait3A_348 = arith.constant 0 : i32
        %dma_wait3A_349 = tpu.memref_slice %arg2[%dma_wait3A_342, %dma_wait3A_347, %dma_wait3A_348] : memref<2x2500x128xi32, #tpu.memory_space<hbm>> -> memref<1x2500x128xi32, #tpu.memory_space<hbm>>
        %dma_wait3A_350 = tpu.memref_squeeze %dma_wait3A_349 : memref<1x2500x128xi32, #tpu.memory_space<hbm>> -> memref<2500x128xi32, #tpu.memory_space<hbm>>
        %dma_wait3A_351 = arith.constant 0 : i32
        %dma_wait3A_352 = tpu.memref_slice %dma_wait3A_350[%add3A_341, %dma_wait3A_351] : memref<2500x128xi32, #tpu.memory_space<hbm>> -> memref<1x128xi32, #tpu.memory_space<hbm>>
        %dma_wait3A_353 = tpu.memref_squeeze %dma_wait3A_352 : memref<1x128xi32, #tpu.memory_space<hbm>> -> memref<128xi32, #tpu.memory_space<hbm>>
        %dma_wait3A_354 = arith.constant 0 : i32
        %dma_wait3A_355 = tpu.memref_slice %arg8[%dma_wait3A_343, %dma_wait3A_354] : memref<3x128xi32, #tpu.memory_space<vmem>> -> memref<1x128xi32, #tpu.memory_space<vmem>>
        %dma_wait3A_356 = tpu.memref_squeeze %dma_wait3A_355 : memref<1x128xi32, #tpu.memory_space<vmem>> -> memref<128xi32, #tpu.memory_space<vmem>>
        %dma_wait3A_357 = arith.constant 0 : i32
        %dma_wait3A_358 = arith.constant 0 : i32
        %dma_wait3A_359 = tpu.memref_slice %arg2[%dma_wait3A_342, %dma_wait3A_357, %dma_wait3A_358] : memref<2x2500x128xi32, #tpu.memory_space<hbm>> -> memref<1x2500x128xi32, #tpu.memory_space<hbm>>
        %dma_wait3A_360 = tpu.memref_squeeze %dma_wait3A_359 : memref<1x2500x128xi32, #tpu.memory_space<hbm>> -> memref<2500x128xi32, #tpu.memory_space<hbm>>
        %dma_wait3A_361 = arith.constant 0 : i32
        %dma_wait3A_362 = tpu.memref_slice %dma_wait3A_360[%add3A_341, %dma_wait3A_361] : memref<2500x128xi32, #tpu.memory_space<hbm>> -> memref<1x128xi32, #tpu.memory_space<hbm>>
        %dma_wait3A_363 = tpu.memref_squeeze %dma_wait3A_362 : memref<1x128xi32, #tpu.memory_space<hbm>> -> memref<128xi32, #tpu.memory_space<hbm>>
        tpu.wait_dma2 semaphore(%arg12 : memref<!tpu.dma_semaphore, #tpu.memory_space<semaphore_mem>>) src(%dma_wait3A_363 : memref<128xi32, #tpu.memory_space<hbm>>) dst(%dma_wait3A_356 : memref<128xi32, #tpu.memory_space<vmem>>)
        %dma_start3A_364 = arith.constant 2 : i32
        %dma_start3A_365 = arith.constant 2 : i32
        %dma_start3A_366 = arith.constant 0 : i32
        %dma_start3A_367 = arith.constant 0 : i32
        %dma_start3A_368 = tpu.memref_slice %arg9[%dma_start3A_365, %dma_start3A_366, %dma_start3A_367] : memref<3x128x128xf32, #tpu.memory_space<vmem>> -> memref<1x128x128xf32, #tpu.memory_space<vmem>>
        %dma_start3A_369 = tpu.memref_squeeze %dma_start3A_368 : memref<1x128x128xf32, #tpu.memory_space<vmem>> -> memref<128x128xf32, #tpu.memory_space<vmem>>
        %dma_start3A_370 = arith.constant 0 : i32
        %dma_start3A_371 = tpu.memref_slice %arg7[%dma_start3A_364, %dma_start3A_370] : memref<3x128xi32, #tpu.memory_space<vmem>> -> memref<1x128xi32, #tpu.memory_space<vmem>>
        %dma_start3A_372 = tpu.memref_squeeze %dma_start3A_371 : memref<1x128xi32, #tpu.memory_space<vmem>> -> memref<128xi32, #tpu.memory_space<vmem>>
        %dma_start3A_373 = arith.constant 0 : i32
        %dma_start3A_374 = arith.constant 0 : i32
        %dma_start3A_375 = tpu.memref_slice %arg3[%dma_start3A_373, %dma_start3A_374] : memref<10000x128xf32, #tpu.memory_space<hbm>> -> memref<10000x128xf32, #tpu.memory_space<hbm>>
        tpu.enqueue_indirect_dma source(%dma_start3A_375 : memref<10000x128xf32, #tpu.memory_space<hbm>>) target(%dma_start3A_369 : memref<128x128xf32, #tpu.memory_space<vmem>>) offsets(%dma_start3A_372 : memref<128xi32, #tpu.memory_space<vmem>>) semaphore(%arg15 : memref<!tpu.dma_semaphore, #tpu.memory_space<semaphore_mem>>)
      } else {
      }
      %dma_wait3A_266 = arith.constant 1 : i32
      %dma_wait3A_267 = arith.constant 1 : i32
      %dma_wait3A_268 = arith.constant 0 : i32
      %dma_wait3A_269 = arith.constant 0 : i32
      %dma_wait3A_270 = tpu.memref_slice %arg9[%dma_wait3A_267, %dma_wait3A_268, %dma_wait3A_269] : memref<3x128x128xf32, #tpu.memory_space<vmem>> -> memref<1x128x128xf32, #tpu.memory_space<vmem>>
      %dma_wait3A_271 = tpu.memref_squeeze %dma_wait3A_270 : memref<1x128x128xf32, #tpu.memory_space<vmem>> -> memref<128x128xf32, #tpu.memory_space<vmem>>
      %dma_wait3A_272 = arith.constant 0 : i32
      %dma_wait3A_273 = tpu.memref_slice %arg7[%dma_wait3A_266, %dma_wait3A_272] : memref<3x128xi32, #tpu.memory_space<vmem>> -> memref<1x128xi32, #tpu.memory_space<vmem>>
      %dma_wait3A_274 = tpu.memref_squeeze %dma_wait3A_273 : memref<1x128xi32, #tpu.memory_space<vmem>> -> memref<128xi32, #tpu.memory_space<vmem>>
      %dma_wait3A_275 = arith.constant 0 : i32
      %dma_wait3A_276 = arith.constant 0 : i32
      %dma_wait3A_277 = tpu.memref_slice %arg3[%dma_wait3A_275, %dma_wait3A_276] : memref<10000x128xf32, #tpu.memory_space<hbm>> -> memref<10000x128xf32, #tpu.memory_space<hbm>>
      tpu.wait_indirect_dma semaphore(%arg14 : memref<!tpu.dma_semaphore, #tpu.memory_space<semaphore_mem>>) src(%dma_wait3A_277 : memref<10000x128xf32, #tpu.memory_space<hbm>>) dst(%dma_wait3A_271 : memref<128x128xf32, #tpu.memory_space<vmem>>)
      %run_scoped3A_278 = arith.constant 1 : i32
      %run_scoped3A_279 = arith.constant 1 : i32
      "tpu.region"() ({
        %run_scoped3A_316 = tpu.sem_alloc : memref<!tpu.dma_semaphore, #tpu.memory_space<semaphore_mem>>
        %dma_start3A_317 = arith.constant 0 : i32
        %dma_start3A_318 = arith.constant 0 : i32
        %dma_start3A_319 = tpu.memref_slice %arg9[%run_scoped3A_278, %dma_start3A_317, %dma_start3A_318] : memref<3x128x128xf32, #tpu.memory_space<vmem>> -> memref<1x128x128xf32, #tpu.memory_space<vmem>>
        %dma_start3A_320 = tpu.memref_squeeze %dma_start3A_319 : memref<1x128x128xf32, #tpu.memory_space<vmem>> -> memref<128x128xf32, #tpu.memory_space<vmem>>
        %dma_start3A_321 = arith.constant 0 : i32
        %dma_start3A_322 = tpu.memref_slice %arg8[%run_scoped3A_279, %dma_start3A_321] : memref<3x128xi32, #tpu.memory_space<vmem>> -> memref<1x128xi32, #tpu.memory_space<vmem>>
        %dma_start3A_323 = tpu.memref_squeeze %dma_start3A_322 : memref<1x128xi32, #tpu.memory_space<vmem>> -> memref<128xi32, #tpu.memory_space<vmem>>
        %dma_start3A_324 = arith.constant 0 : i32
        %dma_start3A_325 = arith.constant 0 : i32
        %dma_start3A_326 = tpu.memref_slice %arg6[%dma_start3A_324, %dma_start3A_325] : memref<10112x128xf32, #tpu.memory_space<vmem_shared>> -> memref<10112x128xf32, #tpu.memory_space<vmem_shared>>
        tpu.enqueue_indirect_dma source(%dma_start3A_320 : memref<128x128xf32, #tpu.memory_space<vmem>>) target(%dma_start3A_326 : memref<10112x128xf32, #tpu.memory_space<vmem_shared>>) offsets(%dma_start3A_323 : memref<128xi32, #tpu.memory_space<vmem>>) semaphore(%run_scoped3A_316 : memref<!tpu.dma_semaphore, #tpu.memory_space<semaphore_mem>>) {add = true}
        %dma_wait3A_327 = arith.constant 0 : i32
        %dma_wait3A_328 = arith.constant 0 : i32
        %dma_wait3A_329 = tpu.memref_slice %arg9[%run_scoped3A_278, %dma_wait3A_327, %dma_wait3A_328] : memref<3x128x128xf32, #tpu.memory_space<vmem>> -> memref<1x128x128xf32, #tpu.memory_space<vmem>>
        %dma_wait3A_330 = tpu.memref_squeeze %dma_wait3A_329 : memref<1x128x128xf32, #tpu.memory_space<vmem>> -> memref<128x128xf32, #tpu.memory_space<vmem>>
        %dma_wait3A_331 = arith.constant 0 : i32
        %dma_wait3A_332 = tpu.memref_slice %arg8[%run_scoped3A_279, %dma_wait3A_331] : memref<3x128xi32, #tpu.memory_space<vmem>> -> memref<1x128xi32, #tpu.memory_space<vmem>>
        %dma_wait3A_333 = tpu.memref_squeeze %dma_wait3A_332 : memref<1x128xi32, #tpu.memory_space<vmem>> -> memref<128xi32, #tpu.memory_space<vmem>>
        %dma_wait3A_334 = arith.constant 0 : i32
        %dma_wait3A_335 = arith.constant 0 : i32
        %dma_wait3A_336 = tpu.memref_slice %arg6[%dma_wait3A_334, %dma_wait3A_335] : memref<10112x128xf32, #tpu.memory_space<vmem_shared>> -> memref<10112x128xf32, #tpu.memory_space<vmem_shared>>
        tpu.wait_indirect_dma semaphore(%run_scoped3A_316 : memref<!tpu.dma_semaphore, #tpu.memory_space<semaphore_mem>>) src(%dma_wait3A_330 : memref<128x128xf32, #tpu.memory_space<vmem>>) dst(%dma_wait3A_336 : memref<10112x128xf32, #tpu.memory_space<vmem_shared>>)
        tpu.yield
      }) : () -> ()
      %add3A_280 = arith.constant 3 : i32
      %add3A_281 = arith.addi %add3A_259, %add3A_280 : i32
      %lt3A_282 = arith.cmpi slt, %add3A_281, %add3A_8 : i32
      %convert_element_type3A_283 = arith.extui %lt3A_282 : i1 to i32
      %cond3A_284 = arith.constant 0 : i32
      %cond3A_285 = arith.cmpi ne, %convert_element_type3A_283, %cond3A_284 : i32
      scf.if %cond3A_285 {
        %add3A_316 = arith.constant 3 : i32
        %add3A_317 = arith.addi %add3A_259, %add3A_316 : i32
        %add3A_318 = arith.addi %add3A_4, %add3A_317 : i32
        %dma_start3A_319 = arith.constant 0 : i32
        %dma_start3A_320 = arith.constant 1 : i32
        %dma_start3A_321 = arith.constant 0 : i32
        %dma_start3A_322 = tpu.memref_slice %arg7[%dma_start3A_320, %dma_start3A_321] : memref<3x128xi32, #tpu.memory_space<vmem>> -> memref<1x128xi32, #tpu.memory_space<vmem>>
        %dma_start3A_323 = tpu.memref_squeeze %dma_start3A_322 : memref<1x128xi32, #tpu.memory_space<vmem>> -> memref<128xi32, #tpu.memory_space<vmem>>
        %dma_start3A_324 = arith.constant 0 : i32
        %dma_start3A_325 = arith.constant 0 : i32
        %dma_start3A_326 = tpu.memref_slice %arg2[%dma_start3A_319, %dma_start3A_324, %dma_start3A_325] : memref<2x2500x128xi32, #tpu.memory_space<hbm>> -> memref<1x2500x128xi32, #tpu.memory_space<hbm>>
        %dma_start3A_327 = tpu.memref_squeeze %dma_start3A_326 : memref<1x2500x128xi32, #tpu.memory_space<hbm>> -> memref<2500x128xi32, #tpu.memory_space<hbm>>
        %dma_start3A_328 = arith.constant 0 : i32
        %dma_start3A_329 = tpu.memref_slice %dma_start3A_327[%add3A_318, %dma_start3A_328] : memref<2500x128xi32, #tpu.memory_space<hbm>> -> memref<1x128xi32, #tpu.memory_space<hbm>>
        %dma_start3A_330 = tpu.memref_squeeze %dma_start3A_329 : memref<1x128xi32, #tpu.memory_space<hbm>> -> memref<128xi32, #tpu.memory_space<hbm>>
        %dma_start3A_331 = arith.constant 0 : i32
        %dma_start3A_332 = tpu.memref_slice %arg7[%dma_start3A_320, %dma_start3A_331] : memref<3x128xi32, #tpu.memory_space<vmem>> -> memref<1x128xi32, #tpu.memory_space<vmem>>
        %dma_start3A_333 = tpu.memref_squeeze %dma_start3A_332 : memref<1x128xi32, #tpu.memory_space<vmem>> -> memref<128xi32, #tpu.memory_space<vmem>>
        %dma_start3A_334 = arith.constant 0 : i32
        %dma_start3A_335 = arith.constant 0 : i32
        %dma_start3A_336 = tpu.memref_slice %arg2[%dma_start3A_319, %dma_start3A_334, %dma_start3A_335] : memref<2x2500x128xi32, #tpu.memory_space<hbm>> -> memref<1x2500x128xi32, #tpu.memory_space<hbm>>
        %dma_start3A_337 = tpu.memref_squeeze %dma_start3A_336 : memref<1x2500x128xi32, #tpu.memory_space<hbm>> -> memref<2500x128xi32, #tpu.memory_space<hbm>>
        %dma_start3A_338 = arith.constant 0 : i32
        %dma_start3A_339 = tpu.memref_slice %dma_start3A_337[%add3A_318, %dma_start3A_338] : memref<2500x128xi32, #tpu.memory_space<hbm>> -> memref<1x128xi32, #tpu.memory_space<hbm>>
        %dma_start3A_340 = tpu.memref_squeeze %dma_start3A_339 : memref<1x128xi32, #tpu.memory_space<hbm>> -> memref<128xi32, #tpu.memory_space<hbm>>
        tpu.enqueue_dma source(%dma_start3A_340 : memref<128xi32, #tpu.memory_space<hbm>>) target(%dma_start3A_333 : memref<128xi32, #tpu.memory_space<vmem>>) target_semaphore(%arg11 : memref<!tpu.dma_semaphore, #tpu.memory_space<semaphore_mem>>)
        %add3A_341 = arith.addi %add3A_4, %add3A_317 : i32
        %dma_start3A_342 = arith.constant 1 : i32
        %dma_start3A_343 = arith.constant 1 : i32
        %dma_start3A_344 = arith.constant 0 : i32
        %dma_start3A_345 = tpu.memref_slice %arg8[%dma_start3A_343, %dma_start3A_344] : memref<3x128xi32, #tpu.memory_space<vmem>> -> memref<1x128xi32, #tpu.memory_space<vmem>>
        %dma_start3A_346 = tpu.memref_squeeze %dma_start3A_345 : memref<1x128xi32, #tpu.memory_space<vmem>> -> memref<128xi32, #tpu.memory_space<vmem>>
        %dma_start3A_347 = arith.constant 0 : i32
        %dma_start3A_348 = arith.constant 0 : i32
        %dma_start3A_349 = tpu.memref_slice %arg2[%dma_start3A_342, %dma_start3A_347, %dma_start3A_348] : memref<2x2500x128xi32, #tpu.memory_space<hbm>> -> memref<1x2500x128xi32, #tpu.memory_space<hbm>>
        %dma_start3A_350 = tpu.memref_squeeze %dma_start3A_349 : memref<1x2500x128xi32, #tpu.memory_space<hbm>> -> memref<2500x128xi32, #tpu.memory_space<hbm>>
        %dma_start3A_351 = arith.constant 0 : i32
        %dma_start3A_352 = tpu.memref_slice %dma_start3A_350[%add3A_341, %dma_start3A_351] : memref<2500x128xi32, #tpu.memory_space<hbm>> -> memref<1x128xi32, #tpu.memory_space<hbm>>
        %dma_start3A_353 = tpu.memref_squeeze %dma_start3A_352 : memref<1x128xi32, #tpu.memory_space<hbm>> -> memref<128xi32, #tpu.memory_space<hbm>>
        %dma_start3A_354 = arith.constant 0 : i32
        %dma_start3A_355 = tpu.memref_slice %arg8[%dma_start3A_343, %dma_start3A_354] : memref<3x128xi32, #tpu.memory_space<vmem>> -> memref<1x128xi32, #tpu.memory_space<vmem>>
        %dma_start3A_356 = tpu.memref_squeeze %dma_start3A_355 : memref<1x128xi32, #tpu.memory_space<vmem>> -> memref<128xi32, #tpu.memory_space<vmem>>
        %dma_start3A_357 = arith.constant 0 : i32
        %dma_start3A_358 = arith.constant 0 : i32
        %dma_start3A_359 = tpu.memref_slice %arg2[%dma_start3A_342, %dma_start3A_357, %dma_start3A_358] : memref<2x2500x128xi32, #tpu.memory_space<hbm>> -> memref<1x2500x128xi32, #tpu.memory_space<hbm>>
        %dma_start3A_360 = tpu.memref_squeeze %dma_start3A_359 : memref<1x2500x128xi32, #tpu.memory_space<hbm>> -> memref<2500x128xi32, #tpu.memory_space<hbm>>
        %dma_start3A_361 = arith.constant 0 : i32
        %dma_start3A_362 = tpu.memref_slice %dma_start3A_360[%add3A_341, %dma_start3A_361] : memref<2500x128xi32, #tpu.memory_space<hbm>> -> memref<1x128xi32, #tpu.memory_space<hbm>>
        %dma_start3A_363 = tpu.memref_squeeze %dma_start3A_362 : memref<1x128xi32, #tpu.memory_space<hbm>> -> memref<128xi32, #tpu.memory_space<hbm>>
        tpu.enqueue_dma source(%dma_start3A_363 : memref<128xi32, #tpu.memory_space<hbm>>) target(%dma_start3A_356 : memref<128xi32, #tpu.memory_space<vmem>>) target_semaphore(%arg11 : memref<!tpu.dma_semaphore, #tpu.memory_space<semaphore_mem>>)
      } else {
      }
      %mul3A_286 = arith.constant 3 : i32
      %mul3A_287 = arith.muli %scan3A_226, %mul3A_286 : i32
      %add3A_288 = arith.constant 2 : i32
      %add3A_289 = arith.addi %mul3A_287, %add3A_288 : i32
      %add3A_290 = arith.constant 1 : i32
      %add3A_291 = arith.addi %add3A_289, %add3A_290 : i32
      %lt3A_292 = arith.cmpi slt, %add3A_291, %add3A_8 : i32
      %convert_element_type3A_293 = arith.extui %lt3A_292 : i1 to i32
      %cond3A_294 = arith.constant 0 : i32
      %cond3A_295 = arith.cmpi ne, %convert_element_type3A_293, %cond3A_294 : i32
      scf.if %cond3A_295 {
        %add3A_316 = arith.constant 1 : i32
        %add3A_317 = arith.addi %add3A_289, %add3A_316 : i32
        %add3A_318 = arith.addi %add3A_4, %add3A_317 : i32
        %dma_wait3A_319 = arith.constant 0 : i32
        %dma_wait3A_320 = arith.constant 0 : i32
        %dma_wait3A_321 = arith.constant 0 : i32
        %dma_wait3A_322 = tpu.memref_slice %arg7[%dma_wait3A_320, %dma_wait3A_321] : memref<3x128xi32, #tpu.memory_space<vmem>> -> memref<1x128xi32, #tpu.memory_space<vmem>>
        %dma_wait3A_323 = tpu.memref_squeeze %dma_wait3A_322 : memref<1x128xi32, #tpu.memory_space<vmem>> -> memref<128xi32, #tpu.memory_space<vmem>>
        %dma_wait3A_324 = arith.constant 0 : i32
        %dma_wait3A_325 = arith.constant 0 : i32
        %dma_wait3A_326 = tpu.memref_slice %arg2[%dma_wait3A_319, %dma_wait3A_324, %dma_wait3A_325] : memref<2x2500x128xi32, #tpu.memory_space<hbm>> -> memref<1x2500x128xi32, #tpu.memory_space<hbm>>
        %dma_wait3A_327 = tpu.memref_squeeze %dma_wait3A_326 : memref<1x2500x128xi32, #tpu.memory_space<hbm>> -> memref<2500x128xi32, #tpu.memory_space<hbm>>
        %dma_wait3A_328 = arith.constant 0 : i32
        %dma_wait3A_329 = tpu.memref_slice %dma_wait3A_327[%add3A_318, %dma_wait3A_328] : memref<2500x128xi32, #tpu.memory_space<hbm>> -> memref<1x128xi32, #tpu.memory_space<hbm>>
        %dma_wait3A_330 = tpu.memref_squeeze %dma_wait3A_329 : memref<1x128xi32, #tpu.memory_space<hbm>> -> memref<128xi32, #tpu.memory_space<hbm>>
        %dma_wait3A_331 = arith.constant 0 : i32
        %dma_wait3A_332 = tpu.memref_slice %arg7[%dma_wait3A_320, %dma_wait3A_331] : memref<3x128xi32, #tpu.memory_space<vmem>> -> memref<1x128xi32, #tpu.memory_space<vmem>>
        %dma_wait3A_333 = tpu.memref_squeeze %dma_wait3A_332 : memref<1x128xi32, #tpu.memory_space<vmem>> -> memref<128xi32, #tpu.memory_space<vmem>>
        %dma_wait3A_334 = arith.constant 0 : i32
        %dma_wait3A_335 = arith.constant 0 : i32
        %dma_wait3A_336 = tpu.memref_slice %arg2[%dma_wait3A_319, %dma_wait3A_334, %dma_wait3A_335] : memref<2x2500x128xi32, #tpu.memory_space<hbm>> -> memref<1x2500x128xi32, #tpu.memory_space<hbm>>
        %dma_wait3A_337 = tpu.memref_squeeze %dma_wait3A_336 : memref<1x2500x128xi32, #tpu.memory_space<hbm>> -> memref<2500x128xi32, #tpu.memory_space<hbm>>
        %dma_wait3A_338 = arith.constant 0 : i32
        %dma_wait3A_339 = tpu.memref_slice %dma_wait3A_337[%add3A_318, %dma_wait3A_338] : memref<2500x128xi32, #tpu.memory_space<hbm>> -> memref<1x128xi32, #tpu.memory_space<hbm>>
        %dma_wait3A_340 = tpu.memref_squeeze %dma_wait3A_339 : memref<1x128xi32, #tpu.memory_space<hbm>> -> memref<128xi32, #tpu.memory_space<hbm>>
        tpu.wait_dma2 semaphore(%arg10 : memref<!tpu.dma_semaphore, #tpu.memory_space<semaphore_mem>>) src(%dma_wait3A_340 : memref<128xi32, #tpu.memory_space<hbm>>) dst(%dma_wait3A_333 : memref<128xi32, #tpu.memory_space<vmem>>)
        %add3A_341 = arith.addi %add3A_4, %add3A_317 : i32
        %dma_wait3A_342 = arith.constant 1 : i32
        %dma_wait3A_343 = arith.constant 0 : i32
        %dma_wait3A_344 = arith.constant 0 : i32
        %dma_wait3A_345 = tpu.memref_slice %arg8[%dma_wait3A_343, %dma_wait3A_344] : memref<3x128xi32, #tpu.memory_space<vmem>> -> memref<1x128xi32, #tpu.memory_space<vmem>>
        %dma_wait3A_346 = tpu.memref_squeeze %dma_wait3A_345 : memref<1x128xi32, #tpu.memory_space<vmem>> -> memref<128xi32, #tpu.memory_space<vmem>>
        %dma_wait3A_347 = arith.constant 0 : i32
        %dma_wait3A_348 = arith.constant 0 : i32
        %dma_wait3A_349 = tpu.memref_slice %arg2[%dma_wait3A_342, %dma_wait3A_347, %dma_wait3A_348] : memref<2x2500x128xi32, #tpu.memory_space<hbm>> -> memref<1x2500x128xi32, #tpu.memory_space<hbm>>
        %dma_wait3A_350 = tpu.memref_squeeze %dma_wait3A_349 : memref<1x2500x128xi32, #tpu.memory_space<hbm>> -> memref<2500x128xi32, #tpu.memory_space<hbm>>
        %dma_wait3A_351 = arith.constant 0 : i32
        %dma_wait3A_352 = tpu.memref_slice %dma_wait3A_350[%add3A_341, %dma_wait3A_351] : memref<2500x128xi32, #tpu.memory_space<hbm>> -> memref<1x128xi32, #tpu.memory_space<hbm>>
        %dma_wait3A_353 = tpu.memref_squeeze %dma_wait3A_352 : memref<1x128xi32, #tpu.memory_space<hbm>> -> memref<128xi32, #tpu.memory_space<hbm>>
        %dma_wait3A_354 = arith.constant 0 : i32
        %dma_wait3A_355 = tpu.memref_slice %arg8[%dma_wait3A_343, %dma_wait3A_354] : memref<3x128xi32, #tpu.memory_space<vmem>> -> memref<1x128xi32, #tpu.memory_space<vmem>>
        %dma_wait3A_356 = tpu.memref_squeeze %dma_wait3A_355 : memref<1x128xi32, #tpu.memory_space<vmem>> -> memref<128xi32, #tpu.memory_space<vmem>>
        %dma_wait3A_357 = arith.constant 0 : i32
        %dma_wait3A_358 = arith.constant 0 : i32
        %dma_wait3A_359 = tpu.memref_slice %arg2[%dma_wait3A_342, %dma_wait3A_357, %dma_wait3A_358] : memref<2x2500x128xi32, #tpu.memory_space<hbm>> -> memref<1x2500x128xi32, #tpu.memory_space<hbm>>
        %dma_wait3A_360 = tpu.memref_squeeze %dma_wait3A_359 : memref<1x2500x128xi32, #tpu.memory_space<hbm>> -> memref<2500x128xi32, #tpu.memory_space<hbm>>
        %dma_wait3A_361 = arith.constant 0 : i32
        %dma_wait3A_362 = tpu.memref_slice %dma_wait3A_360[%add3A_341, %dma_wait3A_361] : memref<2500x128xi32, #tpu.memory_space<hbm>> -> memref<1x128xi32, #tpu.memory_space<hbm>>
        %dma_wait3A_363 = tpu.memref_squeeze %dma_wait3A_362 : memref<1x128xi32, #tpu.memory_space<hbm>> -> memref<128xi32, #tpu.memory_space<hbm>>
        tpu.wait_dma2 semaphore(%arg10 : memref<!tpu.dma_semaphore, #tpu.memory_space<semaphore_mem>>) src(%dma_wait3A_363 : memref<128xi32, #tpu.memory_space<hbm>>) dst(%dma_wait3A_356 : memref<128xi32, #tpu.memory_space<vmem>>)
        %dma_start3A_364 = arith.constant 0 : i32
        %dma_start3A_365 = arith.constant 0 : i32
        %dma_start3A_366 = arith.constant 0 : i32
        %dma_start3A_367 = arith.constant 0 : i32
        %dma_start3A_368 = tpu.memref_slice %arg9[%dma_start3A_365, %dma_start3A_366, %dma_start3A_367] : memref<3x128x128xf32, #tpu.memory_space<vmem>> -> memref<1x128x128xf32, #tpu.memory_space<vmem>>
        %dma_start3A_369 = tpu.memref_squeeze %dma_start3A_368 : memref<1x128x128xf32, #tpu.memory_space<vmem>> -> memref<128x128xf32, #tpu.memory_space<vmem>>
        %dma_start3A_370 = arith.constant 0 : i32
        %dma_start3A_371 = tpu.memref_slice %arg7[%dma_start3A_364, %dma_start3A_370] : memref<3x128xi32, #tpu.memory_space<vmem>> -> memref<1x128xi32, #tpu.memory_space<vmem>>
        %dma_start3A_372 = tpu.memref_squeeze %dma_start3A_371 : memref<1x128xi32, #tpu.memory_space<vmem>> -> memref<128xi32, #tpu.memory_space<vmem>>
        %dma_start3A_373 = arith.constant 0 : i32
        %dma_start3A_374 = arith.constant 0 : i32
        %dma_start3A_375 = tpu.memref_slice %arg3[%dma_start3A_373, %dma_start3A_374] : memref<10000x128xf32, #tpu.memory_space<hbm>> -> memref<10000x128xf32, #tpu.memory_space<hbm>>
        tpu.enqueue_indirect_dma source(%dma_start3A_375 : memref<10000x128xf32, #tpu.memory_space<hbm>>) target(%dma_start3A_369 : memref<128x128xf32, #tpu.memory_space<vmem>>) offsets(%dma_start3A_372 : memref<128xi32, #tpu.memory_space<vmem>>) semaphore(%arg13 : memref<!tpu.dma_semaphore, #tpu.memory_space<semaphore_mem>>)
      } else {
      }
      %dma_wait3A_296 = arith.constant 2 : i32
      %dma_wait3A_297 = arith.constant 2 : i32
      %dma_wait3A_298 = arith.constant 0 : i32
      %dma_wait3A_299 = arith.constant 0 : i32
      %dma_wait3A_300 = tpu.memref_slice %arg9[%dma_wait3A_297, %dma_wait3A_298, %dma_wait3A_299] : memref<3x128x128xf32, #tpu.memory_space<vmem>> -> memref<1x128x128xf32, #tpu.memory_space<vmem>>
      %dma_wait3A_301 = tpu.memref_squeeze %dma_wait3A_300 : memref<1x128x128xf32, #tpu.memory_space<vmem>> -> memref<128x128xf32, #tpu.memory_space<vmem>>
      %dma_wait3A_302 = arith.constant 0 : i32
      %dma_wait3A_303 = tpu.memref_slice %arg7[%dma_wait3A_296, %dma_wait3A_302] : memref<3x128xi32, #tpu.memory_space<vmem>> -> memref<1x128xi32, #tpu.memory_space<vmem>>
      %dma_wait3A_304 = tpu.memref_squeeze %dma_wait3A_303 : memref<1x128xi32, #tpu.memory_space<vmem>> -> memref<128xi32, #tpu.memory_space<vmem>>
      %dma_wait3A_305 = arith.constant 0 : i32
      %dma_wait3A_306 = arith.constant 0 : i32
      %dma_wait3A_307 = tpu.memref_slice %arg3[%dma_wait3A_305, %dma_wait3A_306] : memref<10000x128xf32, #tpu.memory_space<hbm>> -> memref<10000x128xf32, #tpu.memory_space<hbm>>
      tpu.wait_indirect_dma semaphore(%arg15 : memref<!tpu.dma_semaphore, #tpu.memory_space<semaphore_mem>>) src(%dma_wait3A_307 : memref<10000x128xf32, #tpu.memory_space<hbm>>) dst(%dma_wait3A_301 : memref<128x128xf32, #tpu.memory_space<vmem>>)
      %run_scoped3A_308 = arith.constant 2 : i32
      %run_scoped3A_309 = arith.constant 2 : i32
      "tpu.region"() ({
        %run_scoped3A_316 = tpu.sem_alloc : memref<!tpu.dma_semaphore, #tpu.memory_space<semaphore_mem>>
        %dma_start3A_317 = arith.constant 0 : i32
        %dma_start3A_318 = arith.constant 0 : i32
        %dma_start3A_319 = tpu.memref_slice %arg9[%run_scoped3A_308, %dma_start3A_317, %dma_start3A_318] : memref<3x128x128xf32, #tpu.memory_space<vmem>> -> memref<1x128x128xf32, #tpu.memory_space<vmem>>
        %dma_start3A_320 = tpu.memref_squeeze %dma_start3A_319 : memref<1x128x128xf32, #tpu.memory_space<vmem>> -> memref<128x128xf32, #tpu.memory_space<vmem>>
        %dma_start3A_321 = arith.constant 0 : i32
        %dma_start3A_322 = tpu.memref_slice %arg8[%run_scoped3A_309, %dma_start3A_321] : memref<3x128xi32, #tpu.memory_space<vmem>> -> memref<1x128xi32, #tpu.memory_space<vmem>>
        %dma_start3A_323 = tpu.memref_squeeze %dma_start3A_322 : memref<1x128xi32, #tpu.memory_space<vmem>> -> memref<128xi32, #tpu.memory_space<vmem>>
        %dma_start3A_324 = arith.constant 0 : i32
        %dma_start3A_325 = arith.constant 0 : i32
        %dma_start3A_326 = tpu.memref_slice %arg6[%dma_start3A_324, %dma_start3A_325] : memref<10112x128xf32, #tpu.memory_space<vmem_shared>> -> memref<10112x128xf32, #tpu.memory_space<vmem_shared>>
        tpu.enqueue_indirect_dma source(%dma_start3A_320 : memref<128x128xf32, #tpu.memory_space<vmem>>) target(%dma_start3A_326 : memref<10112x128xf32, #tpu.memory_space<vmem_shared>>) offsets(%dma_start3A_323 : memref<128xi32, #tpu.memory_space<vmem>>) semaphore(%run_scoped3A_316 : memref<!tpu.dma_semaphore, #tpu.memory_space<semaphore_mem>>) {add = true}
        %dma_wait3A_327 = arith.constant 0 : i32
        %dma_wait3A_328 = arith.constant 0 : i32
        %dma_wait3A_329 = tpu.memref_slice %arg9[%run_scoped3A_308, %dma_wait3A_327, %dma_wait3A_328] : memref<3x128x128xf32, #tpu.memory_space<vmem>> -> memref<1x128x128xf32, #tpu.memory_space<vmem>>
        %dma_wait3A_330 = tpu.memref_squeeze %dma_wait3A_329 : memref<1x128x128xf32, #tpu.memory_space<vmem>> -> memref<128x128xf32, #tpu.memory_space<vmem>>
        %dma_wait3A_331 = arith.constant 0 : i32
        %dma_wait3A_332 = tpu.memref_slice %arg8[%run_scoped3A_309, %dma_wait3A_331] : memref<3x128xi32, #tpu.memory_space<vmem>> -> memref<1x128xi32, #tpu.memory_space<vmem>>
        %dma_wait3A_333 = tpu.memref_squeeze %dma_wait3A_332 : memref<1x128xi32, #tpu.memory_space<vmem>> -> memref<128xi32, #tpu.memory_space<vmem>>
        %dma_wait3A_334 = arith.constant 0 : i32
        %dma_wait3A_335 = arith.constant 0 : i32
        %dma_wait3A_336 = tpu.memref_slice %arg6[%dma_wait3A_334, %dma_wait3A_335] : memref<10112x128xf32, #tpu.memory_space<vmem_shared>> -> memref<10112x128xf32, #tpu.memory_space<vmem_shared>>
        tpu.wait_indirect_dma semaphore(%run_scoped3A_316 : memref<!tpu.dma_semaphore, #tpu.memory_space<semaphore_mem>>) src(%dma_wait3A_330 : memref<128x128xf32, #tpu.memory_space<vmem>>) dst(%dma_wait3A_336 : memref<10112x128xf32, #tpu.memory_space<vmem_shared>>)
        tpu.yield
      }) : () -> ()
      %add3A_310 = arith.constant 3 : i32
      %add3A_311 = arith.addi %add3A_289, %add3A_310 : i32
      %lt3A_312 = arith.cmpi slt, %add3A_311, %add3A_8 : i32
      %convert_element_type3A_313 = arith.extui %lt3A_312 : i1 to i32
      %cond3A_314 = arith.constant 0 : i32
      %cond3A_315 = arith.cmpi ne, %convert_element_type3A_313, %cond3A_314 : i32
      scf.if %cond3A_315 {
        %add3A_316 = arith.constant 3 : i32
        %add3A_317 = arith.addi %add3A_289, %add3A_316 : i32
        %add3A_318 = arith.addi %add3A_4, %add3A_317 : i32
        %dma_start3A_319 = arith.constant 0 : i32
        %dma_start3A_320 = arith.constant 2 : i32
        %dma_start3A_321 = arith.constant 0 : i32
        %dma_start3A_322 = tpu.memref_slice %arg7[%dma_start3A_320, %dma_start3A_321] : memref<3x128xi32, #tpu.memory_space<vmem>> -> memref<1x128xi32, #tpu.memory_space<vmem>>
        %dma_start3A_323 = tpu.memref_squeeze %dma_start3A_322 : memref<1x128xi32, #tpu.memory_space<vmem>> -> memref<128xi32, #tpu.memory_space<vmem>>
        %dma_start3A_324 = arith.constant 0 : i32
        %dma_start3A_325 = arith.constant 0 : i32
        %dma_start3A_326 = tpu.memref_slice %arg2[%dma_start3A_319, %dma_start3A_324, %dma_start3A_325] : memref<2x2500x128xi32, #tpu.memory_space<hbm>> -> memref<1x2500x128xi32, #tpu.memory_space<hbm>>
        %dma_start3A_327 = tpu.memref_squeeze %dma_start3A_326 : memref<1x2500x128xi32, #tpu.memory_space<hbm>> -> memref<2500x128xi32, #tpu.memory_space<hbm>>
        %dma_start3A_328 = arith.constant 0 : i32
        %dma_start3A_329 = tpu.memref_slice %dma_start3A_327[%add3A_318, %dma_start3A_328] : memref<2500x128xi32, #tpu.memory_space<hbm>> -> memref<1x128xi32, #tpu.memory_space<hbm>>
        %dma_start3A_330 = tpu.memref_squeeze %dma_start3A_329 : memref<1x128xi32, #tpu.memory_space<hbm>> -> memref<128xi32, #tpu.memory_space<hbm>>
        %dma_start3A_331 = arith.constant 0 : i32
        %dma_start3A_332 = tpu.memref_slice %arg7[%dma_start3A_320, %dma_start3A_331] : memref<3x128xi32, #tpu.memory_space<vmem>> -> memref<1x128xi32, #tpu.memory_space<vmem>>
        %dma_start3A_333 = tpu.memref_squeeze %dma_start3A_332 : memref<1x128xi32, #tpu.memory_space<vmem>> -> memref<128xi32, #tpu.memory_space<vmem>>
        %dma_start3A_334 = arith.constant 0 : i32
        %dma_start3A_335 = arith.constant 0 : i32
        %dma_start3A_336 = tpu.memref_slice %arg2[%dma_start3A_319, %dma_start3A_334, %dma_start3A_335] : memref<2x2500x128xi32, #tpu.memory_space<hbm>> -> memref<1x2500x128xi32, #tpu.memory_space<hbm>>
        %dma_start3A_337 = tpu.memref_squeeze %dma_start3A_336 : memref<1x2500x128xi32, #tpu.memory_space<hbm>> -> memref<2500x128xi32, #tpu.memory_space<hbm>>
        %dma_start3A_338 = arith.constant 0 : i32
        %dma_start3A_339 = tpu.memref_slice %dma_start3A_337[%add3A_318, %dma_start3A_338] : memref<2500x128xi32, #tpu.memory_space<hbm>> -> memref<1x128xi32, #tpu.memory_space<hbm>>
        %dma_start3A_340 = tpu.memref_squeeze %dma_start3A_339 : memref<1x128xi32, #tpu.memory_space<hbm>> -> memref<128xi32, #tpu.memory_space<hbm>>
        tpu.enqueue_dma source(%dma_start3A_340 : memref<128xi32, #tpu.memory_space<hbm>>) target(%dma_start3A_333 : memref<128xi32, #tpu.memory_space<vmem>>) target_semaphore(%arg12 : memref<!tpu.dma_semaphore, #tpu.memory_space<semaphore_mem>>)
        %add3A_341 = arith.addi %add3A_4, %add3A_317 : i32
        %dma_start3A_342 = arith.constant 1 : i32
        %dma_start3A_343 = arith.constant 2 : i32
        %dma_start3A_344 = arith.constant 0 : i32
        %dma_start3A_345 = tpu.memref_slice %arg8[%dma_start3A_343, %dma_start3A_344] : memref<3x128xi32, #tpu.memory_space<vmem>> -> memref<1x128xi32, #tpu.memory_space<vmem>>
        %dma_start3A_346 = tpu.memref_squeeze %dma_start3A_345 : memref<1x128xi32, #tpu.memory_space<vmem>> -> memref<128xi32, #tpu.memory_space<vmem>>
        %dma_start3A_347 = arith.constant 0 : i32
        %dma_start3A_348 = arith.constant 0 : i32
        %dma_start3A_349 = tpu.memref_slice %arg2[%dma_start3A_342, %dma_start3A_347, %dma_start3A_348] : memref<2x2500x128xi32, #tpu.memory_space<hbm>> -> memref<1x2500x128xi32, #tpu.memory_space<hbm>>
        %dma_start3A_350 = tpu.memref_squeeze %dma_start3A_349 : memref<1x2500x128xi32, #tpu.memory_space<hbm>> -> memref<2500x128xi32, #tpu.memory_space<hbm>>
        %dma_start3A_351 = arith.constant 0 : i32
        %dma_start3A_352 = tpu.memref_slice %dma_start3A_350[%add3A_341, %dma_start3A_351] : memref<2500x128xi32, #tpu.memory_space<hbm>> -> memref<1x128xi32, #tpu.memory_space<hbm>>
        %dma_start3A_353 = tpu.memref_squeeze %dma_start3A_352 : memref<1x128xi32, #tpu.memory_space<hbm>> -> memref<128xi32, #tpu.memory_space<hbm>>
        %dma_start3A_354 = arith.constant 0 : i32
        %dma_start3A_355 = tpu.memref_slice %arg8[%dma_start3A_343, %dma_start3A_354] : memref<3x128xi32, #tpu.memory_space<vmem>> -> memref<1x128xi32, #tpu.memory_space<vmem>>
        %dma_start3A_356 = tpu.memref_squeeze %dma_start3A_355 : memref<1x128xi32, #tpu.memory_space<vmem>> -> memref<128xi32, #tpu.memory_space<vmem>>
        %dma_start3A_357 = arith.constant 0 : i32
        %dma_start3A_358 = arith.constant 0 : i32
        %dma_start3A_359 = tpu.memref_slice %arg2[%dma_start3A_342, %dma_start3A_357, %dma_start3A_358] : memref<2x2500x128xi32, #tpu.memory_space<hbm>> -> memref<1x2500x128xi32, #tpu.memory_space<hbm>>
        %dma_start3A_360 = tpu.memref_squeeze %dma_start3A_359 : memref<1x2500x128xi32, #tpu.memory_space<hbm>> -> memref<2500x128xi32, #tpu.memory_space<hbm>>
        %dma_start3A_361 = arith.constant 0 : i32
        %dma_start3A_362 = tpu.memref_slice %dma_start3A_360[%add3A_341, %dma_start3A_361] : memref<2500x128xi32, #tpu.memory_space<hbm>> -> memref<1x128xi32, #tpu.memory_space<hbm>>
        %dma_start3A_363 = tpu.memref_squeeze %dma_start3A_362 : memref<1x128xi32, #tpu.memory_space<hbm>> -> memref<128xi32, #tpu.memory_space<hbm>>
        tpu.enqueue_dma source(%dma_start3A_363 : memref<128xi32, #tpu.memory_space<hbm>>) target(%dma_start3A_356 : memref<128xi32, #tpu.memory_space<vmem>>) target_semaphore(%arg12 : memref<!tpu.dma_semaphore, #tpu.memory_space<semaphore_mem>>)
      } else {
      }
    }
    %scan3A_217 = arith.constant 26 : i32
    %lt3A_218 = arith.constant 4 : i32
    %lt3A_219 = arith.cmpi slt, %add3A, %lt3A_218 : i32
    %convert_element_type3A = arith.extui %lt3A_219 : i1 to i32
    %cond3A = arith.constant 0 : i32
    %cond3A_220 = arith.cmpi ne, %convert_element_type3A, %cond3A : i32
    scf.if %cond3A_220 {
      %dma_wait3A_226 = arith.constant 0 : i32
      %dma_wait3A_227 = arith.constant 0 : i32
      %dma_wait3A_228 = arith.constant 0 : i32
      %dma_wait3A_229 = arith.constant 0 : i32
      %dma_wait3A_230 = tpu.memref_slice %arg9[%dma_wait3A_227, %dma_wait3A_228, %dma_wait3A_229] : memref<3x128x128xf32, #tpu.memory_space<vmem>> -> memref<1x128x128xf32, #tpu.memory_space<vmem>>
      %dma_wait3A_231 = tpu.memref_squeeze %dma_wait3A_230 : memref<1x128x128xf32, #tpu.memory_space<vmem>> -> memref<128x128xf32, #tpu.memory_space<vmem>>
      %dma_wait3A_232 = arith.constant 0 : i32
      %dma_wait3A_233 = tpu.memref_slice %arg7[%dma_wait3A_226, %dma_wait3A_232] : memref<3x128xi32, #tpu.memory_space<vmem>> -> memref<1x128xi32, #tpu.memory_space<vmem>>
      %dma_wait3A_234 = tpu.memref_squeeze %dma_wait3A_233 : memref<1x128xi32, #tpu.memory_space<vmem>> -> memref<128xi32, #tpu.memory_space<vmem>>
      %dma_wait3A_235 = arith.constant 0 : i32
      %dma_wait3A_236 = arith.constant 0 : i32
      %dma_wait3A_237 = tpu.memref_slice %arg3[%dma_wait3A_235, %dma_wait3A_236] : memref<10000x128xf32, #tpu.memory_space<hbm>> -> memref<10000x128xf32, #tpu.memory_space<hbm>>
      tpu.wait_indirect_dma semaphore(%arg13 : memref<!tpu.dma_semaphore, #tpu.memory_space<semaphore_mem>>) src(%dma_wait3A_237 : memref<10000x128xf32, #tpu.memory_space<hbm>>) dst(%dma_wait3A_231 : memref<128x128xf32, #tpu.memory_space<vmem>>)
      %run_scoped3A = arith.constant 0 : i32
      %run_scoped3A_238 = arith.constant 0 : i32
      "tpu.region"() ({
        %run_scoped3A_239 = tpu.sem_alloc : memref<!tpu.dma_semaphore, #tpu.memory_space<semaphore_mem>>
        %dma_start3A_240 = arith.constant 0 : i32
        %dma_start3A_241 = arith.constant 0 : i32
        %dma_start3A_242 = tpu.memref_slice %arg9[%run_scoped3A, %dma_start3A_240, %dma_start3A_241] : memref<3x128x128xf32, #tpu.memory_space<vmem>> -> memref<1x128x128xf32, #tpu.memory_space<vmem>>
        %dma_start3A_243 = tpu.memref_squeeze %dma_start3A_242 : memref<1x128x128xf32, #tpu.memory_space<vmem>> -> memref<128x128xf32, #tpu.memory_space<vmem>>
        %dma_start3A_244 = arith.constant 0 : i32
        %dma_start3A_245 = tpu.memref_slice %arg8[%run_scoped3A_238, %dma_start3A_244] : memref<3x128xi32, #tpu.memory_space<vmem>> -> memref<1x128xi32, #tpu.memory_space<vmem>>
        %dma_start3A_246 = tpu.memref_squeeze %dma_start3A_245 : memref<1x128xi32, #tpu.memory_space<vmem>> -> memref<128xi32, #tpu.memory_space<vmem>>
        %dma_start3A_247 = arith.constant 0 : i32
        %dma_start3A_248 = arith.constant 0 : i32
        %dma_start3A_249 = tpu.memref_slice %arg6[%dma_start3A_247, %dma_start3A_248] : memref<10112x128xf32, #tpu.memory_space<vmem_shared>> -> memref<10112x128xf32, #tpu.memory_space<vmem_shared>>
        tpu.enqueue_indirect_dma source(%dma_start3A_243 : memref<128x128xf32, #tpu.memory_space<vmem>>) target(%dma_start3A_249 : memref<10112x128xf32, #tpu.memory_space<vmem_shared>>) offsets(%dma_start3A_246 : memref<128xi32, #tpu.memory_space<vmem>>) semaphore(%run_scoped3A_239 : memref<!tpu.dma_semaphore, #tpu.memory_space<semaphore_mem>>) {add = true}
        %dma_wait3A_250 = arith.constant 0 : i32
        %dma_wait3A_251 = arith.constant 0 : i32
        %dma_wait3A_252 = tpu.memref_slice %arg9[%run_scoped3A, %dma_wait3A_250, %dma_wait3A_251] : memref<3x128x128xf32, #tpu.memory_space<vmem>> -> memref<1x128x128xf32, #tpu.memory_space<vmem>>
        %dma_wait3A_253 = tpu.memref_squeeze %dma_wait3A_252 : memref<1x128x128xf32, #tpu.memory_space<vmem>> -> memref<128x128xf32, #tpu.memory_space<vmem>>
        %dma_wait3A_254 = arith.constant 0 : i32
        %dma_wait3A_255 = tpu.memref_slice %arg8[%run_scoped3A_238, %dma_wait3A_254] : memref<3x128xi32, #tpu.memory_space<vmem>> -> memref<1x128xi32, #tpu.memory_space<vmem>>
        %dma_wait3A_256 = tpu.memref_squeeze %dma_wait3A_255 : memref<1x128xi32, #tpu.memory_space<vmem>> -> memref<128xi32, #tpu.memory_space<vmem>>
        %dma_wait3A_257 = arith.constant 0 : i32
        %dma_wait3A_258 = arith.constant 0 : i32
        %dma_wait3A_259 = tpu.memref_slice %arg6[%dma_wait3A_257, %dma_wait3A_258] : memref<10112x128xf32, #tpu.memory_space<vmem_shared>> -> memref<10112x128xf32, #tpu.memory_space<vmem_shared>>
        tpu.wait_indirect_dma semaphore(%run_scoped3A_239 : memref<!tpu.dma_semaphore, #tpu.memory_space<semaphore_mem>>) src(%dma_wait3A_253 : memref<128x128xf32, #tpu.memory_space<vmem>>) dst(%dma_wait3A_259 : memref<10112x128xf32, #tpu.memory_space<vmem_shared>>)
        tpu.yield
      }) : () -> ()
    } else {
    }
    %barrier3A_221 = arith.constant 0 : index
    tpu.barrier barrier_id(%barrier3A_221)
    %mul3A_222 = arith.constant 632 : i32
    %mul3A_223 = arith.muli %arg1, %mul3A_222 : i32
    %mul3A_224 = arith.constant 632 : i32
    %mul3A_225 = arith.muli %arg1, %mul3A_224 : i32
    "tpu.region"() ({
      %run_scoped3A = tpu.sem_alloc : memref<!tpu.dma_semaphore, #tpu.memory_space<semaphore_mem>>
      %dma_start3A_226 = arith.constant 0 : i32
      %dma_start3A_227 = arith.constant 0 : i32
      %dma_start3A_228 = tpu.memref_slice %arg5[%arg0, %dma_start3A_226, %dma_start3A_227] : memref<2x10112x128xf32, #tpu.memory_space<hbm>> -> memref<1x10112x128xf32, #tpu.memory_space<hbm>>
      %dma_start3A_229 = tpu.memref_squeeze %dma_start3A_228 : memref<1x10112x128xf32, #tpu.memory_space<hbm>> -> memref<10112x128xf32, #tpu.memory_space<hbm>>
      %dma_start3A_230 = arith.constant 0 : i32
      %dma_start3A_231 = tpu.memref_slice %dma_start3A_229[%mul3A_225, %dma_start3A_230] : memref<10112x128xf32, #tpu.memory_space<hbm>> -> memref<632x128xf32, #tpu.memory_space<hbm>>
      %dma_start3A_232 = arith.constant 0 : i32
      %dma_start3A_233 = tpu.memref_slice %arg6[%mul3A_223, %dma_start3A_232] : memref<10112x128xf32, #tpu.memory_space<vmem_shared>> -> memref<632x128xf32, #tpu.memory_space<vmem_shared>>
      tpu.enqueue_dma source(%dma_start3A_233 : memref<632x128xf32, #tpu.memory_space<vmem_shared>>) target(%dma_start3A_231 : memref<632x128xf32, #tpu.memory_space<hbm>>) target_semaphore(%run_scoped3A : memref<!tpu.dma_semaphore, #tpu.memory_space<semaphore_mem>>)
      %dma_wait3A_234 = arith.constant 0 : i32
      %dma_wait3A_235 = arith.constant 0 : i32
      %dma_wait3A_236 = tpu.memref_slice %arg5[%arg0, %dma_wait3A_234, %dma_wait3A_235] : memref<2x10112x128xf32, #tpu.memory_space<hbm>> -> memref<1x10112x128xf32, #tpu.memory_space<hbm>>
      %dma_wait3A_237 = tpu.memref_squeeze %dma_wait3A_236 : memref<1x10112x128xf32, #tpu.memory_space<hbm>> -> memref<10112x128xf32, #tpu.memory_space<hbm>>
      %dma_wait3A_238 = arith.constant 0 : i32
      %dma_wait3A_239 = tpu.memref_slice %dma_wait3A_237[%mul3A_225, %dma_wait3A_238] : memref<10112x128xf32, #tpu.memory_space<hbm>> -> memref<632x128xf32, #tpu.memory_space<hbm>>
      %dma_wait3A_240 = arith.constant 0 : i32
      %dma_wait3A_241 = tpu.memref_slice %arg6[%mul3A_223, %dma_wait3A_240] : memref<10112x128xf32, #tpu.memory_space<vmem_shared>> -> memref<632x128xf32, #tpu.memory_space<vmem_shared>>
      tpu.wait_dma2 semaphore(%run_scoped3A : memref<!tpu.dma_semaphore, #tpu.memory_space<semaphore_mem>>) src(%dma_wait3A_241 : memref<632x128xf32, #tpu.memory_space<vmem_shared>>) dst(%dma_wait3A_239 : memref<632x128xf32, #tpu.memory_space<hbm>>)
      tpu.yield
    }) : () -> ()
    return
  }
}

#map = affine_map<(d0, d1) -> (0, 0, 0)>
#map1 = affine_map<(d0, d1) -> (0)>
#map2 = affine_map<(d0, d1) -> (0, 0)>
module attributes {stable_mosaic.version = 14 : i64} {
  func.func @_deg_body(%arg0: i32, %arg1: i32, %arg2: memref<2x2500x128xi32, #tpu.memory_space<hbm>>, %arg3: memref<128xf32, #tpu.memory_space<hbm>>, %arg4: memref<640xf32, #tpu.memory_space<hbm>>, %arg5: memref<2x10240xf32, #tpu.memory_space<hbm>>, %arg6: memref<10240xf32, #tpu.memory_space<vmem_shared>>, %arg7: memref<6x128xi32, #tpu.memory_space<vmem>>, %arg8: memref<128xf32, #tpu.memory_space<vmem>>, %arg9: memref<!tpu.dma_semaphore, #tpu.memory_space<semaphore_mem>>) attributes {dimension_semantics = [#tpu.dimension_semantics<core_parallel>, #tpu.dimension_semantics<subcore_parallel>], iteration_bounds = array<i64: 2, 16>, scalar_prefetch = 0 : i64, scratch_operands = 4 : i64, tpu.core_type = #tpu.core_type<sc_vector_subcore>, window_params = [{transform_indices = #map}, {transform_indices = #map1}, {transform_indices = #map1}, {transform_indices = #map2}]} {
    %mul3A = arith.constant 2 : i32
    %mul3A_0 = arith.muli %arg1, %mul3A : i32
    %add3A = arith.addi %mul3A_0, %arg0 : i32
    %mul3A_1 = arith.constant 78 : i32
    %mul3A_2 = arith.muli %mul3A_1, %add3A : i32
    %min3A = arith.constant 4 : i32
    %min3A_3 = arith.minsi %add3A, %min3A : i32
    %add3A_4 = arith.addi %mul3A_2, %min3A_3 : i32
    %lt3A = arith.constant 4 : i32
    %lt3A_5 = arith.cmpi slt, %add3A, %lt3A : i32
    %jit3A = arith.constant 1 : i32
    %jit3A_6 = arith.constant 0 : i32
    %select_n3A = arith.select %lt3A_5, %jit3A, %jit3A_6 : i32
    %add3A_7 = arith.constant 78 : i32
    %add3A_8 = arith.addi %add3A_7, %select_n3A : i32
    "tpu.region"() ({
      %run_scoped3A = tpu.sem_alloc : memref<!tpu.dma_semaphore, #tpu.memory_space<semaphore_mem>>
      tpu.enqueue_dma source(%arg3 : memref<128xf32, #tpu.memory_space<hbm>>) target(%arg8 : memref<128xf32, #tpu.memory_space<vmem>>) target_semaphore(%run_scoped3A : memref<!tpu.dma_semaphore, #tpu.memory_space<semaphore_mem>>)
      tpu.wait_dma2 semaphore(%run_scoped3A : memref<!tpu.dma_semaphore, #tpu.memory_space<semaphore_mem>>) src(%arg3 : memref<128xf32, #tpu.memory_space<hbm>>) dst(%arg8 : memref<128xf32, #tpu.memory_space<vmem>>)
      tpu.yield
    }) : () -> ()
    %mul3A_9 = arith.constant 640 : i32
    %mul3A_10 = arith.muli %arg1, %mul3A_9 : i32
    "tpu.region"() ({
      %run_scoped3A = tpu.sem_alloc : memref<!tpu.dma_semaphore, #tpu.memory_space<semaphore_mem>>
      %dma_start3A_167 = tpu.memref_slice %arg6[%mul3A_10] : memref<10240xf32, #tpu.memory_space<vmem_shared>> -> memref<640xf32, #tpu.memory_space<vmem_shared>>
      tpu.enqueue_dma source(%arg4 : memref<640xf32, #tpu.memory_space<hbm>>) target(%dma_start3A_167 : memref<640xf32, #tpu.memory_space<vmem_shared>>) target_semaphore(%run_scoped3A : memref<!tpu.dma_semaphore, #tpu.memory_space<semaphore_mem>>)
      %dma_wait3A = tpu.memref_slice %arg6[%mul3A_10] : memref<10240xf32, #tpu.memory_space<vmem_shared>> -> memref<640xf32, #tpu.memory_space<vmem_shared>>
      tpu.wait_dma2 semaphore(%run_scoped3A : memref<!tpu.dma_semaphore, #tpu.memory_space<semaphore_mem>>) src(%arg4 : memref<640xf32, #tpu.memory_space<hbm>>) dst(%dma_wait3A : memref<640xf32, #tpu.memory_space<vmem_shared>>)
      tpu.yield
    }) : () -> ()
    %barrier3A = arith.constant 0 : index
    tpu.barrier barrier_id(%barrier3A)
    %add3A_11 = arith.constant 0 : i32
    %add3A_12 = arith.addi %add3A_4, %add3A_11 : i32
    %dma_start3A = arith.constant 1 : i32
    %dma_start3A_13 = arith.constant 0 : i32
    %dma_start3A_14 = arith.constant 0 : i32
    %dma_start3A_15 = tpu.memref_slice %arg7[%dma_start3A_13, %dma_start3A_14] : memref<6x128xi32, #tpu.memory_space<vmem>> -> memref<1x128xi32, #tpu.memory_space<vmem>>
    %dma_start3A_16 = tpu.memref_squeeze %dma_start3A_15 : memref<1x128xi32, #tpu.memory_space<vmem>> -> memref<128xi32, #tpu.memory_space<vmem>>
    %dma_start3A_17 = arith.constant 0 : i32
    %dma_start3A_18 = arith.constant 0 : i32
    %dma_start3A_19 = tpu.memref_slice %arg2[%dma_start3A, %dma_start3A_17, %dma_start3A_18] : memref<2x2500x128xi32, #tpu.memory_space<hbm>> -> memref<1x2500x128xi32, #tpu.memory_space<hbm>>
    %dma_start3A_20 = tpu.memref_squeeze %dma_start3A_19 : memref<1x2500x128xi32, #tpu.memory_space<hbm>> -> memref<2500x128xi32, #tpu.memory_space<hbm>>
    %dma_start3A_21 = arith.constant 0 : i32
    %dma_start3A_22 = tpu.memref_slice %dma_start3A_20[%add3A_12, %dma_start3A_21] : memref<2500x128xi32, #tpu.memory_space<hbm>> -> memref<1x128xi32, #tpu.memory_space<hbm>>
    %dma_start3A_23 = tpu.memref_squeeze %dma_start3A_22 : memref<1x128xi32, #tpu.memory_space<hbm>> -> memref<128xi32, #tpu.memory_space<hbm>>
    %dma_start3A_24 = arith.constant 0 : i32
    %dma_start3A_25 = tpu.memref_slice %arg7[%dma_start3A_13, %dma_start3A_24] : memref<6x128xi32, #tpu.memory_space<vmem>> -> memref<1x128xi32, #tpu.memory_space<vmem>>
    %dma_start3A_26 = tpu.memref_squeeze %dma_start3A_25 : memref<1x128xi32, #tpu.memory_space<vmem>> -> memref<128xi32, #tpu.memory_space<vmem>>
    %dma_start3A_27 = arith.constant 0 : i32
    %dma_start3A_28 = arith.constant 0 : i32
    %dma_start3A_29 = tpu.memref_slice %arg2[%dma_start3A, %dma_start3A_27, %dma_start3A_28] : memref<2x2500x128xi32, #tpu.memory_space<hbm>> -> memref<1x2500x128xi32, #tpu.memory_space<hbm>>
    %dma_start3A_30 = tpu.memref_squeeze %dma_start3A_29 : memref<1x2500x128xi32, #tpu.memory_space<hbm>> -> memref<2500x128xi32, #tpu.memory_space<hbm>>
    %dma_start3A_31 = arith.constant 0 : i32
    %dma_start3A_32 = tpu.memref_slice %dma_start3A_30[%add3A_12, %dma_start3A_31] : memref<2500x128xi32, #tpu.memory_space<hbm>> -> memref<1x128xi32, #tpu.memory_space<hbm>>
    %dma_start3A_33 = tpu.memref_squeeze %dma_start3A_32 : memref<1x128xi32, #tpu.memory_space<hbm>> -> memref<128xi32, #tpu.memory_space<hbm>>
    tpu.enqueue_dma source(%dma_start3A_33 : memref<128xi32, #tpu.memory_space<hbm>>) target(%dma_start3A_26 : memref<128xi32, #tpu.memory_space<vmem>>) target_semaphore(%arg9 : memref<!tpu.dma_semaphore, #tpu.memory_space<semaphore_mem>>)
    %add3A_34 = arith.constant 1 : i32
    %add3A_35 = arith.addi %add3A_4, %add3A_34 : i32
    %dma_start3A_36 = arith.constant 1 : i32
    %dma_start3A_37 = arith.constant 1 : i32
    %dma_start3A_38 = arith.constant 0 : i32
    %dma_start3A_39 = tpu.memref_slice %arg7[%dma_start3A_37, %dma_start3A_38] : memref<6x128xi32, #tpu.memory_space<vmem>> -> memref<1x128xi32, #tpu.memory_space<vmem>>
    %dma_start3A_40 = tpu.memref_squeeze %dma_start3A_39 : memref<1x128xi32, #tpu.memory_space<vmem>> -> memref<128xi32, #tpu.memory_space<vmem>>
    %dma_start3A_41 = arith.constant 0 : i32
    %dma_start3A_42 = arith.constant 0 : i32
    %dma_start3A_43 = tpu.memref_slice %arg2[%dma_start3A_36, %dma_start3A_41, %dma_start3A_42] : memref<2x2500x128xi32, #tpu.memory_space<hbm>> -> memref<1x2500x128xi32, #tpu.memory_space<hbm>>
    %dma_start3A_44 = tpu.memref_squeeze %dma_start3A_43 : memref<1x2500x128xi32, #tpu.memory_space<hbm>> -> memref<2500x128xi32, #tpu.memory_space<hbm>>
    %dma_start3A_45 = arith.constant 0 : i32
    %dma_start3A_46 = tpu.memref_slice %dma_start3A_44[%add3A_35, %dma_start3A_45] : memref<2500x128xi32, #tpu.memory_space<hbm>> -> memref<1x128xi32, #tpu.memory_space<hbm>>
    %dma_start3A_47 = tpu.memref_squeeze %dma_start3A_46 : memref<1x128xi32, #tpu.memory_space<hbm>> -> memref<128xi32, #tpu.memory_space<hbm>>
    %dma_start3A_48 = arith.constant 0 : i32
    %dma_start3A_49 = tpu.memref_slice %arg7[%dma_start3A_37, %dma_start3A_48] : memref<6x128xi32, #tpu.memory_space<vmem>> -> memref<1x128xi32, #tpu.memory_space<vmem>>
    %dma_start3A_50 = tpu.memref_squeeze %dma_start3A_49 : memref<1x128xi32, #tpu.memory_space<vmem>> -> memref<128xi32, #tpu.memory_space<vmem>>
    %dma_start3A_51 = arith.constant 0 : i32
    %dma_start3A_52 = arith.constant 0 : i32
    %dma_start3A_53 = tpu.memref_slice %arg2[%dma_start3A_36, %dma_start3A_51, %dma_start3A_52] : memref<2x2500x128xi32, #tpu.memory_space<hbm>> -> memref<1x2500x128xi32, #tpu.memory_space<hbm>>
    %dma_start3A_54 = tpu.memref_squeeze %dma_start3A_53 : memref<1x2500x128xi32, #tpu.memory_space<hbm>> -> memref<2500x128xi32, #tpu.memory_space<hbm>>
    %dma_start3A_55 = arith.constant 0 : i32
    %dma_start3A_56 = tpu.memref_slice %dma_start3A_54[%add3A_35, %dma_start3A_55] : memref<2500x128xi32, #tpu.memory_space<hbm>> -> memref<1x128xi32, #tpu.memory_space<hbm>>
    %dma_start3A_57 = tpu.memref_squeeze %dma_start3A_56 : memref<1x128xi32, #tpu.memory_space<hbm>> -> memref<128xi32, #tpu.memory_space<hbm>>
    tpu.enqueue_dma source(%dma_start3A_57 : memref<128xi32, #tpu.memory_space<hbm>>) target(%dma_start3A_50 : memref<128xi32, #tpu.memory_space<vmem>>) target_semaphore(%arg9 : memref<!tpu.dma_semaphore, #tpu.memory_space<semaphore_mem>>)
    %add3A_58 = arith.constant 2 : i32
    %add3A_59 = arith.addi %add3A_4, %add3A_58 : i32
    %dma_start3A_60 = arith.constant 1 : i32
    %dma_start3A_61 = arith.constant 2 : i32
    %dma_start3A_62 = arith.constant 0 : i32
    %dma_start3A_63 = tpu.memref_slice %arg7[%dma_start3A_61, %dma_start3A_62] : memref<6x128xi32, #tpu.memory_space<vmem>> -> memref<1x128xi32, #tpu.memory_space<vmem>>
    %dma_start3A_64 = tpu.memref_squeeze %dma_start3A_63 : memref<1x128xi32, #tpu.memory_space<vmem>> -> memref<128xi32, #tpu.memory_space<vmem>>
    %dma_start3A_65 = arith.constant 0 : i32
    %dma_start3A_66 = arith.constant 0 : i32
    %dma_start3A_67 = tpu.memref_slice %arg2[%dma_start3A_60, %dma_start3A_65, %dma_start3A_66] : memref<2x2500x128xi32, #tpu.memory_space<hbm>> -> memref<1x2500x128xi32, #tpu.memory_space<hbm>>
    %dma_start3A_68 = tpu.memref_squeeze %dma_start3A_67 : memref<1x2500x128xi32, #tpu.memory_space<hbm>> -> memref<2500x128xi32, #tpu.memory_space<hbm>>
    %dma_start3A_69 = arith.constant 0 : i32
    %dma_start3A_70 = tpu.memref_slice %dma_start3A_68[%add3A_59, %dma_start3A_69] : memref<2500x128xi32, #tpu.memory_space<hbm>> -> memref<1x128xi32, #tpu.memory_space<hbm>>
    %dma_start3A_71 = tpu.memref_squeeze %dma_start3A_70 : memref<1x128xi32, #tpu.memory_space<hbm>> -> memref<128xi32, #tpu.memory_space<hbm>>
    %dma_start3A_72 = arith.constant 0 : i32
    %dma_start3A_73 = tpu.memref_slice %arg7[%dma_start3A_61, %dma_start3A_72] : memref<6x128xi32, #tpu.memory_space<vmem>> -> memref<1x128xi32, #tpu.memory_space<vmem>>
    %dma_start3A_74 = tpu.memref_squeeze %dma_start3A_73 : memref<1x128xi32, #tpu.memory_space<vmem>> -> memref<128xi32, #tpu.memory_space<vmem>>
    %dma_start3A_75 = arith.constant 0 : i32
    %dma_start3A_76 = arith.constant 0 : i32
    %dma_start3A_77 = tpu.memref_slice %arg2[%dma_start3A_60, %dma_start3A_75, %dma_start3A_76] : memref<2x2500x128xi32, #tpu.memory_space<hbm>> -> memref<1x2500x128xi32, #tpu.memory_space<hbm>>
    %dma_start3A_78 = tpu.memref_squeeze %dma_start3A_77 : memref<1x2500x128xi32, #tpu.memory_space<hbm>> -> memref<2500x128xi32, #tpu.memory_space<hbm>>
    %dma_start3A_79 = arith.constant 0 : i32
    %dma_start3A_80 = tpu.memref_slice %dma_start3A_78[%add3A_59, %dma_start3A_79] : memref<2500x128xi32, #tpu.memory_space<hbm>> -> memref<1x128xi32, #tpu.memory_space<hbm>>
    %dma_start3A_81 = tpu.memref_squeeze %dma_start3A_80 : memref<1x128xi32, #tpu.memory_space<hbm>> -> memref<128xi32, #tpu.memory_space<hbm>>
    tpu.enqueue_dma source(%dma_start3A_81 : memref<128xi32, #tpu.memory_space<hbm>>) target(%dma_start3A_74 : memref<128xi32, #tpu.memory_space<vmem>>) target_semaphore(%arg9 : memref<!tpu.dma_semaphore, #tpu.memory_space<semaphore_mem>>)
    %add3A_82 = arith.constant 3 : i32
    %add3A_83 = arith.addi %add3A_4, %add3A_82 : i32
    %dma_start3A_84 = arith.constant 1 : i32
    %dma_start3A_85 = arith.constant 3 : i32
    %dma_start3A_86 = arith.constant 0 : i32
    %dma_start3A_87 = tpu.memref_slice %arg7[%dma_start3A_85, %dma_start3A_86] : memref<6x128xi32, #tpu.memory_space<vmem>> -> memref<1x128xi32, #tpu.memory_space<vmem>>
    %dma_start3A_88 = tpu.memref_squeeze %dma_start3A_87 : memref<1x128xi32, #tpu.memory_space<vmem>> -> memref<128xi32, #tpu.memory_space<vmem>>
    %dma_start3A_89 = arith.constant 0 : i32
    %dma_start3A_90 = arith.constant 0 : i32
    %dma_start3A_91 = tpu.memref_slice %arg2[%dma_start3A_84, %dma_start3A_89, %dma_start3A_90] : memref<2x2500x128xi32, #tpu.memory_space<hbm>> -> memref<1x2500x128xi32, #tpu.memory_space<hbm>>
    %dma_start3A_92 = tpu.memref_squeeze %dma_start3A_91 : memref<1x2500x128xi32, #tpu.memory_space<hbm>> -> memref<2500x128xi32, #tpu.memory_space<hbm>>
    %dma_start3A_93 = arith.constant 0 : i32
    %dma_start3A_94 = tpu.memref_slice %dma_start3A_92[%add3A_83, %dma_start3A_93] : memref<2500x128xi32, #tpu.memory_space<hbm>> -> memref<1x128xi32, #tpu.memory_space<hbm>>
    %dma_start3A_95 = tpu.memref_squeeze %dma_start3A_94 : memref<1x128xi32, #tpu.memory_space<hbm>> -> memref<128xi32, #tpu.memory_space<hbm>>
    %dma_start3A_96 = arith.constant 0 : i32
    %dma_start3A_97 = tpu.memref_slice %arg7[%dma_start3A_85, %dma_start3A_96] : memref<6x128xi32, #tpu.memory_space<vmem>> -> memref<1x128xi32, #tpu.memory_space<vmem>>
    %dma_start3A_98 = tpu.memref_squeeze %dma_start3A_97 : memref<1x128xi32, #tpu.memory_space<vmem>> -> memref<128xi32, #tpu.memory_space<vmem>>
    %dma_start3A_99 = arith.constant 0 : i32
    %dma_start3A_100 = arith.constant 0 : i32
    %dma_start3A_101 = tpu.memref_slice %arg2[%dma_start3A_84, %dma_start3A_99, %dma_start3A_100] : memref<2x2500x128xi32, #tpu.memory_space<hbm>> -> memref<1x2500x128xi32, #tpu.memory_space<hbm>>
    %dma_start3A_102 = tpu.memref_squeeze %dma_start3A_101 : memref<1x2500x128xi32, #tpu.memory_space<hbm>> -> memref<2500x128xi32, #tpu.memory_space<hbm>>
    %dma_start3A_103 = arith.constant 0 : i32
    %dma_start3A_104 = tpu.memref_slice %dma_start3A_102[%add3A_83, %dma_start3A_103] : memref<2500x128xi32, #tpu.memory_space<hbm>> -> memref<1x128xi32, #tpu.memory_space<hbm>>
    %dma_start3A_105 = tpu.memref_squeeze %dma_start3A_104 : memref<1x128xi32, #tpu.memory_space<hbm>> -> memref<128xi32, #tpu.memory_space<hbm>>
    tpu.enqueue_dma source(%dma_start3A_105 : memref<128xi32, #tpu.memory_space<hbm>>) target(%dma_start3A_98 : memref<128xi32, #tpu.memory_space<vmem>>) target_semaphore(%arg9 : memref<!tpu.dma_semaphore, #tpu.memory_space<semaphore_mem>>)
    %add3A_106 = arith.constant 4 : i32
    %add3A_107 = arith.addi %add3A_4, %add3A_106 : i32
    %dma_start3A_108 = arith.constant 1 : i32
    %dma_start3A_109 = arith.constant 4 : i32
    %dma_start3A_110 = arith.constant 0 : i32
    %dma_start3A_111 = tpu.memref_slice %arg7[%dma_start3A_109, %dma_start3A_110] : memref<6x128xi32, #tpu.memory_space<vmem>> -> memref<1x128xi32, #tpu.memory_space<vmem>>
    %dma_start3A_112 = tpu.memref_squeeze %dma_start3A_111 : memref<1x128xi32, #tpu.memory_space<vmem>> -> memref<128xi32, #tpu.memory_space<vmem>>
    %dma_start3A_113 = arith.constant 0 : i32
    %dma_start3A_114 = arith.constant 0 : i32
    %dma_start3A_115 = tpu.memref_slice %arg2[%dma_start3A_108, %dma_start3A_113, %dma_start3A_114] : memref<2x2500x128xi32, #tpu.memory_space<hbm>> -> memref<1x2500x128xi32, #tpu.memory_space<hbm>>
    %dma_start3A_116 = tpu.memref_squeeze %dma_start3A_115 : memref<1x2500x128xi32, #tpu.memory_space<hbm>> -> memref<2500x128xi32, #tpu.memory_space<hbm>>
    %dma_start3A_117 = arith.constant 0 : i32
    %dma_start3A_118 = tpu.memref_slice %dma_start3A_116[%add3A_107, %dma_start3A_117] : memref<2500x128xi32, #tpu.memory_space<hbm>> -> memref<1x128xi32, #tpu.memory_space<hbm>>
    %dma_start3A_119 = tpu.memref_squeeze %dma_start3A_118 : memref<1x128xi32, #tpu.memory_space<hbm>> -> memref<128xi32, #tpu.memory_space<hbm>>
    %dma_start3A_120 = arith.constant 0 : i32
    %dma_start3A_121 = tpu.memref_slice %arg7[%dma_start3A_109, %dma_start3A_120] : memref<6x128xi32, #tpu.memory_space<vmem>> -> memref<1x128xi32, #tpu.memory_space<vmem>>
    %dma_start3A_122 = tpu.memref_squeeze %dma_start3A_121 : memref<1x128xi32, #tpu.memory_space<vmem>> -> memref<128xi32, #tpu.memory_space<vmem>>
    %dma_start3A_123 = arith.constant 0 : i32
    %dma_start3A_124 = arith.constant 0 : i32
    %dma_start3A_125 = tpu.memref_slice %arg2[%dma_start3A_108, %dma_start3A_123, %dma_start3A_124] : memref<2x2500x128xi32, #tpu.memory_space<hbm>> -> memref<1x2500x128xi32, #tpu.memory_space<hbm>>
    %dma_start3A_126 = tpu.memref_squeeze %dma_start3A_125 : memref<1x2500x128xi32, #tpu.memory_space<hbm>> -> memref<2500x128xi32, #tpu.memory_space<hbm>>
    %dma_start3A_127 = arith.constant 0 : i32
    %dma_start3A_128 = tpu.memref_slice %dma_start3A_126[%add3A_107, %dma_start3A_127] : memref<2500x128xi32, #tpu.memory_space<hbm>> -> memref<1x128xi32, #tpu.memory_space<hbm>>
    %dma_start3A_129 = tpu.memref_squeeze %dma_start3A_128 : memref<1x128xi32, #tpu.memory_space<hbm>> -> memref<128xi32, #tpu.memory_space<hbm>>
    tpu.enqueue_dma source(%dma_start3A_129 : memref<128xi32, #tpu.memory_space<hbm>>) target(%dma_start3A_122 : memref<128xi32, #tpu.memory_space<vmem>>) target_semaphore(%arg9 : memref<!tpu.dma_semaphore, #tpu.memory_space<semaphore_mem>>)
    %add3A_130 = arith.constant 5 : i32
    %add3A_131 = arith.addi %add3A_4, %add3A_130 : i32
    %dma_start3A_132 = arith.constant 1 : i32
    %dma_start3A_133 = arith.constant 5 : i32
    %dma_start3A_134 = arith.constant 0 : i32
    %dma_start3A_135 = tpu.memref_slice %arg7[%dma_start3A_133, %dma_start3A_134] : memref<6x128xi32, #tpu.memory_space<vmem>> -> memref<1x128xi32, #tpu.memory_space<vmem>>
    %dma_start3A_136 = tpu.memref_squeeze %dma_start3A_135 : memref<1x128xi32, #tpu.memory_space<vmem>> -> memref<128xi32, #tpu.memory_space<vmem>>
    %dma_start3A_137 = arith.constant 0 : i32
    %dma_start3A_138 = arith.constant 0 : i32
    %dma_start3A_139 = tpu.memref_slice %arg2[%dma_start3A_132, %dma_start3A_137, %dma_start3A_138] : memref<2x2500x128xi32, #tpu.memory_space<hbm>> -> memref<1x2500x128xi32, #tpu.memory_space<hbm>>
    %dma_start3A_140 = tpu.memref_squeeze %dma_start3A_139 : memref<1x2500x128xi32, #tpu.memory_space<hbm>> -> memref<2500x128xi32, #tpu.memory_space<hbm>>
    %dma_start3A_141 = arith.constant 0 : i32
    %dma_start3A_142 = tpu.memref_slice %dma_start3A_140[%add3A_131, %dma_start3A_141] : memref<2500x128xi32, #tpu.memory_space<hbm>> -> memref<1x128xi32, #tpu.memory_space<hbm>>
    %dma_start3A_143 = tpu.memref_squeeze %dma_start3A_142 : memref<1x128xi32, #tpu.memory_space<hbm>> -> memref<128xi32, #tpu.memory_space<hbm>>
    %dma_start3A_144 = arith.constant 0 : i32
    %dma_start3A_145 = tpu.memref_slice %arg7[%dma_start3A_133, %dma_start3A_144] : memref<6x128xi32, #tpu.memory_space<vmem>> -> memref<1x128xi32, #tpu.memory_space<vmem>>
    %dma_start3A_146 = tpu.memref_squeeze %dma_start3A_145 : memref<1x128xi32, #tpu.memory_space<vmem>> -> memref<128xi32, #tpu.memory_space<vmem>>
    %dma_start3A_147 = arith.constant 0 : i32
    %dma_start3A_148 = arith.constant 0 : i32
    %dma_start3A_149 = tpu.memref_slice %arg2[%dma_start3A_132, %dma_start3A_147, %dma_start3A_148] : memref<2x2500x128xi32, #tpu.memory_space<hbm>> -> memref<1x2500x128xi32, #tpu.memory_space<hbm>>
    %dma_start3A_150 = tpu.memref_squeeze %dma_start3A_149 : memref<1x2500x128xi32, #tpu.memory_space<hbm>> -> memref<2500x128xi32, #tpu.memory_space<hbm>>
    %dma_start3A_151 = arith.constant 0 : i32
    %dma_start3A_152 = tpu.memref_slice %dma_start3A_150[%add3A_131, %dma_start3A_151] : memref<2500x128xi32, #tpu.memory_space<hbm>> -> memref<1x128xi32, #tpu.memory_space<hbm>>
    %dma_start3A_153 = tpu.memref_squeeze %dma_start3A_152 : memref<1x128xi32, #tpu.memory_space<hbm>> -> memref<128xi32, #tpu.memory_space<hbm>>
    tpu.enqueue_dma source(%dma_start3A_153 : memref<128xi32, #tpu.memory_space<hbm>>) target(%dma_start3A_146 : memref<128xi32, #tpu.memory_space<vmem>>) target_semaphore(%arg9 : memref<!tpu.dma_semaphore, #tpu.memory_space<semaphore_mem>>)
    %scan3A = arith.constant 0 : i32
    %scan3A_154 = arith.constant 0 : i32
    %scan3A_155 = arith.constant 13 : i32
    %scan3A_156 = arith.addi %scan3A_154, %scan3A_155 : i32
    %scan3A_157 = arith.constant 1 : i32
    scf.for %scan3A_167 = %scan3A_154 to %scan3A_156 step %scan3A_157  : i32 {
      %mul3A_168 = arith.constant 6 : i32
      %mul3A_169 = arith.muli %scan3A_167, %mul3A_168 : i32
      %add3A_170 = arith.constant 0 : i32
      %add3A_171 = arith.addi %mul3A_169, %add3A_170 : i32
      %add3A_172 = arith.addi %add3A_4, %add3A_171 : i32
      %dma_wait3A = arith.constant 1 : i32
      %dma_wait3A_173 = arith.constant 0 : i32
      %dma_wait3A_174 = arith.constant 0 : i32
      %dma_wait3A_175 = tpu.memref_slice %arg7[%dma_wait3A_173, %dma_wait3A_174] : memref<6x128xi32, #tpu.memory_space<vmem>> -> memref<1x128xi32, #tpu.memory_space<vmem>>
      %dma_wait3A_176 = tpu.memref_squeeze %dma_wait3A_175 : memref<1x128xi32, #tpu.memory_space<vmem>> -> memref<128xi32, #tpu.memory_space<vmem>>
      %dma_wait3A_177 = arith.constant 0 : i32
      %dma_wait3A_178 = arith.constant 0 : i32
      %dma_wait3A_179 = tpu.memref_slice %arg2[%dma_wait3A, %dma_wait3A_177, %dma_wait3A_178] : memref<2x2500x128xi32, #tpu.memory_space<hbm>> -> memref<1x2500x128xi32, #tpu.memory_space<hbm>>
      %dma_wait3A_180 = tpu.memref_squeeze %dma_wait3A_179 : memref<1x2500x128xi32, #tpu.memory_space<hbm>> -> memref<2500x128xi32, #tpu.memory_space<hbm>>
      %dma_wait3A_181 = arith.constant 0 : i32
      %dma_wait3A_182 = tpu.memref_slice %dma_wait3A_180[%add3A_172, %dma_wait3A_181] : memref<2500x128xi32, #tpu.memory_space<hbm>> -> memref<1x128xi32, #tpu.memory_space<hbm>>
      %dma_wait3A_183 = tpu.memref_squeeze %dma_wait3A_182 : memref<1x128xi32, #tpu.memory_space<hbm>> -> memref<128xi32, #tpu.memory_space<hbm>>
      %dma_wait3A_184 = arith.constant 0 : i32
      %dma_wait3A_185 = tpu.memref_slice %arg7[%dma_wait3A_173, %dma_wait3A_184] : memref<6x128xi32, #tpu.memory_space<vmem>> -> memref<1x128xi32, #tpu.memory_space<vmem>>
      %dma_wait3A_186 = tpu.memref_squeeze %dma_wait3A_185 : memref<1x128xi32, #tpu.memory_space<vmem>> -> memref<128xi32, #tpu.memory_space<vmem>>
      %dma_wait3A_187 = arith.constant 0 : i32
      %dma_wait3A_188 = arith.constant 0 : i32
      %dma_wait3A_189 = tpu.memref_slice %arg2[%dma_wait3A, %dma_wait3A_187, %dma_wait3A_188] : memref<2x2500x128xi32, #tpu.memory_space<hbm>> -> memref<1x2500x128xi32, #tpu.memory_space<hbm>>
      %dma_wait3A_190 = tpu.memref_squeeze %dma_wait3A_189 : memref<1x2500x128xi32, #tpu.memory_space<hbm>> -> memref<2500x128xi32, #tpu.memory_space<hbm>>
      %dma_wait3A_191 = arith.constant 0 : i32
      %dma_wait3A_192 = tpu.memref_slice %dma_wait3A_190[%add3A_172, %dma_wait3A_191] : memref<2500x128xi32, #tpu.memory_space<hbm>> -> memref<1x128xi32, #tpu.memory_space<hbm>>
      %dma_wait3A_193 = tpu.memref_squeeze %dma_wait3A_192 : memref<1x128xi32, #tpu.memory_space<hbm>> -> memref<128xi32, #tpu.memory_space<hbm>>
      tpu.wait_dma2 semaphore(%arg9 : memref<!tpu.dma_semaphore, #tpu.memory_space<semaphore_mem>>) src(%dma_wait3A_193 : memref<128xi32, #tpu.memory_space<hbm>>) dst(%dma_wait3A_186 : memref<128xi32, #tpu.memory_space<vmem>>)
      %run_scoped3A = arith.constant 0 : i32
      "tpu.region"() ({
        %run_scoped3A_370 = tpu.sem_alloc : memref<!tpu.dma_semaphore, #tpu.memory_space<semaphore_mem>>
        %dma_start3A_371 = arith.constant 0 : i32
        %dma_start3A_372 = tpu.memref_slice %arg7[%run_scoped3A, %dma_start3A_371] : memref<6x128xi32, #tpu.memory_space<vmem>> -> memref<1x128xi32, #tpu.memory_space<vmem>>
        %dma_start3A_373 = tpu.memref_squeeze %dma_start3A_372 : memref<1x128xi32, #tpu.memory_space<vmem>> -> memref<128xi32, #tpu.memory_space<vmem>>
        %dma_start3A_374 = arith.constant 0 : i32
        %dma_start3A_375 = tpu.memref_slice %arg6[%dma_start3A_374] : memref<10240xf32, #tpu.memory_space<vmem_shared>> -> memref<10240xf32, #tpu.memory_space<vmem_shared>>
        tpu.enqueue_indirect_dma source(%arg8 : memref<128xf32, #tpu.memory_space<vmem>>) target(%dma_start3A_375 : memref<10240xf32, #tpu.memory_space<vmem_shared>>) offsets(%dma_start3A_373 : memref<128xi32, #tpu.memory_space<vmem>>) semaphore(%run_scoped3A_370 : memref<!tpu.dma_semaphore, #tpu.memory_space<semaphore_mem>>) {add = true}
        %dma_wait3A_376 = arith.constant 0 : i32
        %dma_wait3A_377 = tpu.memref_slice %arg7[%run_scoped3A, %dma_wait3A_376] : memref<6x128xi32, #tpu.memory_space<vmem>> -> memref<1x128xi32, #tpu.memory_space<vmem>>
        %dma_wait3A_378 = tpu.memref_squeeze %dma_wait3A_377 : memref<1x128xi32, #tpu.memory_space<vmem>> -> memref<128xi32, #tpu.memory_space<vmem>>
        %dma_wait3A_379 = arith.constant 0 : i32
        %dma_wait3A_380 = tpu.memref_slice %arg6[%dma_wait3A_379] : memref<10240xf32, #tpu.memory_space<vmem_shared>> -> memref<10240xf32, #tpu.memory_space<vmem_shared>>
        tpu.wait_indirect_dma semaphore(%run_scoped3A_370 : memref<!tpu.dma_semaphore, #tpu.memory_space<semaphore_mem>>) src(%arg8 : memref<128xf32, #tpu.memory_space<vmem>>) dst(%dma_wait3A_380 : memref<10240xf32, #tpu.memory_space<vmem_shared>>)
        tpu.yield
      }) : () -> ()
      %add3A_194 = arith.constant 6 : i32
      %add3A_195 = arith.addi %add3A_171, %add3A_194 : i32
      %lt3A_196 = arith.cmpi slt, %add3A_195, %add3A_8 : i32
      %convert_element_type3A_197 = arith.extui %lt3A_196 : i1 to i32
      %cond3A_198 = arith.constant 0 : i32
      %cond3A_199 = arith.cmpi ne, %convert_element_type3A_197, %cond3A_198 : i32
      scf.if %cond3A_199 {
        %add3A_370 = arith.addi %add3A_4, %add3A_171 : i32
        %add3A_371 = arith.constant 6 : i32
        %add3A_372 = arith.addi %add3A_370, %add3A_371 : i32
        %dma_start3A_373 = arith.constant 1 : i32
        %dma_start3A_374 = arith.constant 0 : i32
        %dma_start3A_375 = arith.constant 0 : i32
        %dma_start3A_376 = tpu.memref_slice %arg7[%dma_start3A_374, %dma_start3A_375] : memref<6x128xi32, #tpu.memory_space<vmem>> -> memref<1x128xi32, #tpu.memory_space<vmem>>
        %dma_start3A_377 = tpu.memref_squeeze %dma_start3A_376 : memref<1x128xi32, #tpu.memory_space<vmem>> -> memref<128xi32, #tpu.memory_space<vmem>>
        %dma_start3A_378 = arith.constant 0 : i32
        %dma_start3A_379 = arith.constant 0 : i32
        %dma_start3A_380 = tpu.memref_slice %arg2[%dma_start3A_373, %dma_start3A_378, %dma_start3A_379] : memref<2x2500x128xi32, #tpu.memory_space<hbm>> -> memref<1x2500x128xi32, #tpu.memory_space<hbm>>
        %dma_start3A_381 = tpu.memref_squeeze %dma_start3A_380 : memref<1x2500x128xi32, #tpu.memory_space<hbm>> -> memref<2500x128xi32, #tpu.memory_space<hbm>>
        %dma_start3A_382 = arith.constant 0 : i32
        %dma_start3A_383 = tpu.memref_slice %dma_start3A_381[%add3A_372, %dma_start3A_382] : memref<2500x128xi32, #tpu.memory_space<hbm>> -> memref<1x128xi32, #tpu.memory_space<hbm>>
        %dma_start3A_384 = tpu.memref_squeeze %dma_start3A_383 : memref<1x128xi32, #tpu.memory_space<hbm>> -> memref<128xi32, #tpu.memory_space<hbm>>
        %dma_start3A_385 = arith.constant 0 : i32
        %dma_start3A_386 = tpu.memref_slice %arg7[%dma_start3A_374, %dma_start3A_385] : memref<6x128xi32, #tpu.memory_space<vmem>> -> memref<1x128xi32, #tpu.memory_space<vmem>>
        %dma_start3A_387 = tpu.memref_squeeze %dma_start3A_386 : memref<1x128xi32, #tpu.memory_space<vmem>> -> memref<128xi32, #tpu.memory_space<vmem>>
        %dma_start3A_388 = arith.constant 0 : i32
        %dma_start3A_389 = arith.constant 0 : i32
        %dma_start3A_390 = tpu.memref_slice %arg2[%dma_start3A_373, %dma_start3A_388, %dma_start3A_389] : memref<2x2500x128xi32, #tpu.memory_space<hbm>> -> memref<1x2500x128xi32, #tpu.memory_space<hbm>>
        %dma_start3A_391 = tpu.memref_squeeze %dma_start3A_390 : memref<1x2500x128xi32, #tpu.memory_space<hbm>> -> memref<2500x128xi32, #tpu.memory_space<hbm>>
        %dma_start3A_392 = arith.constant 0 : i32
        %dma_start3A_393 = tpu.memref_slice %dma_start3A_391[%add3A_372, %dma_start3A_392] : memref<2500x128xi32, #tpu.memory_space<hbm>> -> memref<1x128xi32, #tpu.memory_space<hbm>>
        %dma_start3A_394 = tpu.memref_squeeze %dma_start3A_393 : memref<1x128xi32, #tpu.memory_space<hbm>> -> memref<128xi32, #tpu.memory_space<hbm>>
        tpu.enqueue_dma source(%dma_start3A_394 : memref<128xi32, #tpu.memory_space<hbm>>) target(%dma_start3A_387 : memref<128xi32, #tpu.memory_space<vmem>>) target_semaphore(%arg9 : memref<!tpu.dma_semaphore, #tpu.memory_space<semaphore_mem>>)
      } else {
      }
      %mul3A_200 = arith.constant 6 : i32
      %mul3A_201 = arith.muli %scan3A_167, %mul3A_200 : i32
      %add3A_202 = arith.constant 1 : i32
      %add3A_203 = arith.addi %mul3A_201, %add3A_202 : i32
      %add3A_204 = arith.addi %add3A_4, %add3A_203 : i32
      %dma_wait3A_205 = arith.constant 1 : i32
      %dma_wait3A_206 = arith.constant 1 : i32
      %dma_wait3A_207 = arith.constant 0 : i32
      %dma_wait3A_208 = tpu.memref_slice %arg7[%dma_wait3A_206, %dma_wait3A_207] : memref<6x128xi32, #tpu.memory_space<vmem>> -> memref<1x128xi32, #tpu.memory_space<vmem>>
      %dma_wait3A_209 = tpu.memref_squeeze %dma_wait3A_208 : memref<1x128xi32, #tpu.memory_space<vmem>> -> memref<128xi32, #tpu.memory_space<vmem>>
      %dma_wait3A_210 = arith.constant 0 : i32
      %dma_wait3A_211 = arith.constant 0 : i32
      %dma_wait3A_212 = tpu.memref_slice %arg2[%dma_wait3A_205, %dma_wait3A_210, %dma_wait3A_211] : memref<2x2500x128xi32, #tpu.memory_space<hbm>> -> memref<1x2500x128xi32, #tpu.memory_space<hbm>>
      %dma_wait3A_213 = tpu.memref_squeeze %dma_wait3A_212 : memref<1x2500x128xi32, #tpu.memory_space<hbm>> -> memref<2500x128xi32, #tpu.memory_space<hbm>>
      %dma_wait3A_214 = arith.constant 0 : i32
      %dma_wait3A_215 = tpu.memref_slice %dma_wait3A_213[%add3A_204, %dma_wait3A_214] : memref<2500x128xi32, #tpu.memory_space<hbm>> -> memref<1x128xi32, #tpu.memory_space<hbm>>
      %dma_wait3A_216 = tpu.memref_squeeze %dma_wait3A_215 : memref<1x128xi32, #tpu.memory_space<hbm>> -> memref<128xi32, #tpu.memory_space<hbm>>
      %dma_wait3A_217 = arith.constant 0 : i32
      %dma_wait3A_218 = tpu.memref_slice %arg7[%dma_wait3A_206, %dma_wait3A_217] : memref<6x128xi32, #tpu.memory_space<vmem>> -> memref<1x128xi32, #tpu.memory_space<vmem>>
      %dma_wait3A_219 = tpu.memref_squeeze %dma_wait3A_218 : memref<1x128xi32, #tpu.memory_space<vmem>> -> memref<128xi32, #tpu.memory_space<vmem>>
      %dma_wait3A_220 = arith.constant 0 : i32
      %dma_wait3A_221 = arith.constant 0 : i32
      %dma_wait3A_222 = tpu.memref_slice %arg2[%dma_wait3A_205, %dma_wait3A_220, %dma_wait3A_221] : memref<2x2500x128xi32, #tpu.memory_space<hbm>> -> memref<1x2500x128xi32, #tpu.memory_space<hbm>>
      %dma_wait3A_223 = tpu.memref_squeeze %dma_wait3A_222 : memref<1x2500x128xi32, #tpu.memory_space<hbm>> -> memref<2500x128xi32, #tpu.memory_space<hbm>>
      %dma_wait3A_224 = arith.constant 0 : i32
      %dma_wait3A_225 = tpu.memref_slice %dma_wait3A_223[%add3A_204, %dma_wait3A_224] : memref<2500x128xi32, #tpu.memory_space<hbm>> -> memref<1x128xi32, #tpu.memory_space<hbm>>
      %dma_wait3A_226 = tpu.memref_squeeze %dma_wait3A_225 : memref<1x128xi32, #tpu.memory_space<hbm>> -> memref<128xi32, #tpu.memory_space<hbm>>
      tpu.wait_dma2 semaphore(%arg9 : memref<!tpu.dma_semaphore, #tpu.memory_space<semaphore_mem>>) src(%dma_wait3A_226 : memref<128xi32, #tpu.memory_space<hbm>>) dst(%dma_wait3A_219 : memref<128xi32, #tpu.memory_space<vmem>>)
      %run_scoped3A_227 = arith.constant 1 : i32
      "tpu.region"() ({
        %run_scoped3A_370 = tpu.sem_alloc : memref<!tpu.dma_semaphore, #tpu.memory_space<semaphore_mem>>
        %dma_start3A_371 = arith.constant 0 : i32
        %dma_start3A_372 = tpu.memref_slice %arg7[%run_scoped3A_227, %dma_start3A_371] : memref<6x128xi32, #tpu.memory_space<vmem>> -> memref<1x128xi32, #tpu.memory_space<vmem>>
        %dma_start3A_373 = tpu.memref_squeeze %dma_start3A_372 : memref<1x128xi32, #tpu.memory_space<vmem>> -> memref<128xi32, #tpu.memory_space<vmem>>
        %dma_start3A_374 = arith.constant 0 : i32
        %dma_start3A_375 = tpu.memref_slice %arg6[%dma_start3A_374] : memref<10240xf32, #tpu.memory_space<vmem_shared>> -> memref<10240xf32, #tpu.memory_space<vmem_shared>>
        tpu.enqueue_indirect_dma source(%arg8 : memref<128xf32, #tpu.memory_space<vmem>>) target(%dma_start3A_375 : memref<10240xf32, #tpu.memory_space<vmem_shared>>) offsets(%dma_start3A_373 : memref<128xi32, #tpu.memory_space<vmem>>) semaphore(%run_scoped3A_370 : memref<!tpu.dma_semaphore, #tpu.memory_space<semaphore_mem>>) {add = true}
        %dma_wait3A_376 = arith.constant 0 : i32
        %dma_wait3A_377 = tpu.memref_slice %arg7[%run_scoped3A_227, %dma_wait3A_376] : memref<6x128xi32, #tpu.memory_space<vmem>> -> memref<1x128xi32, #tpu.memory_space<vmem>>
        %dma_wait3A_378 = tpu.memref_squeeze %dma_wait3A_377 : memref<1x128xi32, #tpu.memory_space<vmem>> -> memref<128xi32, #tpu.memory_space<vmem>>
        %dma_wait3A_379 = arith.constant 0 : i32
        %dma_wait3A_380 = tpu.memref_slice %arg6[%dma_wait3A_379] : memref<10240xf32, #tpu.memory_space<vmem_shared>> -> memref<10240xf32, #tpu.memory_space<vmem_shared>>
        tpu.wait_indirect_dma semaphore(%run_scoped3A_370 : memref<!tpu.dma_semaphore, #tpu.memory_space<semaphore_mem>>) src(%arg8 : memref<128xf32, #tpu.memory_space<vmem>>) dst(%dma_wait3A_380 : memref<10240xf32, #tpu.memory_space<vmem_shared>>)
        tpu.yield
      }) : () -> ()
      %add3A_228 = arith.constant 6 : i32
      %add3A_229 = arith.addi %add3A_203, %add3A_228 : i32
      %lt3A_230 = arith.cmpi slt, %add3A_229, %add3A_8 : i32
      %convert_element_type3A_231 = arith.extui %lt3A_230 : i1 to i32
      %cond3A_232 = arith.constant 0 : i32
      %cond3A_233 = arith.cmpi ne, %convert_element_type3A_231, %cond3A_232 : i32
      scf.if %cond3A_233 {
        %add3A_370 = arith.addi %add3A_4, %add3A_203 : i32
        %add3A_371 = arith.constant 6 : i32
        %add3A_372 = arith.addi %add3A_370, %add3A_371 : i32
        %dma_start3A_373 = arith.constant 1 : i32
        %dma_start3A_374 = arith.constant 1 : i32
        %dma_start3A_375 = arith.constant 0 : i32
        %dma_start3A_376 = tpu.memref_slice %arg7[%dma_start3A_374, %dma_start3A_375] : memref<6x128xi32, #tpu.memory_space<vmem>> -> memref<1x128xi32, #tpu.memory_space<vmem>>
        %dma_start3A_377 = tpu.memref_squeeze %dma_start3A_376 : memref<1x128xi32, #tpu.memory_space<vmem>> -> memref<128xi32, #tpu.memory_space<vmem>>
        %dma_start3A_378 = arith.constant 0 : i32
        %dma_start3A_379 = arith.constant 0 : i32
        %dma_start3A_380 = tpu.memref_slice %arg2[%dma_start3A_373, %dma_start3A_378, %dma_start3A_379] : memref<2x2500x128xi32, #tpu.memory_space<hbm>> -> memref<1x2500x128xi32, #tpu.memory_space<hbm>>
        %dma_start3A_381 = tpu.memref_squeeze %dma_start3A_380 : memref<1x2500x128xi32, #tpu.memory_space<hbm>> -> memref<2500x128xi32, #tpu.memory_space<hbm>>
        %dma_start3A_382 = arith.constant 0 : i32
        %dma_start3A_383 = tpu.memref_slice %dma_start3A_381[%add3A_372, %dma_start3A_382] : memref<2500x128xi32, #tpu.memory_space<hbm>> -> memref<1x128xi32, #tpu.memory_space<hbm>>
        %dma_start3A_384 = tpu.memref_squeeze %dma_start3A_383 : memref<1x128xi32, #tpu.memory_space<hbm>> -> memref<128xi32, #tpu.memory_space<hbm>>
        %dma_start3A_385 = arith.constant 0 : i32
        %dma_start3A_386 = tpu.memref_slice %arg7[%dma_start3A_374, %dma_start3A_385] : memref<6x128xi32, #tpu.memory_space<vmem>> -> memref<1x128xi32, #tpu.memory_space<vmem>>
        %dma_start3A_387 = tpu.memref_squeeze %dma_start3A_386 : memref<1x128xi32, #tpu.memory_space<vmem>> -> memref<128xi32, #tpu.memory_space<vmem>>
        %dma_start3A_388 = arith.constant 0 : i32
        %dma_start3A_389 = arith.constant 0 : i32
        %dma_start3A_390 = tpu.memref_slice %arg2[%dma_start3A_373, %dma_start3A_388, %dma_start3A_389] : memref<2x2500x128xi32, #tpu.memory_space<hbm>> -> memref<1x2500x128xi32, #tpu.memory_space<hbm>>
        %dma_start3A_391 = tpu.memref_squeeze %dma_start3A_390 : memref<1x2500x128xi32, #tpu.memory_space<hbm>> -> memref<2500x128xi32, #tpu.memory_space<hbm>>
        %dma_start3A_392 = arith.constant 0 : i32
        %dma_start3A_393 = tpu.memref_slice %dma_start3A_391[%add3A_372, %dma_start3A_392] : memref<2500x128xi32, #tpu.memory_space<hbm>> -> memref<1x128xi32, #tpu.memory_space<hbm>>
        %dma_start3A_394 = tpu.memref_squeeze %dma_start3A_393 : memref<1x128xi32, #tpu.memory_space<hbm>> -> memref<128xi32, #tpu.memory_space<hbm>>
        tpu.enqueue_dma source(%dma_start3A_394 : memref<128xi32, #tpu.memory_space<hbm>>) target(%dma_start3A_387 : memref<128xi32, #tpu.memory_space<vmem>>) target_semaphore(%arg9 : memref<!tpu.dma_semaphore, #tpu.memory_space<semaphore_mem>>)
      } else {
      }
      %mul3A_234 = arith.constant 6 : i32
      %mul3A_235 = arith.muli %scan3A_167, %mul3A_234 : i32
      %add3A_236 = arith.constant 2 : i32
      %add3A_237 = arith.addi %mul3A_235, %add3A_236 : i32
      %add3A_238 = arith.addi %add3A_4, %add3A_237 : i32
      %dma_wait3A_239 = arith.constant 1 : i32
      %dma_wait3A_240 = arith.constant 2 : i32
      %dma_wait3A_241 = arith.constant 0 : i32
      %dma_wait3A_242 = tpu.memref_slice %arg7[%dma_wait3A_240, %dma_wait3A_241] : memref<6x128xi32, #tpu.memory_space<vmem>> -> memref<1x128xi32, #tpu.memory_space<vmem>>
      %dma_wait3A_243 = tpu.memref_squeeze %dma_wait3A_242 : memref<1x128xi32, #tpu.memory_space<vmem>> -> memref<128xi32, #tpu.memory_space<vmem>>
      %dma_wait3A_244 = arith.constant 0 : i32
      %dma_wait3A_245 = arith.constant 0 : i32
      %dma_wait3A_246 = tpu.memref_slice %arg2[%dma_wait3A_239, %dma_wait3A_244, %dma_wait3A_245] : memref<2x2500x128xi32, #tpu.memory_space<hbm>> -> memref<1x2500x128xi32, #tpu.memory_space<hbm>>
      %dma_wait3A_247 = tpu.memref_squeeze %dma_wait3A_246 : memref<1x2500x128xi32, #tpu.memory_space<hbm>> -> memref<2500x128xi32, #tpu.memory_space<hbm>>
      %dma_wait3A_248 = arith.constant 0 : i32
      %dma_wait3A_249 = tpu.memref_slice %dma_wait3A_247[%add3A_238, %dma_wait3A_248] : memref<2500x128xi32, #tpu.memory_space<hbm>> -> memref<1x128xi32, #tpu.memory_space<hbm>>
      %dma_wait3A_250 = tpu.memref_squeeze %dma_wait3A_249 : memref<1x128xi32, #tpu.memory_space<hbm>> -> memref<128xi32, #tpu.memory_space<hbm>>
      %dma_wait3A_251 = arith.constant 0 : i32
      %dma_wait3A_252 = tpu.memref_slice %arg7[%dma_wait3A_240, %dma_wait3A_251] : memref<6x128xi32, #tpu.memory_space<vmem>> -> memref<1x128xi32, #tpu.memory_space<vmem>>
      %dma_wait3A_253 = tpu.memref_squeeze %dma_wait3A_252 : memref<1x128xi32, #tpu.memory_space<vmem>> -> memref<128xi32, #tpu.memory_space<vmem>>
      %dma_wait3A_254 = arith.constant 0 : i32
      %dma_wait3A_255 = arith.constant 0 : i32
      %dma_wait3A_256 = tpu.memref_slice %arg2[%dma_wait3A_239, %dma_wait3A_254, %dma_wait3A_255] : memref<2x2500x128xi32, #tpu.memory_space<hbm>> -> memref<1x2500x128xi32, #tpu.memory_space<hbm>>
      %dma_wait3A_257 = tpu.memref_squeeze %dma_wait3A_256 : memref<1x2500x128xi32, #tpu.memory_space<hbm>> -> memref<2500x128xi32, #tpu.memory_space<hbm>>
      %dma_wait3A_258 = arith.constant 0 : i32
      %dma_wait3A_259 = tpu.memref_slice %dma_wait3A_257[%add3A_238, %dma_wait3A_258] : memref<2500x128xi32, #tpu.memory_space<hbm>> -> memref<1x128xi32, #tpu.memory_space<hbm>>
      %dma_wait3A_260 = tpu.memref_squeeze %dma_wait3A_259 : memref<1x128xi32, #tpu.memory_space<hbm>> -> memref<128xi32, #tpu.memory_space<hbm>>
      tpu.wait_dma2 semaphore(%arg9 : memref<!tpu.dma_semaphore, #tpu.memory_space<semaphore_mem>>) src(%dma_wait3A_260 : memref<128xi32, #tpu.memory_space<hbm>>) dst(%dma_wait3A_253 : memref<128xi32, #tpu.memory_space<vmem>>)
      %run_scoped3A_261 = arith.constant 2 : i32
      "tpu.region"() ({
        %run_scoped3A_370 = tpu.sem_alloc : memref<!tpu.dma_semaphore, #tpu.memory_space<semaphore_mem>>
        %dma_start3A_371 = arith.constant 0 : i32
        %dma_start3A_372 = tpu.memref_slice %arg7[%run_scoped3A_261, %dma_start3A_371] : memref<6x128xi32, #tpu.memory_space<vmem>> -> memref<1x128xi32, #tpu.memory_space<vmem>>
        %dma_start3A_373 = tpu.memref_squeeze %dma_start3A_372 : memref<1x128xi32, #tpu.memory_space<vmem>> -> memref<128xi32, #tpu.memory_space<vmem>>
        %dma_start3A_374 = arith.constant 0 : i32
        %dma_start3A_375 = tpu.memref_slice %arg6[%dma_start3A_374] : memref<10240xf32, #tpu.memory_space<vmem_shared>> -> memref<10240xf32, #tpu.memory_space<vmem_shared>>
        tpu.enqueue_indirect_dma source(%arg8 : memref<128xf32, #tpu.memory_space<vmem>>) target(%dma_start3A_375 : memref<10240xf32, #tpu.memory_space<vmem_shared>>) offsets(%dma_start3A_373 : memref<128xi32, #tpu.memory_space<vmem>>) semaphore(%run_scoped3A_370 : memref<!tpu.dma_semaphore, #tpu.memory_space<semaphore_mem>>) {add = true}
        %dma_wait3A_376 = arith.constant 0 : i32
        %dma_wait3A_377 = tpu.memref_slice %arg7[%run_scoped3A_261, %dma_wait3A_376] : memref<6x128xi32, #tpu.memory_space<vmem>> -> memref<1x128xi32, #tpu.memory_space<vmem>>
        %dma_wait3A_378 = tpu.memref_squeeze %dma_wait3A_377 : memref<1x128xi32, #tpu.memory_space<vmem>> -> memref<128xi32, #tpu.memory_space<vmem>>
        %dma_wait3A_379 = arith.constant 0 : i32
        %dma_wait3A_380 = tpu.memref_slice %arg6[%dma_wait3A_379] : memref<10240xf32, #tpu.memory_space<vmem_shared>> -> memref<10240xf32, #tpu.memory_space<vmem_shared>>
        tpu.wait_indirect_dma semaphore(%run_scoped3A_370 : memref<!tpu.dma_semaphore, #tpu.memory_space<semaphore_mem>>) src(%arg8 : memref<128xf32, #tpu.memory_space<vmem>>) dst(%dma_wait3A_380 : memref<10240xf32, #tpu.memory_space<vmem_shared>>)
        tpu.yield
      }) : () -> ()
      %add3A_262 = arith.constant 6 : i32
      %add3A_263 = arith.addi %add3A_237, %add3A_262 : i32
      %lt3A_264 = arith.cmpi slt, %add3A_263, %add3A_8 : i32
      %convert_element_type3A_265 = arith.extui %lt3A_264 : i1 to i32
      %cond3A_266 = arith.constant 0 : i32
      %cond3A_267 = arith.cmpi ne, %convert_element_type3A_265, %cond3A_266 : i32
      scf.if %cond3A_267 {
        %add3A_370 = arith.addi %add3A_4, %add3A_237 : i32
        %add3A_371 = arith.constant 6 : i32
        %add3A_372 = arith.addi %add3A_370, %add3A_371 : i32
        %dma_start3A_373 = arith.constant 1 : i32
        %dma_start3A_374 = arith.constant 2 : i32
        %dma_start3A_375 = arith.constant 0 : i32
        %dma_start3A_376 = tpu.memref_slice %arg7[%dma_start3A_374, %dma_start3A_375] : memref<6x128xi32, #tpu.memory_space<vmem>> -> memref<1x128xi32, #tpu.memory_space<vmem>>
        %dma_start3A_377 = tpu.memref_squeeze %dma_start3A_376 : memref<1x128xi32, #tpu.memory_space<vmem>> -> memref<128xi32, #tpu.memory_space<vmem>>
        %dma_start3A_378 = arith.constant 0 : i32
        %dma_start3A_379 = arith.constant 0 : i32
        %dma_start3A_380 = tpu.memref_slice %arg2[%dma_start3A_373, %dma_start3A_378, %dma_start3A_379] : memref<2x2500x128xi32, #tpu.memory_space<hbm>> -> memref<1x2500x128xi32, #tpu.memory_space<hbm>>
        %dma_start3A_381 = tpu.memref_squeeze %dma_start3A_380 : memref<1x2500x128xi32, #tpu.memory_space<hbm>> -> memref<2500x128xi32, #tpu.memory_space<hbm>>
        %dma_start3A_382 = arith.constant 0 : i32
        %dma_start3A_383 = tpu.memref_slice %dma_start3A_381[%add3A_372, %dma_start3A_382] : memref<2500x128xi32, #tpu.memory_space<hbm>> -> memref<1x128xi32, #tpu.memory_space<hbm>>
        %dma_start3A_384 = tpu.memref_squeeze %dma_start3A_383 : memref<1x128xi32, #tpu.memory_space<hbm>> -> memref<128xi32, #tpu.memory_space<hbm>>
        %dma_start3A_385 = arith.constant 0 : i32
        %dma_start3A_386 = tpu.memref_slice %arg7[%dma_start3A_374, %dma_start3A_385] : memref<6x128xi32, #tpu.memory_space<vmem>> -> memref<1x128xi32, #tpu.memory_space<vmem>>
        %dma_start3A_387 = tpu.memref_squeeze %dma_start3A_386 : memref<1x128xi32, #tpu.memory_space<vmem>> -> memref<128xi32, #tpu.memory_space<vmem>>
        %dma_start3A_388 = arith.constant 0 : i32
        %dma_start3A_389 = arith.constant 0 : i32
        %dma_start3A_390 = tpu.memref_slice %arg2[%dma_start3A_373, %dma_start3A_388, %dma_start3A_389] : memref<2x2500x128xi32, #tpu.memory_space<hbm>> -> memref<1x2500x128xi32, #tpu.memory_space<hbm>>
        %dma_start3A_391 = tpu.memref_squeeze %dma_start3A_390 : memref<1x2500x128xi32, #tpu.memory_space<hbm>> -> memref<2500x128xi32, #tpu.memory_space<hbm>>
        %dma_start3A_392 = arith.constant 0 : i32
        %dma_start3A_393 = tpu.memref_slice %dma_start3A_391[%add3A_372, %dma_start3A_392] : memref<2500x128xi32, #tpu.memory_space<hbm>> -> memref<1x128xi32, #tpu.memory_space<hbm>>
        %dma_start3A_394 = tpu.memref_squeeze %dma_start3A_393 : memref<1x128xi32, #tpu.memory_space<hbm>> -> memref<128xi32, #tpu.memory_space<hbm>>
        tpu.enqueue_dma source(%dma_start3A_394 : memref<128xi32, #tpu.memory_space<hbm>>) target(%dma_start3A_387 : memref<128xi32, #tpu.memory_space<vmem>>) target_semaphore(%arg9 : memref<!tpu.dma_semaphore, #tpu.memory_space<semaphore_mem>>)
      } else {
      }
      %mul3A_268 = arith.constant 6 : i32
      %mul3A_269 = arith.muli %scan3A_167, %mul3A_268 : i32
      %add3A_270 = arith.constant 3 : i32
      %add3A_271 = arith.addi %mul3A_269, %add3A_270 : i32
      %add3A_272 = arith.addi %add3A_4, %add3A_271 : i32
      %dma_wait3A_273 = arith.constant 1 : i32
      %dma_wait3A_274 = arith.constant 3 : i32
      %dma_wait3A_275 = arith.constant 0 : i32
      %dma_wait3A_276 = tpu.memref_slice %arg7[%dma_wait3A_274, %dma_wait3A_275] : memref<6x128xi32, #tpu.memory_space<vmem>> -> memref<1x128xi32, #tpu.memory_space<vmem>>
      %dma_wait3A_277 = tpu.memref_squeeze %dma_wait3A_276 : memref<1x128xi32, #tpu.memory_space<vmem>> -> memref<128xi32, #tpu.memory_space<vmem>>
      %dma_wait3A_278 = arith.constant 0 : i32
      %dma_wait3A_279 = arith.constant 0 : i32
      %dma_wait3A_280 = tpu.memref_slice %arg2[%dma_wait3A_273, %dma_wait3A_278, %dma_wait3A_279] : memref<2x2500x128xi32, #tpu.memory_space<hbm>> -> memref<1x2500x128xi32, #tpu.memory_space<hbm>>
      %dma_wait3A_281 = tpu.memref_squeeze %dma_wait3A_280 : memref<1x2500x128xi32, #tpu.memory_space<hbm>> -> memref<2500x128xi32, #tpu.memory_space<hbm>>
      %dma_wait3A_282 = arith.constant 0 : i32
      %dma_wait3A_283 = tpu.memref_slice %dma_wait3A_281[%add3A_272, %dma_wait3A_282] : memref<2500x128xi32, #tpu.memory_space<hbm>> -> memref<1x128xi32, #tpu.memory_space<hbm>>
      %dma_wait3A_284 = tpu.memref_squeeze %dma_wait3A_283 : memref<1x128xi32, #tpu.memory_space<hbm>> -> memref<128xi32, #tpu.memory_space<hbm>>
      %dma_wait3A_285 = arith.constant 0 : i32
      %dma_wait3A_286 = tpu.memref_slice %arg7[%dma_wait3A_274, %dma_wait3A_285] : memref<6x128xi32, #tpu.memory_space<vmem>> -> memref<1x128xi32, #tpu.memory_space<vmem>>
      %dma_wait3A_287 = tpu.memref_squeeze %dma_wait3A_286 : memref<1x128xi32, #tpu.memory_space<vmem>> -> memref<128xi32, #tpu.memory_space<vmem>>
      %dma_wait3A_288 = arith.constant 0 : i32
      %dma_wait3A_289 = arith.constant 0 : i32
      %dma_wait3A_290 = tpu.memref_slice %arg2[%dma_wait3A_273, %dma_wait3A_288, %dma_wait3A_289] : memref<2x2500x128xi32, #tpu.memory_space<hbm>> -> memref<1x2500x128xi32, #tpu.memory_space<hbm>>
      %dma_wait3A_291 = tpu.memref_squeeze %dma_wait3A_290 : memref<1x2500x128xi32, #tpu.memory_space<hbm>> -> memref<2500x128xi32, #tpu.memory_space<hbm>>
      %dma_wait3A_292 = arith.constant 0 : i32
      %dma_wait3A_293 = tpu.memref_slice %dma_wait3A_291[%add3A_272, %dma_wait3A_292] : memref<2500x128xi32, #tpu.memory_space<hbm>> -> memref<1x128xi32, #tpu.memory_space<hbm>>
      %dma_wait3A_294 = tpu.memref_squeeze %dma_wait3A_293 : memref<1x128xi32, #tpu.memory_space<hbm>> -> memref<128xi32, #tpu.memory_space<hbm>>
      tpu.wait_dma2 semaphore(%arg9 : memref<!tpu.dma_semaphore, #tpu.memory_space<semaphore_mem>>) src(%dma_wait3A_294 : memref<128xi32, #tpu.memory_space<hbm>>) dst(%dma_wait3A_287 : memref<128xi32, #tpu.memory_space<vmem>>)
      %run_scoped3A_295 = arith.constant 3 : i32
      "tpu.region"() ({
        %run_scoped3A_370 = tpu.sem_alloc : memref<!tpu.dma_semaphore, #tpu.memory_space<semaphore_mem>>
        %dma_start3A_371 = arith.constant 0 : i32
        %dma_start3A_372 = tpu.memref_slice %arg7[%run_scoped3A_295, %dma_start3A_371] : memref<6x128xi32, #tpu.memory_space<vmem>> -> memref<1x128xi32, #tpu.memory_space<vmem>>
        %dma_start3A_373 = tpu.memref_squeeze %dma_start3A_372 : memref<1x128xi32, #tpu.memory_space<vmem>> -> memref<128xi32, #tpu.memory_space<vmem>>
        %dma_start3A_374 = arith.constant 0 : i32
        %dma_start3A_375 = tpu.memref_slice %arg6[%dma_start3A_374] : memref<10240xf32, #tpu.memory_space<vmem_shared>> -> memref<10240xf32, #tpu.memory_space<vmem_shared>>
        tpu.enqueue_indirect_dma source(%arg8 : memref<128xf32, #tpu.memory_space<vmem>>) target(%dma_start3A_375 : memref<10240xf32, #tpu.memory_space<vmem_shared>>) offsets(%dma_start3A_373 : memref<128xi32, #tpu.memory_space<vmem>>) semaphore(%run_scoped3A_370 : memref<!tpu.dma_semaphore, #tpu.memory_space<semaphore_mem>>) {add = true}
        %dma_wait3A_376 = arith.constant 0 : i32
        %dma_wait3A_377 = tpu.memref_slice %arg7[%run_scoped3A_295, %dma_wait3A_376] : memref<6x128xi32, #tpu.memory_space<vmem>> -> memref<1x128xi32, #tpu.memory_space<vmem>>
        %dma_wait3A_378 = tpu.memref_squeeze %dma_wait3A_377 : memref<1x128xi32, #tpu.memory_space<vmem>> -> memref<128xi32, #tpu.memory_space<vmem>>
        %dma_wait3A_379 = arith.constant 0 : i32
        %dma_wait3A_380 = tpu.memref_slice %arg6[%dma_wait3A_379] : memref<10240xf32, #tpu.memory_space<vmem_shared>> -> memref<10240xf32, #tpu.memory_space<vmem_shared>>
        tpu.wait_indirect_dma semaphore(%run_scoped3A_370 : memref<!tpu.dma_semaphore, #tpu.memory_space<semaphore_mem>>) src(%arg8 : memref<128xf32, #tpu.memory_space<vmem>>) dst(%dma_wait3A_380 : memref<10240xf32, #tpu.memory_space<vmem_shared>>)
        tpu.yield
      }) : () -> ()
      %add3A_296 = arith.constant 6 : i32
      %add3A_297 = arith.addi %add3A_271, %add3A_296 : i32
      %lt3A_298 = arith.cmpi slt, %add3A_297, %add3A_8 : i32
      %convert_element_type3A_299 = arith.extui %lt3A_298 : i1 to i32
      %cond3A_300 = arith.constant 0 : i32
      %cond3A_301 = arith.cmpi ne, %convert_element_type3A_299, %cond3A_300 : i32
      scf.if %cond3A_301 {
        %add3A_370 = arith.addi %add3A_4, %add3A_271 : i32
        %add3A_371 = arith.constant 6 : i32
        %add3A_372 = arith.addi %add3A_370, %add3A_371 : i32
        %dma_start3A_373 = arith.constant 1 : i32
        %dma_start3A_374 = arith.constant 3 : i32
        %dma_start3A_375 = arith.constant 0 : i32
        %dma_start3A_376 = tpu.memref_slice %arg7[%dma_start3A_374, %dma_start3A_375] : memref<6x128xi32, #tpu.memory_space<vmem>> -> memref<1x128xi32, #tpu.memory_space<vmem>>
        %dma_start3A_377 = tpu.memref_squeeze %dma_start3A_376 : memref<1x128xi32, #tpu.memory_space<vmem>> -> memref<128xi32, #tpu.memory_space<vmem>>
        %dma_start3A_378 = arith.constant 0 : i32
        %dma_start3A_379 = arith.constant 0 : i32
        %dma_start3A_380 = tpu.memref_slice %arg2[%dma_start3A_373, %dma_start3A_378, %dma_start3A_379] : memref<2x2500x128xi32, #tpu.memory_space<hbm>> -> memref<1x2500x128xi32, #tpu.memory_space<hbm>>
        %dma_start3A_381 = tpu.memref_squeeze %dma_start3A_380 : memref<1x2500x128xi32, #tpu.memory_space<hbm>> -> memref<2500x128xi32, #tpu.memory_space<hbm>>
        %dma_start3A_382 = arith.constant 0 : i32
        %dma_start3A_383 = tpu.memref_slice %dma_start3A_381[%add3A_372, %dma_start3A_382] : memref<2500x128xi32, #tpu.memory_space<hbm>> -> memref<1x128xi32, #tpu.memory_space<hbm>>
        %dma_start3A_384 = tpu.memref_squeeze %dma_start3A_383 : memref<1x128xi32, #tpu.memory_space<hbm>> -> memref<128xi32, #tpu.memory_space<hbm>>
        %dma_start3A_385 = arith.constant 0 : i32
        %dma_start3A_386 = tpu.memref_slice %arg7[%dma_start3A_374, %dma_start3A_385] : memref<6x128xi32, #tpu.memory_space<vmem>> -> memref<1x128xi32, #tpu.memory_space<vmem>>
        %dma_start3A_387 = tpu.memref_squeeze %dma_start3A_386 : memref<1x128xi32, #tpu.memory_space<vmem>> -> memref<128xi32, #tpu.memory_space<vmem>>
        %dma_start3A_388 = arith.constant 0 : i32
        %dma_start3A_389 = arith.constant 0 : i32
        %dma_start3A_390 = tpu.memref_slice %arg2[%dma_start3A_373, %dma_start3A_388, %dma_start3A_389] : memref<2x2500x128xi32, #tpu.memory_space<hbm>> -> memref<1x2500x128xi32, #tpu.memory_space<hbm>>
        %dma_start3A_391 = tpu.memref_squeeze %dma_start3A_390 : memref<1x2500x128xi32, #tpu.memory_space<hbm>> -> memref<2500x128xi32, #tpu.memory_space<hbm>>
        %dma_start3A_392 = arith.constant 0 : i32
        %dma_start3A_393 = tpu.memref_slice %dma_start3A_391[%add3A_372, %dma_start3A_392] : memref<2500x128xi32, #tpu.memory_space<hbm>> -> memref<1x128xi32, #tpu.memory_space<hbm>>
        %dma_start3A_394 = tpu.memref_squeeze %dma_start3A_393 : memref<1x128xi32, #tpu.memory_space<hbm>> -> memref<128xi32, #tpu.memory_space<hbm>>
        tpu.enqueue_dma source(%dma_start3A_394 : memref<128xi32, #tpu.memory_space<hbm>>) target(%dma_start3A_387 : memref<128xi32, #tpu.memory_space<vmem>>) target_semaphore(%arg9 : memref<!tpu.dma_semaphore, #tpu.memory_space<semaphore_mem>>)
      } else {
      }
      %mul3A_302 = arith.constant 6 : i32
      %mul3A_303 = arith.muli %scan3A_167, %mul3A_302 : i32
      %add3A_304 = arith.constant 4 : i32
      %add3A_305 = arith.addi %mul3A_303, %add3A_304 : i32
      %add3A_306 = arith.addi %add3A_4, %add3A_305 : i32
      %dma_wait3A_307 = arith.constant 1 : i32
      %dma_wait3A_308 = arith.constant 4 : i32
      %dma_wait3A_309 = arith.constant 0 : i32
      %dma_wait3A_310 = tpu.memref_slice %arg7[%dma_wait3A_308, %dma_wait3A_309] : memref<6x128xi32, #tpu.memory_space<vmem>> -> memref<1x128xi32, #tpu.memory_space<vmem>>
      %dma_wait3A_311 = tpu.memref_squeeze %dma_wait3A_310 : memref<1x128xi32, #tpu.memory_space<vmem>> -> memref<128xi32, #tpu.memory_space<vmem>>
      %dma_wait3A_312 = arith.constant 0 : i32
      %dma_wait3A_313 = arith.constant 0 : i32
      %dma_wait3A_314 = tpu.memref_slice %arg2[%dma_wait3A_307, %dma_wait3A_312, %dma_wait3A_313] : memref<2x2500x128xi32, #tpu.memory_space<hbm>> -> memref<1x2500x128xi32, #tpu.memory_space<hbm>>
      %dma_wait3A_315 = tpu.memref_squeeze %dma_wait3A_314 : memref<1x2500x128xi32, #tpu.memory_space<hbm>> -> memref<2500x128xi32, #tpu.memory_space<hbm>>
      %dma_wait3A_316 = arith.constant 0 : i32
      %dma_wait3A_317 = tpu.memref_slice %dma_wait3A_315[%add3A_306, %dma_wait3A_316] : memref<2500x128xi32, #tpu.memory_space<hbm>> -> memref<1x128xi32, #tpu.memory_space<hbm>>
      %dma_wait3A_318 = tpu.memref_squeeze %dma_wait3A_317 : memref<1x128xi32, #tpu.memory_space<hbm>> -> memref<128xi32, #tpu.memory_space<hbm>>
      %dma_wait3A_319 = arith.constant 0 : i32
      %dma_wait3A_320 = tpu.memref_slice %arg7[%dma_wait3A_308, %dma_wait3A_319] : memref<6x128xi32, #tpu.memory_space<vmem>> -> memref<1x128xi32, #tpu.memory_space<vmem>>
      %dma_wait3A_321 = tpu.memref_squeeze %dma_wait3A_320 : memref<1x128xi32, #tpu.memory_space<vmem>> -> memref<128xi32, #tpu.memory_space<vmem>>
      %dma_wait3A_322 = arith.constant 0 : i32
      %dma_wait3A_323 = arith.constant 0 : i32
      %dma_wait3A_324 = tpu.memref_slice %arg2[%dma_wait3A_307, %dma_wait3A_322, %dma_wait3A_323] : memref<2x2500x128xi32, #tpu.memory_space<hbm>> -> memref<1x2500x128xi32, #tpu.memory_space<hbm>>
      %dma_wait3A_325 = tpu.memref_squeeze %dma_wait3A_324 : memref<1x2500x128xi32, #tpu.memory_space<hbm>> -> memref<2500x128xi32, #tpu.memory_space<hbm>>
      %dma_wait3A_326 = arith.constant 0 : i32
      %dma_wait3A_327 = tpu.memref_slice %dma_wait3A_325[%add3A_306, %dma_wait3A_326] : memref<2500x128xi32, #tpu.memory_space<hbm>> -> memref<1x128xi32, #tpu.memory_space<hbm>>
      %dma_wait3A_328 = tpu.memref_squeeze %dma_wait3A_327 : memref<1x128xi32, #tpu.memory_space<hbm>> -> memref<128xi32, #tpu.memory_space<hbm>>
      tpu.wait_dma2 semaphore(%arg9 : memref<!tpu.dma_semaphore, #tpu.memory_space<semaphore_mem>>) src(%dma_wait3A_328 : memref<128xi32, #tpu.memory_space<hbm>>) dst(%dma_wait3A_321 : memref<128xi32, #tpu.memory_space<vmem>>)
      %run_scoped3A_329 = arith.constant 4 : i32
      "tpu.region"() ({
        %run_scoped3A_370 = tpu.sem_alloc : memref<!tpu.dma_semaphore, #tpu.memory_space<semaphore_mem>>
        %dma_start3A_371 = arith.constant 0 : i32
        %dma_start3A_372 = tpu.memref_slice %arg7[%run_scoped3A_329, %dma_start3A_371] : memref<6x128xi32, #tpu.memory_space<vmem>> -> memref<1x128xi32, #tpu.memory_space<vmem>>
        %dma_start3A_373 = tpu.memref_squeeze %dma_start3A_372 : memref<1x128xi32, #tpu.memory_space<vmem>> -> memref<128xi32, #tpu.memory_space<vmem>>
        %dma_start3A_374 = arith.constant 0 : i32
        %dma_start3A_375 = tpu.memref_slice %arg6[%dma_start3A_374] : memref<10240xf32, #tpu.memory_space<vmem_shared>> -> memref<10240xf32, #tpu.memory_space<vmem_shared>>
        tpu.enqueue_indirect_dma source(%arg8 : memref<128xf32, #tpu.memory_space<vmem>>) target(%dma_start3A_375 : memref<10240xf32, #tpu.memory_space<vmem_shared>>) offsets(%dma_start3A_373 : memref<128xi32, #tpu.memory_space<vmem>>) semaphore(%run_scoped3A_370 : memref<!tpu.dma_semaphore, #tpu.memory_space<semaphore_mem>>) {add = true}
        %dma_wait3A_376 = arith.constant 0 : i32
        %dma_wait3A_377 = tpu.memref_slice %arg7[%run_scoped3A_329, %dma_wait3A_376] : memref<6x128xi32, #tpu.memory_space<vmem>> -> memref<1x128xi32, #tpu.memory_space<vmem>>
        %dma_wait3A_378 = tpu.memref_squeeze %dma_wait3A_377 : memref<1x128xi32, #tpu.memory_space<vmem>> -> memref<128xi32, #tpu.memory_space<vmem>>
        %dma_wait3A_379 = arith.constant 0 : i32
        %dma_wait3A_380 = tpu.memref_slice %arg6[%dma_wait3A_379] : memref<10240xf32, #tpu.memory_space<vmem_shared>> -> memref<10240xf32, #tpu.memory_space<vmem_shared>>
        tpu.wait_indirect_dma semaphore(%run_scoped3A_370 : memref<!tpu.dma_semaphore, #tpu.memory_space<semaphore_mem>>) src(%arg8 : memref<128xf32, #tpu.memory_space<vmem>>) dst(%dma_wait3A_380 : memref<10240xf32, #tpu.memory_space<vmem_shared>>)
        tpu.yield
      }) : () -> ()
      %add3A_330 = arith.constant 6 : i32
      %add3A_331 = arith.addi %add3A_305, %add3A_330 : i32
      %lt3A_332 = arith.cmpi slt, %add3A_331, %add3A_8 : i32
      %convert_element_type3A_333 = arith.extui %lt3A_332 : i1 to i32
      %cond3A_334 = arith.constant 0 : i32
      %cond3A_335 = arith.cmpi ne, %convert_element_type3A_333, %cond3A_334 : i32
      scf.if %cond3A_335 {
        %add3A_370 = arith.addi %add3A_4, %add3A_305 : i32
        %add3A_371 = arith.constant 6 : i32
        %add3A_372 = arith.addi %add3A_370, %add3A_371 : i32
        %dma_start3A_373 = arith.constant 1 : i32
        %dma_start3A_374 = arith.constant 4 : i32
        %dma_start3A_375 = arith.constant 0 : i32
        %dma_start3A_376 = tpu.memref_slice %arg7[%dma_start3A_374, %dma_start3A_375] : memref<6x128xi32, #tpu.memory_space<vmem>> -> memref<1x128xi32, #tpu.memory_space<vmem>>
        %dma_start3A_377 = tpu.memref_squeeze %dma_start3A_376 : memref<1x128xi32, #tpu.memory_space<vmem>> -> memref<128xi32, #tpu.memory_space<vmem>>
        %dma_start3A_378 = arith.constant 0 : i32
        %dma_start3A_379 = arith.constant 0 : i32
        %dma_start3A_380 = tpu.memref_slice %arg2[%dma_start3A_373, %dma_start3A_378, %dma_start3A_379] : memref<2x2500x128xi32, #tpu.memory_space<hbm>> -> memref<1x2500x128xi32, #tpu.memory_space<hbm>>
        %dma_start3A_381 = tpu.memref_squeeze %dma_start3A_380 : memref<1x2500x128xi32, #tpu.memory_space<hbm>> -> memref<2500x128xi32, #tpu.memory_space<hbm>>
        %dma_start3A_382 = arith.constant 0 : i32
        %dma_start3A_383 = tpu.memref_slice %dma_start3A_381[%add3A_372, %dma_start3A_382] : memref<2500x128xi32, #tpu.memory_space<hbm>> -> memref<1x128xi32, #tpu.memory_space<hbm>>
        %dma_start3A_384 = tpu.memref_squeeze %dma_start3A_383 : memref<1x128xi32, #tpu.memory_space<hbm>> -> memref<128xi32, #tpu.memory_space<hbm>>
        %dma_start3A_385 = arith.constant 0 : i32
        %dma_start3A_386 = tpu.memref_slice %arg7[%dma_start3A_374, %dma_start3A_385] : memref<6x128xi32, #tpu.memory_space<vmem>> -> memref<1x128xi32, #tpu.memory_space<vmem>>
        %dma_start3A_387 = tpu.memref_squeeze %dma_start3A_386 : memref<1x128xi32, #tpu.memory_space<vmem>> -> memref<128xi32, #tpu.memory_space<vmem>>
        %dma_start3A_388 = arith.constant 0 : i32
        %dma_start3A_389 = arith.constant 0 : i32
        %dma_start3A_390 = tpu.memref_slice %arg2[%dma_start3A_373, %dma_start3A_388, %dma_start3A_389] : memref<2x2500x128xi32, #tpu.memory_space<hbm>> -> memref<1x2500x128xi32, #tpu.memory_space<hbm>>
        %dma_start3A_391 = tpu.memref_squeeze %dma_start3A_390 : memref<1x2500x128xi32, #tpu.memory_space<hbm>> -> memref<2500x128xi32, #tpu.memory_space<hbm>>
        %dma_start3A_392 = arith.constant 0 : i32
        %dma_start3A_393 = tpu.memref_slice %dma_start3A_391[%add3A_372, %dma_start3A_392] : memref<2500x128xi32, #tpu.memory_space<hbm>> -> memref<1x128xi32, #tpu.memory_space<hbm>>
        %dma_start3A_394 = tpu.memref_squeeze %dma_start3A_393 : memref<1x128xi32, #tpu.memory_space<hbm>> -> memref<128xi32, #tpu.memory_space<hbm>>
        tpu.enqueue_dma source(%dma_start3A_394 : memref<128xi32, #tpu.memory_space<hbm>>) target(%dma_start3A_387 : memref<128xi32, #tpu.memory_space<vmem>>) target_semaphore(%arg9 : memref<!tpu.dma_semaphore, #tpu.memory_space<semaphore_mem>>)
      } else {
      }
      %mul3A_336 = arith.constant 6 : i32
      %mul3A_337 = arith.muli %scan3A_167, %mul3A_336 : i32
      %add3A_338 = arith.constant 5 : i32
      %add3A_339 = arith.addi %mul3A_337, %add3A_338 : i32
      %add3A_340 = arith.addi %add3A_4, %add3A_339 : i32
      %dma_wait3A_341 = arith.constant 1 : i32
      %dma_wait3A_342 = arith.constant 5 : i32
      %dma_wait3A_343 = arith.constant 0 : i32
      %dma_wait3A_344 = tpu.memref_slice %arg7[%dma_wait3A_342, %dma_wait3A_343] : memref<6x128xi32, #tpu.memory_space<vmem>> -> memref<1x128xi32, #tpu.memory_space<vmem>>
      %dma_wait3A_345 = tpu.memref_squeeze %dma_wait3A_344 : memref<1x128xi32, #tpu.memory_space<vmem>> -> memref<128xi32, #tpu.memory_space<vmem>>
      %dma_wait3A_346 = arith.constant 0 : i32
      %dma_wait3A_347 = arith.constant 0 : i32
      %dma_wait3A_348 = tpu.memref_slice %arg2[%dma_wait3A_341, %dma_wait3A_346, %dma_wait3A_347] : memref<2x2500x128xi32, #tpu.memory_space<hbm>> -> memref<1x2500x128xi32, #tpu.memory_space<hbm>>
      %dma_wait3A_349 = tpu.memref_squeeze %dma_wait3A_348 : memref<1x2500x128xi32, #tpu.memory_space<hbm>> -> memref<2500x128xi32, #tpu.memory_space<hbm>>
      %dma_wait3A_350 = arith.constant 0 : i32
      %dma_wait3A_351 = tpu.memref_slice %dma_wait3A_349[%add3A_340, %dma_wait3A_350] : memref<2500x128xi32, #tpu.memory_space<hbm>> -> memref<1x128xi32, #tpu.memory_space<hbm>>
      %dma_wait3A_352 = tpu.memref_squeeze %dma_wait3A_351 : memref<1x128xi32, #tpu.memory_space<hbm>> -> memref<128xi32, #tpu.memory_space<hbm>>
      %dma_wait3A_353 = arith.constant 0 : i32
      %dma_wait3A_354 = tpu.memref_slice %arg7[%dma_wait3A_342, %dma_wait3A_353] : memref<6x128xi32, #tpu.memory_space<vmem>> -> memref<1x128xi32, #tpu.memory_space<vmem>>
      %dma_wait3A_355 = tpu.memref_squeeze %dma_wait3A_354 : memref<1x128xi32, #tpu.memory_space<vmem>> -> memref<128xi32, #tpu.memory_space<vmem>>
      %dma_wait3A_356 = arith.constant 0 : i32
      %dma_wait3A_357 = arith.constant 0 : i32
      %dma_wait3A_358 = tpu.memref_slice %arg2[%dma_wait3A_341, %dma_wait3A_356, %dma_wait3A_357] : memref<2x2500x128xi32, #tpu.memory_space<hbm>> -> memref<1x2500x128xi32, #tpu.memory_space<hbm>>
      %dma_wait3A_359 = tpu.memref_squeeze %dma_wait3A_358 : memref<1x2500x128xi32, #tpu.memory_space<hbm>> -> memref<2500x128xi32, #tpu.memory_space<hbm>>
      %dma_wait3A_360 = arith.constant 0 : i32
      %dma_wait3A_361 = tpu.memref_slice %dma_wait3A_359[%add3A_340, %dma_wait3A_360] : memref<2500x128xi32, #tpu.memory_space<hbm>> -> memref<1x128xi32, #tpu.memory_space<hbm>>
      %dma_wait3A_362 = tpu.memref_squeeze %dma_wait3A_361 : memref<1x128xi32, #tpu.memory_space<hbm>> -> memref<128xi32, #tpu.memory_space<hbm>>
      tpu.wait_dma2 semaphore(%arg9 : memref<!tpu.dma_semaphore, #tpu.memory_space<semaphore_mem>>) src(%dma_wait3A_362 : memref<128xi32, #tpu.memory_space<hbm>>) dst(%dma_wait3A_355 : memref<128xi32, #tpu.memory_space<vmem>>)
      %run_scoped3A_363 = arith.constant 5 : i32
      "tpu.region"() ({
        %run_scoped3A_370 = tpu.sem_alloc : memref<!tpu.dma_semaphore, #tpu.memory_space<semaphore_mem>>
        %dma_start3A_371 = arith.constant 0 : i32
        %dma_start3A_372 = tpu.memref_slice %arg7[%run_scoped3A_363, %dma_start3A_371] : memref<6x128xi32, #tpu.memory_space<vmem>> -> memref<1x128xi32, #tpu.memory_space<vmem>>
        %dma_start3A_373 = tpu.memref_squeeze %dma_start3A_372 : memref<1x128xi32, #tpu.memory_space<vmem>> -> memref<128xi32, #tpu.memory_space<vmem>>
        %dma_start3A_374 = arith.constant 0 : i32
        %dma_start3A_375 = tpu.memref_slice %arg6[%dma_start3A_374] : memref<10240xf32, #tpu.memory_space<vmem_shared>> -> memref<10240xf32, #tpu.memory_space<vmem_shared>>
        tpu.enqueue_indirect_dma source(%arg8 : memref<128xf32, #tpu.memory_space<vmem>>) target(%dma_start3A_375 : memref<10240xf32, #tpu.memory_space<vmem_shared>>) offsets(%dma_start3A_373 : memref<128xi32, #tpu.memory_space<vmem>>) semaphore(%run_scoped3A_370 : memref<!tpu.dma_semaphore, #tpu.memory_space<semaphore_mem>>) {add = true}
        %dma_wait3A_376 = arith.constant 0 : i32
        %dma_wait3A_377 = tpu.memref_slice %arg7[%run_scoped3A_363, %dma_wait3A_376] : memref<6x128xi32, #tpu.memory_space<vmem>> -> memref<1x128xi32, #tpu.memory_space<vmem>>
        %dma_wait3A_378 = tpu.memref_squeeze %dma_wait3A_377 : memref<1x128xi32, #tpu.memory_space<vmem>> -> memref<128xi32, #tpu.memory_space<vmem>>
        %dma_wait3A_379 = arith.constant 0 : i32
        %dma_wait3A_380 = tpu.memref_slice %arg6[%dma_wait3A_379] : memref<10240xf32, #tpu.memory_space<vmem_shared>> -> memref<10240xf32, #tpu.memory_space<vmem_shared>>
        tpu.wait_indirect_dma semaphore(%run_scoped3A_370 : memref<!tpu.dma_semaphore, #tpu.memory_space<semaphore_mem>>) src(%arg8 : memref<128xf32, #tpu.memory_space<vmem>>) dst(%dma_wait3A_380 : memref<10240xf32, #tpu.memory_space<vmem_shared>>)
        tpu.yield
      }) : () -> ()
      %add3A_364 = arith.constant 6 : i32
      %add3A_365 = arith.addi %add3A_339, %add3A_364 : i32
      %lt3A_366 = arith.cmpi slt, %add3A_365, %add3A_8 : i32
      %convert_element_type3A_367 = arith.extui %lt3A_366 : i1 to i32
      %cond3A_368 = arith.constant 0 : i32
      %cond3A_369 = arith.cmpi ne, %convert_element_type3A_367, %cond3A_368 : i32
      scf.if %cond3A_369 {
        %add3A_370 = arith.addi %add3A_4, %add3A_339 : i32
        %add3A_371 = arith.constant 6 : i32
        %add3A_372 = arith.addi %add3A_370, %add3A_371 : i32
        %dma_start3A_373 = arith.constant 1 : i32
        %dma_start3A_374 = arith.constant 5 : i32
        %dma_start3A_375 = arith.constant 0 : i32
        %dma_start3A_376 = tpu.memref_slice %arg7[%dma_start3A_374, %dma_start3A_375] : memref<6x128xi32, #tpu.memory_space<vmem>> -> memref<1x128xi32, #tpu.memory_space<vmem>>
        %dma_start3A_377 = tpu.memref_squeeze %dma_start3A_376 : memref<1x128xi32, #tpu.memory_space<vmem>> -> memref<128xi32, #tpu.memory_space<vmem>>
        %dma_start3A_378 = arith.constant 0 : i32
        %dma_start3A_379 = arith.constant 0 : i32
        %dma_start3A_380 = tpu.memref_slice %arg2[%dma_start3A_373, %dma_start3A_378, %dma_start3A_379] : memref<2x2500x128xi32, #tpu.memory_space<hbm>> -> memref<1x2500x128xi32, #tpu.memory_space<hbm>>
        %dma_start3A_381 = tpu.memref_squeeze %dma_start3A_380 : memref<1x2500x128xi32, #tpu.memory_space<hbm>> -> memref<2500x128xi32, #tpu.memory_space<hbm>>
        %dma_start3A_382 = arith.constant 0 : i32
        %dma_start3A_383 = tpu.memref_slice %dma_start3A_381[%add3A_372, %dma_start3A_382] : memref<2500x128xi32, #tpu.memory_space<hbm>> -> memref<1x128xi32, #tpu.memory_space<hbm>>
        %dma_start3A_384 = tpu.memref_squeeze %dma_start3A_383 : memref<1x128xi32, #tpu.memory_space<hbm>> -> memref<128xi32, #tpu.memory_space<hbm>>
        %dma_start3A_385 = arith.constant 0 : i32
        %dma_start3A_386 = tpu.memref_slice %arg7[%dma_start3A_374, %dma_start3A_385] : memref<6x128xi32, #tpu.memory_space<vmem>> -> memref<1x128xi32, #tpu.memory_space<vmem>>
        %dma_start3A_387 = tpu.memref_squeeze %dma_start3A_386 : memref<1x128xi32, #tpu.memory_space<vmem>> -> memref<128xi32, #tpu.memory_space<vmem>>
        %dma_start3A_388 = arith.constant 0 : i32
        %dma_start3A_389 = arith.constant 0 : i32
        %dma_start3A_390 = tpu.memref_slice %arg2[%dma_start3A_373, %dma_start3A_388, %dma_start3A_389] : memref<2x2500x128xi32, #tpu.memory_space<hbm>> -> memref<1x2500x128xi32, #tpu.memory_space<hbm>>
        %dma_start3A_391 = tpu.memref_squeeze %dma_start3A_390 : memref<1x2500x128xi32, #tpu.memory_space<hbm>> -> memref<2500x128xi32, #tpu.memory_space<hbm>>
        %dma_start3A_392 = arith.constant 0 : i32
        %dma_start3A_393 = tpu.memref_slice %dma_start3A_391[%add3A_372, %dma_start3A_392] : memref<2500x128xi32, #tpu.memory_space<hbm>> -> memref<1x128xi32, #tpu.memory_space<hbm>>
        %dma_start3A_394 = tpu.memref_squeeze %dma_start3A_393 : memref<1x128xi32, #tpu.memory_space<hbm>> -> memref<128xi32, #tpu.memory_space<hbm>>
        tpu.enqueue_dma source(%dma_start3A_394 : memref<128xi32, #tpu.memory_space<hbm>>) target(%dma_start3A_387 : memref<128xi32, #tpu.memory_space<vmem>>) target_semaphore(%arg9 : memref<!tpu.dma_semaphore, #tpu.memory_space<semaphore_mem>>)
      } else {
      }
    }
    %scan3A_158 = arith.constant 13 : i32
    %lt3A_159 = arith.constant 4 : i32
    %lt3A_160 = arith.cmpi slt, %add3A, %lt3A_159 : i32
    %convert_element_type3A = arith.extui %lt3A_160 : i1 to i32
    %cond3A = arith.constant 0 : i32
    %cond3A_161 = arith.cmpi ne, %convert_element_type3A, %cond3A : i32
    scf.if %cond3A_161 {
      %add3A_167 = arith.constant 78 : i32
      %add3A_168 = arith.addi %add3A_4, %add3A_167 : i32
      %dma_wait3A = arith.constant 1 : i32
      %dma_wait3A_169 = arith.constant 0 : i32
      %dma_wait3A_170 = arith.constant 0 : i32
      %dma_wait3A_171 = tpu.memref_slice %arg7[%dma_wait3A_169, %dma_wait3A_170] : memref<6x128xi32, #tpu.memory_space<vmem>> -> memref<1x128xi32, #tpu.memory_space<vmem>>
      %dma_wait3A_172 = tpu.memref_squeeze %dma_wait3A_171 : memref<1x128xi32, #tpu.memory_space<vmem>> -> memref<128xi32, #tpu.memory_space<vmem>>
      %dma_wait3A_173 = arith.constant 0 : i32
      %dma_wait3A_174 = arith.constant 0 : i32
      %dma_wait3A_175 = tpu.memref_slice %arg2[%dma_wait3A, %dma_wait3A_173, %dma_wait3A_174] : memref<2x2500x128xi32, #tpu.memory_space<hbm>> -> memref<1x2500x128xi32, #tpu.memory_space<hbm>>
      %dma_wait3A_176 = tpu.memref_squeeze %dma_wait3A_175 : memref<1x2500x128xi32, #tpu.memory_space<hbm>> -> memref<2500x128xi32, #tpu.memory_space<hbm>>
      %dma_wait3A_177 = arith.constant 0 : i32
      %dma_wait3A_178 = tpu.memref_slice %dma_wait3A_176[%add3A_168, %dma_wait3A_177] : memref<2500x128xi32, #tpu.memory_space<hbm>> -> memref<1x128xi32, #tpu.memory_space<hbm>>
      %dma_wait3A_179 = tpu.memref_squeeze %dma_wait3A_178 : memref<1x128xi32, #tpu.memory_space<hbm>> -> memref<128xi32, #tpu.memory_space<hbm>>
      %dma_wait3A_180 = arith.constant 0 : i32
      %dma_wait3A_181 = tpu.memref_slice %arg7[%dma_wait3A_169, %dma_wait3A_180] : memref<6x128xi32, #tpu.memory_space<vmem>> -> memref<1x128xi32, #tpu.memory_space<vmem>>
      %dma_wait3A_182 = tpu.memref_squeeze %dma_wait3A_181 : memref<1x128xi32, #tpu.memory_space<vmem>> -> memref<128xi32, #tpu.memory_space<vmem>>
      %dma_wait3A_183 = arith.constant 0 : i32
      %dma_wait3A_184 = arith.constant 0 : i32
      %dma_wait3A_185 = tpu.memref_slice %arg2[%dma_wait3A, %dma_wait3A_183, %dma_wait3A_184] : memref<2x2500x128xi32, #tpu.memory_space<hbm>> -> memref<1x2500x128xi32, #tpu.memory_space<hbm>>
      %dma_wait3A_186 = tpu.memref_squeeze %dma_wait3A_185 : memref<1x2500x128xi32, #tpu.memory_space<hbm>> -> memref<2500x128xi32, #tpu.memory_space<hbm>>
      %dma_wait3A_187 = arith.constant 0 : i32
      %dma_wait3A_188 = tpu.memref_slice %dma_wait3A_186[%add3A_168, %dma_wait3A_187] : memref<2500x128xi32, #tpu.memory_space<hbm>> -> memref<1x128xi32, #tpu.memory_space<hbm>>
      %dma_wait3A_189 = tpu.memref_squeeze %dma_wait3A_188 : memref<1x128xi32, #tpu.memory_space<hbm>> -> memref<128xi32, #tpu.memory_space<hbm>>
      tpu.wait_dma2 semaphore(%arg9 : memref<!tpu.dma_semaphore, #tpu.memory_space<semaphore_mem>>) src(%dma_wait3A_189 : memref<128xi32, #tpu.memory_space<hbm>>) dst(%dma_wait3A_182 : memref<128xi32, #tpu.memory_space<vmem>>)
      %run_scoped3A = arith.constant 0 : i32
      "tpu.region"() ({
        %run_scoped3A_190 = tpu.sem_alloc : memref<!tpu.dma_semaphore, #tpu.memory_space<semaphore_mem>>
        %dma_start3A_191 = arith.constant 0 : i32
        %dma_start3A_192 = tpu.memref_slice %arg7[%run_scoped3A, %dma_start3A_191] : memref<6x128xi32, #tpu.memory_space<vmem>> -> memref<1x128xi32, #tpu.memory_space<vmem>>
        %dma_start3A_193 = tpu.memref_squeeze %dma_start3A_192 : memref<1x128xi32, #tpu.memory_space<vmem>> -> memref<128xi32, #tpu.memory_space<vmem>>
        %dma_start3A_194 = arith.constant 0 : i32
        %dma_start3A_195 = tpu.memref_slice %arg6[%dma_start3A_194] : memref<10240xf32, #tpu.memory_space<vmem_shared>> -> memref<10240xf32, #tpu.memory_space<vmem_shared>>
        tpu.enqueue_indirect_dma source(%arg8 : memref<128xf32, #tpu.memory_space<vmem>>) target(%dma_start3A_195 : memref<10240xf32, #tpu.memory_space<vmem_shared>>) offsets(%dma_start3A_193 : memref<128xi32, #tpu.memory_space<vmem>>) semaphore(%run_scoped3A_190 : memref<!tpu.dma_semaphore, #tpu.memory_space<semaphore_mem>>) {add = true}
        %dma_wait3A_196 = arith.constant 0 : i32
        %dma_wait3A_197 = tpu.memref_slice %arg7[%run_scoped3A, %dma_wait3A_196] : memref<6x128xi32, #tpu.memory_space<vmem>> -> memref<1x128xi32, #tpu.memory_space<vmem>>
        %dma_wait3A_198 = tpu.memref_squeeze %dma_wait3A_197 : memref<1x128xi32, #tpu.memory_space<vmem>> -> memref<128xi32, #tpu.memory_space<vmem>>
        %dma_wait3A_199 = arith.constant 0 : i32
        %dma_wait3A_200 = tpu.memref_slice %arg6[%dma_wait3A_199] : memref<10240xf32, #tpu.memory_space<vmem_shared>> -> memref<10240xf32, #tpu.memory_space<vmem_shared>>
        tpu.wait_indirect_dma semaphore(%run_scoped3A_190 : memref<!tpu.dma_semaphore, #tpu.memory_space<semaphore_mem>>) src(%arg8 : memref<128xf32, #tpu.memory_space<vmem>>) dst(%dma_wait3A_200 : memref<10240xf32, #tpu.memory_space<vmem_shared>>)
        tpu.yield
      }) : () -> ()
    } else {
    }
    %barrier3A_162 = arith.constant 0 : index
    tpu.barrier barrier_id(%barrier3A_162)
    %mul3A_163 = arith.constant 640 : i32
    %mul3A_164 = arith.muli %arg1, %mul3A_163 : i32
    %mul3A_165 = arith.constant 640 : i32
    %mul3A_166 = arith.muli %arg1, %mul3A_165 : i32
    "tpu.region"() ({
      %run_scoped3A = tpu.sem_alloc : memref<!tpu.dma_semaphore, #tpu.memory_space<semaphore_mem>>
      %dma_start3A_167 = arith.constant 0 : i32
      %dma_start3A_168 = tpu.memref_slice %arg5[%arg0, %dma_start3A_167] : memref<2x10240xf32, #tpu.memory_space<hbm>> -> memref<1x10240xf32, #tpu.memory_space<hbm>>
      %dma_start3A_169 = tpu.memref_squeeze %dma_start3A_168 : memref<1x10240xf32, #tpu.memory_space<hbm>> -> memref<10240xf32, #tpu.memory_space<hbm>>
      %dma_start3A_170 = tpu.memref_slice %dma_start3A_169[%mul3A_166] : memref<10240xf32, #tpu.memory_space<hbm>> -> memref<640xf32, #tpu.memory_space<hbm>>
      %dma_start3A_171 = tpu.memref_slice %arg6[%mul3A_164] : memref<10240xf32, #tpu.memory_space<vmem_shared>> -> memref<640xf32, #tpu.memory_space<vmem_shared>>
      tpu.enqueue_dma source(%dma_start3A_171 : memref<640xf32, #tpu.memory_space<vmem_shared>>) target(%dma_start3A_170 : memref<640xf32, #tpu.memory_space<hbm>>) target_semaphore(%run_scoped3A : memref<!tpu.dma_semaphore, #tpu.memory_space<semaphore_mem>>)
      %dma_wait3A = arith.constant 0 : i32
      %dma_wait3A_172 = tpu.memref_slice %arg5[%arg0, %dma_wait3A] : memref<2x10240xf32, #tpu.memory_space<hbm>> -> memref<1x10240xf32, #tpu.memory_space<hbm>>
      %dma_wait3A_173 = tpu.memref_squeeze %dma_wait3A_172 : memref<1x10240xf32, #tpu.memory_space<hbm>> -> memref<10240xf32, #tpu.memory_space<hbm>>
      %dma_wait3A_174 = tpu.memref_slice %dma_wait3A_173[%mul3A_166] : memref<10240xf32, #tpu.memory_space<hbm>> -> memref<640xf32, #tpu.memory_space<hbm>>
      %dma_wait3A_175 = tpu.memref_slice %arg6[%mul3A_164] : memref<10240xf32, #tpu.memory_space<vmem_shared>> -> memref<640xf32, #tpu.memory_space<vmem_shared>>
      tpu.wait_dma2 semaphore(%run_scoped3A : memref<!tpu.dma_semaphore, #tpu.memory_space<semaphore_mem>>) src(%dma_wait3A_175 : memref<640xf32, #tpu.memory_space<vmem_shared>>) dst(%dma_wait3A_174 : memref<640xf32, #tpu.memory_space<hbm>>)
      tpu.yield
    }) : () -> ()
    return
  }
}

module attributes {stable_mosaic.version = 14 : i64} {
  func.func @_prep_body(%arg0: memref<2x10240xf32, #tpu.memory_space<vmem>>, %arg1: memref<10000x128xf32, #tpu.memory_space<vmem>>, %arg2: memref<10000x128xf32, #tpu.memory_space<vmem>>, %arg3: memref<10000x1xf32, #tpu.memory_space<vmem>>) attributes {dimension_semantics = [], scalar_prefetch = 0 : i64, scratch_operands = 0 : i64, tpu.core_type = #tpu.core_type<tc>} {
    %get3A = arith.constant 0 : index
    %get3A_0 = arith.constant 0 : index
    %get3A_1 = vector.load %arg0[%get3A, %get3A_0] : memref<2x10240xf32, #tpu.memory_space<vmem>>, vector<1x10000xf32>
    %get3A_2 = vector.shape_cast %get3A_1 : vector<1x10000xf32> to vector<10000xf32>
    %get3A_3 = arith.constant 1 : index
    %get3A_4 = arith.constant 0 : index
    %get3A_5 = vector.load %arg0[%get3A_3, %get3A_4] : memref<2x10240xf32, #tpu.memory_space<vmem>>, vector<1x10000xf32>
    %get3A_6 = vector.shape_cast %get3A_5 : vector<1x10000xf32> to vector<10000xf32>
    %add3A = arith.addf %get3A_2, %get3A_6 : vector<10000xf32>
    %broadcast_in_dim3A = vector.shape_cast %add3A : vector<10000xf32> to vector<10000x1xf32>
    %max3A = arith.constant 1.000000e+00 : f32
    %max3A_7 = vector.broadcast %max3A : f32 to vector<10000x1xf32>
    %max3A_8 = arith.maximumf %broadcast_in_dim3A, %max3A_7 : vector<10000x1xf32>
    %rsqrt3A = math.rsqrt %max3A_8 : vector<10000x1xf32>
    %swap3A = arith.constant 0 : index
    %swap3A_9 = arith.constant 0 : index
    %swap3A_10 = vector.load %arg3[%swap3A, %swap3A_9] : memref<10000x1xf32, #tpu.memory_space<vmem>>, vector<10000x1xf32>
    tpu.vector_store %arg3[%swap3A, %swap3A_9], %rsqrt3A {strides = array<i32>} : memref<10000x1xf32, #tpu.memory_space<vmem>>, vector<10000x1xf32>,
    %get3A_11 = arith.constant 0 : index
    %get3A_12 = arith.constant 0 : index
    %get3A_13 = vector.load %arg1[%get3A_11, %get3A_12] : memref<10000x128xf32, #tpu.memory_space<vmem>>, vector<10000x128xf32>
    %mul3A = vector.broadcast %rsqrt3A : vector<10000x1xf32> to vector<10000x128xf32>
    %mul3A_14 = arith.mulf %get3A_13, %mul3A : vector<10000x128xf32>
    %swap3A_15 = arith.constant 0 : index
    %swap3A_16 = arith.constant 0 : index
    %swap3A_17 = vector.load %arg2[%swap3A_15, %swap3A_16] : memref<10000x128xf32, #tpu.memory_space<vmem>>, vector<10000x128xf32>
    tpu.vector_store %arg2[%swap3A_15, %swap3A_16], %mul3A_14 {strides = array<i32>} : memref<10000x128xf32, #tpu.memory_space<vmem>>, vector<10000x128xf32>,
    return
  }
}

module attributes {stable_mosaic.version = 14 : i64} {
  func.func @_fin_body(%arg0: memref<2x10112x128xf32, #tpu.memory_space<vmem>>, %arg1: memref<10000x1xf32, #tpu.memory_space<vmem>>, %arg2: memref<128x128xf32, #tpu.memory_space<vmem>>, %arg3: memref<1x128xf32, #tpu.memory_space<vmem>>, %arg4: memref<10000x128xf32, #tpu.memory_space<vmem>>) attributes {dimension_semantics = [], scalar_prefetch = 0 : i64, scratch_operands = 0 : i64, tpu.core_type = #tpu.core_type<tc>} {
    %get3A = arith.constant 0 : index
    %get3A_0 = arith.constant 0 : index
    %get3A_1 = arith.constant 0 : index
    %get3A_2 = vector.load %arg0[%get3A, %get3A_0, %get3A_1] : memref<2x10112x128xf32, #tpu.memory_space<vmem>>, vector<1x10000x128xf32>
    %get3A_3 = vector.shape_cast %get3A_2 : vector<1x10000x128xf32> to vector<10000x128xf32>
    %get3A_4 = arith.constant 1 : index
    %get3A_5 = arith.constant 0 : index
    %get3A_6 = arith.constant 0 : index
    %get3A_7 = vector.load %arg0[%get3A_4, %get3A_5, %get3A_6] : memref<2x10112x128xf32, #tpu.memory_space<vmem>>, vector<1x10000x128xf32>
    %get3A_8 = vector.shape_cast %get3A_7 : vector<1x10000x128xf32> to vector<10000x128xf32>
    %add3A = arith.addf %get3A_3, %get3A_8 : vector<10000x128xf32>
    %get3A_9 = arith.constant 0 : index
    %get3A_10 = arith.constant 0 : index
    %get3A_11 = vector.load %arg1[%get3A_9, %get3A_10] : memref<10000x1xf32, #tpu.memory_space<vmem>>, vector<10000x1xf32>
    %mul3A = vector.broadcast %get3A_11 : vector<10000x1xf32> to vector<10000x128xf32>
    %mul3A_12 = arith.mulf %add3A, %mul3A : vector<10000x128xf32>
    %get3A_13 = arith.constant 0 : index
    %get3A_14 = arith.constant 0 : index
    %get3A_15 = vector.load %arg2[%get3A_13, %get3A_14] : memref<128x128xf32, #tpu.memory_space<vmem>>, vector<128x128xf32>
    %dot_general3A = arith.constant dense<0.000000e+00> : vector<10000x128xf32>
    %dot_general3A_16 = tpu.matmul %mul3A_12, %get3A_15, %dot_general3A {dimension_numbers = #tpu.dot_dimension_numbers<[1], [0], [0], [1], [0, 0, 1, 1], [], []>, transpose_lhs_hint = false} : vector<10000x128xf32>, vector<128x128xf32>, vector<10000x128xf32> -> vector<10000x128xf32>
    %get3A_17 = arith.constant 0 : index
    %get3A_18 = arith.constant 0 : index
    %get3A_19 = vector.load %arg3[%get3A_17, %get3A_18] : memref<1x128xf32, #tpu.memory_space<vmem>>, vector<1x128xf32>
    %add3A_20 = vector.broadcast %get3A_19 : vector<1x128xf32> to vector<10000x128xf32>
    %add3A_21 = arith.addf %dot_general3A_16, %add3A_20 : vector<10000x128xf32>
    %max3A = arith.constant 0.000000e+00 : f32
    %max3A_22 = vector.broadcast %max3A : f32 to vector<10000x128xf32>
    %max3A_23 = arith.maximumf %add3A_21, %max3A_22 : vector<10000x128xf32>
    %swap3A = arith.constant 0 : index
    %swap3A_24 = arith.constant 0 : index
    %swap3A_25 = vector.load %arg4[%swap3A, %swap3A_24] : memref<10000x128xf32, #tpu.memory_space<vmem>>, vector<10000x128xf32>
    tpu.vector_store %arg4[%swap3A, %swap3A_24], %max3A_23 {strides = array<i32>} : memref<10000x128xf32, #tpu.memory_space<vmem>>, vector<10000x128xf32>,
    return
  }
}

</mosaic_0001>

<sc_bundles>
// kernel: kernel.6.cloned.1.call-start
scs
__scs_entry_jumppad:
0x0: {  	(pc) =	sbr.rel $0x88, $3  }
0x1: {  	(tag) =	ssettag $0x0;
	lr =	simm.s32 $0x1  }
0x2: {  	[smem:$0x3F9D] =	sst lr;
	_ =	strace $0xD0000000  }
0x3: {  	_ = 	snop  }
0x4: {  	_ = 	snop  }
0x5: {  	_ = 	snop  }
0x6: {  	_ = 	snop  }
0x7: {  	_ = 	snop  }
__scs_overlays_trampoline_lowered:
0x8: {  	[smem:$0x3FAC] =	sst s0  }
0x9: {  	[smem:$0x3FAD] =	sst s1  }
0xa: {  	[smem:$0x3FAE] =	sst s2  }
0xb: {  	[smem:$0x3FAF] =	sst s3  }
0xc: {  	[smem:$0x3FB0] =	sst s4  }
0xd: {  	[smem:$0x3FB1] =	sst s5  }
0xe: {  	[smem:$0x3FB2] =	sst s6  }
0xf: {  	[smem:$0x3FB3] =	sst s7  }
0x10: {  	[smem:$0x3FB4] =	sst s8  }
0x11: {  	[smem:$0x3FB5] =	sst s9;
	s0 =	simm.s32 @!p0 $0x0  }
0x12: {  	s1 =	sld [smem:$0x3F9B];
	s0 =	simm.s32 @p0 $0x1  }
0x13: {  	[smem:$0x3FB6] =	sst s0;
	s0 =	simm.s32 @!p1 $0x0  }
0x14: {  	s2 =	sld [smem:$0x3F9A];
	s0 =	simm.s32 @p1 $0x1  }
0x15: {  	[smem:$0x3FB7] =	sst s0;
	s0 =	simm.s32 @!p2 $0x0  }
0x16: {  	s3 =	sld [smem:$0x3FDB];
	s0 =	simm.s32 @p2 $0x1  }
0x17: {  	s4 =	simm.s32 $0x1BF5;
	[smem:$0x3FB9] =	sst s0  }
0x18: {  	s0 =	sld [smem:$0x3F9C];
	_ =	swait.ge [sflag:s4], $0x0  }
0x19: {  	s7 =	sld [smem:$0x3F9D]  }
0x1a: {  	s8 =	sadd.s32 $0xFFFFE003, lr  }
0x1b: {  	s9 =	sadd.s32 $0xFFFFFEF7, lr;
	s5 =	simm.s32 $0xFFFFFFFF;
	p2 =	slt.u32 s8, $0xFFFFF086  }
0x1c: {  	p1 =	slt.u32 s9, $0xF7A;
	s5 =	simm.s32 @!p2 $0x0  }
0x1d: {  	s5 =	simm.s32 @p1 $0x1;
	p0 =	seq.s32 s7, s2  }
0x1e: {  	s7 =	smul.u32 @!p0 $0xF7A, s2;
	p2 =	seq.s32 @!p0 s5, $0x0  }
0x1f: {  	s9 =	smul.u32 $0xF7A, s1;
	s8 =	simm.s32 @!p0 $0x1BF5;
	p2 =	por !p2, p0  }
0x20: {  	[sflag:s8] =	ssyncset.s32 @!p0 $0xFFFFF086;
	s6 =	sadd.s32 @!p0 s3, s7;
	s7 =	simm.s32 @!p0 $0x108  }
0x21: {  	s3 =	sadd.s32 s3, s9;
	s6 =	sadd.s32 @!p0 $0x88, s6;
	s7 =	simm.s32 @p2 $0x1082  }
0x22: {  	[simem:s7], [sflag:s8] =	dma.local @!p0 [hbm:s6], $0xF7A  }
0x23: {  	s9 =	sor.u32 $0xD0000000, s2;
	s6 =	simm.s32 $0x108;
	_ =	swait.ge @!p0 [sflag:s8], $0x0  }
0x24: {  	s3 =	sadd.s32 $0x88, s3;
	s6 =	simm.s32 @!p1 $0x1082;
	[sflag:s4] =	ssyncset.s32 $0xFFFFF086  }
0x25: {  	[simem:s6], [sflag:s4] =	dma.local [hbm:s3], $0xF7A  }
0x26: {  	[smem:$0x3F9D] =	sst s1;
	(tag) =	ssettag s2;
	_ =	strace s9  }
0x27: {  	s1 =	sld [smem:$0x3FAD]  }
0x28: {  	s2 =	sld [smem:$0x3FAE]  }
0x29: {  	s4 =	sld [smem:$0x3FB0]  }
0x2a: {  	p0 =	seq.s32 s5, $0x0;
	s5 =	sld [smem:$0x3FB1]  }
0x2b: {  	s6 =	sld [smem:$0x3FB2]  }
0x2c: {  	s7 =	sld [smem:$0x3FB3]  }
0x2d: {  	s3 =	simm.s32 $0x108;
	s8 =	sld [smem:$0x3FB4]  }
0x2e: {  	s3 =	simm.s32 @!p0 $0x1082;
	s9 =	sld [smem:$0x3FB5]  }
0x2f: {  	lr =	sadd.s32 s0, s3;
	s0 =	sld [smem:$0x3FAC]  }
0x30: {  	s3 =	sld [smem:$0x3FAF]  }
0x31: {  	[smem:$0x3FB8] =	sst s10  }
0x32: {  	s10 =	sld [smem:$0x3FB6];
	_ =	sdelay $0x3  }
0x33: {  	p0 =	seq.s32 s10, $0x1;
	s10 =	sld [smem:$0x3FB8];
	_ =	sdelay $0x3  }
0x34: {  	[smem:$0x3FB8] =	sst s10  }
0x35: {  	s10 =	sld [smem:$0x3FB7];
	_ =	sdelay $0x3  }
0x36: {  	p1 =	seq.s32 s10, $0x1;
	s10 =	sld [smem:$0x3FB8];
	_ =	sdelay $0x3  }
0x37: {  	[smem:$0x3FB8] =	sst s10  }
0x38: {  	s10 =	sld [smem:$0x3FB9]  }
0x39: {  	_ = 	snop;
	(pc) =	sbr.ind lr, $3  }
0x3a: {  	_ = 	snop  }
0x3b: {  	_ = 	snop  }
0x3c: {  	p2 =	seq.s32 s10, $0x1;
	s10 =	sld [smem:$0x3FB8]  }
0x3d: {  	_ =	shalt  }
0x3e: {  	_ =	shalt  }
0x3f: {  	_ =	shalt  }
0x40: {  	_ =	shalt  }
0x41: {  	_ =	shalt  }
0x42: {  	_ =	shalt  }
0x43: {  	_ =	shalt  }
0x44: {  	_ =	shalt  }
0x45: {  	_ =	shalt  }
0x46: {  	_ =	shalt  }
0x47: {  	_ =	shalt  }
0x48: {  	_ =	shalt  }
0x49: {  	_ =	shalt  }
0x4a: {  	_ =	shalt  }
0x4b: {  	_ =	shalt  }
0x4c: {  	_ =	shalt  }
0x4d: {  	_ =	shalt  }
0x4e: {  	_ =	shalt  }
0x4f: {  	_ =	shalt  }
0x50: {  	_ =	shalt  }
0x51: {  	_ =	shalt  }
0x52: {  	_ =	shalt  }
0x53: {  	_ =	shalt  }
0x54: {  	_ =	shalt  }
0x55: {  	_ =	shalt  }
0x56: {  	_ =	shalt  }
0x57: {  	_ =	shalt  }
0x58: {  	_ =	shalt  }
0x59: {  	_ =	shalt  }
0x5a: {  	_ =	shalt  }
0x5b: {  	_ =	shalt  }
0x5c: {  	_ =	shalt  }
0x5d: {  	_ =	shalt  }
0x5e: {  	_ =	shalt  }
0x5f: {  	_ =	shalt  }
0x60: {  	_ =	shalt  }
0x61: {  	_ =	shalt  }
0x62: {  	_ =	shalt  }
0x63: {  	_ =	shalt  }
0x64: {  	_ =	shalt  }
0x65: {  	_ =	shalt  }
0x66: {  	_ =	shalt  }
0x67: {  	_ =	shalt  }
0x68: {  	_ =	shalt  }
0x69: {  	_ =	shalt  }
0x6a: {  	_ =	shalt  }
0x6b: {  	_ =	shalt  }
0x6c: {  	_ =	shalt  }
0x6d: {  	_ =	shalt  }
0x6e: {  	_ =	shalt  }
0x6f: {  	_ =	shalt  }
0x70: {  	_ =	shalt  }
0x71: {  	_ =	shalt  }
0x72: {  	_ =	shalt  }
0x73: {  	_ =	shalt  }
0x74: {  	_ =	shalt  }
0x75: {  	_ =	shalt  }
0x76: {  	_ =	shalt  }
0x77: {  	_ =	shalt  }
0x78: {  	_ =	shalt  }
0x79: {  	_ =	shalt  }
0x7a: {  	_ =	shalt  }
0x7b: {  	_ =	shalt  }
0x7c: {  	_ =	shalt  }
0x7d: {  	_ =	shalt  }
0x7e: {  	_ =	shalt  }
0x7f: {  	_ =	shalt  }
0x80: {  	_ =	shalt  }
0x81: {  	_ =	shalt  }
0x82: {  	_ =	shalt  }
0x83: {  	_ =	shalt  }
0x84: {  	_ =	shalt  }
0x85: {  	_ =	shalt  }
0x86: {  	_ =	shalt  }
0x87: {  	_ =	shalt  }
.Lfunc_end0:
.L_simem_size_0:
called_computation_lowered:
.L_overlay_start_0:
0x88: {  	s2 =	sld [smem:$0x3FD9]  }
0x89: {  	s3 =	sld [smem:$0x3FFE];
	_ =	sdelay $0x1  }
0x8a: {  	s1 =	srdreg.scid  }
0x8b: {  	s0 =	sand.u32 $0x1, s1  }
0x8c: {  	s17 =	sshll.u32 s0, $0xA;
	s2 =	sadd.s32 s3, s2  }
0x8d: {  	s2 =	sadd.s32 s2, s17  }
0x8e: {  	[smem:$0x3FC4] =	sst s2  }
0x8f: {  	_ = 	snop  }
0x90: {  	s2 =	sld [smem:$0x3FD0];
	(tm) =	ssettm $0x1  }
0x91: {  	s18 =	sld [smem:$0x3FFB];
	_ =	sdelay $0x3  }
0x92: {  	_ =	strace s18  }
0x93: {  	s3 =	sld [smem:$0x3FFC];
	_ =	sdelay $0x3  }
0x94: {  	_ =	strace s3  }
0x95: {  	s3 =	sld [smem:$0x3FFD];
	_ =	sdelay $0x3  }
0x96: {  	_ =	strace s3  }
0x97: {  	_ =	strace $0x8FFFFFFF  }
0x98: {  	s19 =	sld [smem:$0x3FDB];
	_ =	sdelay $0x1  }
0x99: {  	s4 =	simm.s32 $_scs_section_size  }
0x9a: {  	s5 =	simm.s32 $_size__tile_overlayer_lowered;
	s6 =	simm.s32 $_tile_overlayer_lowered  }
0x9b: {  	s22 =	simm.s32 $0x1BFF;
	s21 =	sshll.u32 s6, $0x1;
	s3 =	sadd.s32 s4, s19  }
0x9c: {  	s7 =	simm.s32 $0x0;
	s20 =	sshll.u32 s5, $0x1;
	s5 =	sadd.s32 s21, s3  }
0x9d: {  	[timem:s7], [sflag:s22] =	dma.local [hbm:s5], s20  }
0x9e: {  	_ =	swait.ge [sflag:s22], s20  }
0x9f: {  	s4 =	ssub.s32 $0x0, s20;
	[sflag:s22] =	ssyncset.done $0x0  }
0xa0: {  	[sflag:s22] =	ssyncadd.s32 s4;
	_ =	sdelay $0x1  }
0xa1: {  	s23 =	simm.s32 $0x1B8B  }
0xa2: {  	_ =	swait.ge [sflag:s23], $0x1  }
0xa3: {  	[sflag:s23] =	ssyncset.done $0x0  }
0xa4: {  	s25 =	simm.s32 $0x1B8E;
	s24 =	sld [smem:$0x3FFE];
	[sflag:s23] =	ssyncadd.s32 $0xFFFFFFFF  }
0xa5: {  	s26 =	simm.s32 $execute0_lowered;
	[smem:$0x3FD2] =	sst s25  }
0xa6: {  	s5 =	sshll.u32 s26, $0x1;
	_ =	strace $0x80000046;
	[dreg:$0x1] =	wrdreg $0xFFFFFFFF  }
0xa7: {  	s28 =	simm.s32 $_size_execute0_lowered;
	s3 =	sadd.s32 s3, s5;
	[dreg:$0x0] =	wrdreg $0x0  }
0xa8: {  	s5 =	sshll.u32 s28, $0x1;
	[dreg:$0x2] =	wrdreg s3  }
0xa9: {  	[dreg:$0x3] =	wrdreg s5  }
0xaa: {  	[dreg:$0x4] =	wrdreg $0xC0  }
0xab: {  	_ =	task [dreg:s7], $0x5FFFF  }
0xac: {  	[dreg:$0x1] =	wrdreg $0xFFFFFFFF  }
0xad: {  	[dreg:$0x0] =	wrdreg $0x60  }
0xae: {  	[dreg:$0x2] =	wrdreg s24  }
0xaf: {  	[dreg:$0x3] =	wrdreg s2  }
0xb0: {  	[dreg:$0x4] =	wrdreg $0x0  }
0xb1: {  	[dreg:$0x5] =	wrdreg $0x9  }
0xb2: {  	_ =	task.clear_ibuf [dreg:s7], $0x6FFFF;
	_ =	strace $0x90000046  }
0xb3: {  	s29 =	simm.s32 $0x9;
	_ =	strace $0x80000048  }
0xb4: {  	_ =	swait.ge [sflag:s29], $0x1  }
0xb5: {  	[sflag:s29] =	ssyncadd.s32 $0xFFFFFFFF  }
0xb6: {  	_ =	strace $0x90000048  }
0xb7: {  	_ =	sfence  }
0xb8: {  	s30 =	sld [smem:$0x0];
	_ =	sdelay $0x2  }
0xb9: {  	s31 =	sshll.u32 s1, $0xD;
	s1 =	sshrl.u32 s1, $0x2  }
0xba: {  	s3 =	sand.u32 $0x4000, s31;
	s1 =	sadd.s32 s1, s30  }
0xbb: {  	s0 =	sor.u32 s3, s0;
	s1 =	sshll.u32 s1, $0x11  }
0xbc: {  	s0 =	sor.u32 s1, s0  }
0xbd: {  	s0 =	sadd.s32 $0x8F2B, s0  }
0xbe: {  	[sflag:s0] =	ssyncadd.remote.s32 $0x1  }
0xbf: {  	_ =	sfence.sel $0xFFFF  }
0xc0: {  	[dreg:$0x0] =	wrdreg $0xFFFFFFFF;
	(pc) =	sbr.abs _section_cstart, $3  }
0xc1: {  	[dreg:$0x1] =	wrdreg $0xFFFFFFFF  }
0xc2: {  	_ =	task.clear_ibuf [dreg:s7], $0x2FFFF;
	_ =	strace $0x9FFFFFFF  }
0xc3: {  	(tm) =	ssettm $0x7FFFFFFF  }
tec
execute0_lowered:
.L_overlay_start_1:
0x0: {  	(tag) =	ssettag $0x1  }
0x1: {  	s0 =	rddreg [dreg:$0x0]  }
0x2: {  	s1 =	rddreg [dreg:$0x1]  }
0x3: {  	s2 =	rddreg [dreg:$0x2]  }
0x4: {  	s3 =	simm.s32 $0x0;
	s4 =	srdreg.scid;
	s26 =	stileid.u32  }
0x5: {  	s11 =	simm.s32 $0x4F;
	s14 =	simm.s32 $0x300;
	s16 =	simm.s32 $0x380  }
0x6: {  	s30 =	simm.s32 $0x0;
	[smem:$0x7FF] =	sst s3;
	s4 =	sand.u32 $0x1, s4  }
0x7: {  	s5 =	sshll.u32 s26, $0x1;
	s6 =	sadd.s32 $0x15600, s0;
	s9 =	smul.u32 $0xA00, s26  }
0x8: {  	s10 =	sadd.s32 $0x15800, s0;
	p0 =	slt.u32 s26, $0x2;
	s12 =	smul.u32 $0x9C0, s26  }
0x9: {  	_ =	strace $0x80000047;
	s5 =	sor.u32 s4, s5;
	[dreg:$0xa] =	wrdreg s6  }
0xa: {  	s17 =	ssub.s32 $0x2, s4;
	[dreg:$0xb] =	wrdreg s10;
	s11 =	simm.s32 @!p0 $0x4E  }
0xb: {  	s29 =	smul.u32 $0x4E0, s4;
	s4 =	sshll.u32 s4, $0x4;
	s10 =	simm.s32 $0x680  }
0xc: {  	p0 =	sgt.u32 s26, $0x1;
	s7 =	smul.u32 $0x4E, s5;
	s8 =	sshrl.u32 s17, $0x1  }
0xd: {  	s5 =	smin.u32 s5, $0x4;
	s19 =	sshrl.u32 s9, $0x2;
	s21 =	sadd.s32 $0xFFFFFFFA, s11  }
0xe: {  	s22 =	sadd.s32 $0xFFFFFFF9, s11;
	s23 =	sadd.s32 $0xFFFFFFF8, s11;
	[dreg:$0x4] =	wrdreg s21  }
0xf: {  	s24 =	sadd.s32 $0xFFFFFFF7, s11;
	s25 =	sadd.s32 $0xFFFFFFF6, s11;
	[dreg:$0x5] =	wrdreg s22  }
0x10: {  	s28 =	sadd.s32 $0xFFFFFFF5, s11;
	s1 =	sadd.s32 s1, s4;
	[dreg:$0x6] =	wrdreg s23  }
0x11: {  	s11 =	simm.s32 $0x2;
	s18 =	ssub.s32 s17, s8;
	[dreg:$0x7] =	wrdreg s24  }
0x12: {  	s6 =	sadd.s32 s19, s2;
	s8 =	sadd.s32 $0xB880, s0;
	[dreg:$0x8] =	wrdreg s25  }
0x13: {  	[dreg:$0x9] =	wrdreg s28;
	s31 =	sadd.s32 s29, s12;
	s24 =	smul.u32 $0xA0, s26  }
0x14: {  	s12 =	simm.s32 $0x280;
	s22 =	simm.s32 $0x500;
	s25 =	simm.s32 $0x1  }
0x15: {  	s26 =	simm.s32 $0x80;
	s7 =	sadd.s32 s5, s7;
	[dreg:$0xc] =	wrdreg s6  }
0x16: {  	s5 =	sshll.u32 s5, $0x4;
	s9 =	smax.u32 s18, $0x1;
	s18 =	simm.s32 $0x400  }
0x17: {  	s7 =	sshll.u32 s7, $0x4;
	s4 =	sadd.s32 s5, s31;
	s24 =	sadd.s32 s24, s1  }
0x18: {  	s20 =	sadd.s32 $0x10, s7;
	s15 =	sadd.s32 $0x20, s7;
	s17 =	sadd.s32 $0x30, s7  }
0x19: {  	s19 =	sadd.s32 $0x40, s7;
	s21 =	sadd.s32 $0x50, s7;
	s23 =	sadd.s32 s8, s4  }
0x1a: {  	s13 =	sadd.s32 s8, s20;
	s15 =	sadd.s32 s8, s15;
	s17 =	sadd.s32 s8, s17  }
0x1b: {  	s19 =	sadd.s32 s8, s19;
	s20 =	simm.s32 $0x480;
	s21 =	sadd.s32 s8, s21  }
.LBB2_1:
0x1c: {  	s0 =	rddreg [dreg:$0xa];
	s4 =	stileid.u32  }
0x1d: {  	[tilespmem:s10], [sflag:$0x2] =	stream.linear.gather [hbm4b:s0+s3], $0x80, $0x38;
	[tilespmem:$0x700] =	vst v63  }
0x1e: {  	s0 =	sshll.u32 s4, $0x6;
	_ =	swait.ge [sflag:s11], $0x80  }
0x1f: {  	s31 =	sor.u32 $0x1C02, s0;
	[sflag:s11] =	ssyncset.done $0x0;
	s5 =	rddreg [dreg:$0xc]  }
0x20: {  	s1 =	rddreg [dreg:$0xb];
	[sflag:s11] =	ssyncadd.s32 $0xFFFFFF80;
	s0 =	sshrl.u32 s5, $0x3  }
0x21: {  	[spmem:s0], [sflag:s31] =	dma.local [hbm:s1], $0x50  }
0x22: {  	_ =	swait.ge [sflag:s11], $0x50  }
0x23: {  	[sflag:s11] =	ssyncset.done $0x0  }
0x24: {  	[sflag:s11] =	ssyncadd.s32 $0xFFFFFFB0  }
0x25: {  	s6 =	sadd.s32 s7, s8;
	[bflag:$0x0] =	sbarrier.arrive $0xFFFF  }
0x26: {  	[tilespmem:s12], [sflag:$0x1] =	stream.linear.gather [hbm4b:s6+s3], $0x80, $0x38;
	[tilespmem:$0x700] =	vst v63  }
0x27: {  	_ = 	snop  }
0x28: {  	[tilespmem:s14], [sflag:$0x1] =	stream.linear.gather [hbm4b:s13+s3], $0x80, $0x38;
	[tilespmem:$0x700] =	vst v63  }
0x29: {  	_ = 	snop  }
0x2a: {  	[tilespmem:s16], [sflag:$0x1] =	stream.linear.gather [hbm4b:s15+s3], $0x80, $0x38;
	[tilespmem:$0x700] =	vst v63  }
0x2b: {  	_ = 	snop  }
0x2c: {  	[tilespmem:s18], [sflag:$0x1] =	stream.linear.gather [hbm4b:s17+s3], $0x80, $0x38;
	[tilespmem:$0x700] =	vst v63  }
0x2d: {  	_ = 	snop  }
0x2e: {  	[tilespmem:s20], [sflag:$0x1] =	stream.linear.gather [hbm4b:s19+s3], $0x80, $0x38;
	[tilespmem:$0x700] =	vst v63  }
0x2f: {  	_ = 	snop  }
0x30: {  	[tilespmem:s22], [sflag:$0x1] =	stream.linear.gather [hbm4b:s21+s3], $0x80, $0x38;
	[tilespmem:$0x700] =	vst v63  }
0x31: {  	_ =	swait.ge [sflag:s25], $0x80  }
0x32: {  	[sflag:s25] =	ssyncset.done $0x0  }
0x33: {  	[sflag:s25] =	ssyncadd.s32 $0xFFFFFF80  }
0x34: {  	[spmem:s2] =	stream.indirect.scatter.add.f32 [tilespmem:s10], [sflag:$0x2], $0x1, s12, s26, $0xb8;
	[tilespmem:$0x700] =	vst v63  }
0x35: {  	_ =	swait.ge [sflag:s11], $0x80  }
0x36: {  	s4 =	rddreg [dreg:$0x4]  }
0x37: {  	[sflag:s11] =	ssyncset.done $0x0;
	p1 =	sle.u32 s4, $0x0  }
0x38: {  	[sflag:s11] =	ssyncadd.s32 $0xFFFFFF80;
	s1 =	sadd.s32 @!p1 $0x0, s23  }
0x39: {  	s4 =	simm.s32 @!p1 $0x280;
	s5 =	simm.s32 @!p1 $0x0;
	s1 =	sadd.s32 @!p1 $0x60, s1  }
0x3a: {  	[tilespmem:s4], [sflag:$0x1] =	stream.linear.gather @!p1 [hbm4b:s1+s5], $0x80, $0x38;
	[tilespmem:$0x700] =	vst v63  }
0x3b: {  	_ =	swait.ge [sflag:s25], $0x80  }
0x3c: {  	[sflag:s25] =	ssyncset.done $0x0  }
0x3d: {  	[sflag:s25] =	ssyncadd.s32 $0xFFFFFF80  }
0x3e: {  	[spmem:s2] =	stream.indirect.scatter.add.f32 [tilespmem:s10], [sflag:$0x2], $0x1, s14, s26, $0xb8;
	[tilespmem:$0x700] =	vst v63  }
0x3f: {  	_ =	swait.ge [sflag:s11], $0x80  }
0x40: {  	s5 =	rddreg [dreg:$0x5]  }
0x41: {  	[sflag:s11] =	ssyncset.done $0x0;
	p1 =	sle.u32 s5, $0x0  }
0x42: {  	[sflag:s11] =	ssyncadd.s32 $0xFFFFFF80;
	s1 =	sadd.s32 @!p1 $0x0, s23  }
0x43: {  	s4 =	simm.s32 @!p1 $0x300;
	s5 =	simm.s32 @!p1 $0x0;
	s1 =	sadd.s32 @!p1 $0x70, s1  }
0x44: {  	[tilespmem:s4], [sflag:$0x1] =	stream.linear.gather @!p1 [hbm4b:s1+s5], $0x80, $0x38;
	[tilespmem:$0x700] =	vst v63  }
0x45: {  	_ =	swait.ge [sflag:s25], $0x80  }
0x46: {  	[sflag:s25] =	ssyncset.done $0x0  }
0x47: {  	[sflag:s25] =	ssyncadd.s32 $0xFFFFFF80  }
0x48: {  	[spmem:s2] =	stream.indirect.scatter.add.f32 [tilespmem:s10], [sflag:$0x2], $0x1, s16, s26, $0xb8;
	[tilespmem:$0x700] =	vst v63  }
0x49: {  	_ =	swait.ge [sflag:s11], $0x80  }
0x4a: {  	s6 =	rddreg [dreg:$0x6]  }
0x4b: {  	[sflag:s11] =	ssyncset.done $0x0;
	p1 =	sle.u32 s6, $0x0  }
0x4c: {  	[sflag:s11] =	ssyncadd.s32 $0xFFFFFF80;
	s1 =	sadd.s32 @!p1 $0x0, s23  }
0x4d: {  	s4 =	simm.s32 @!p1 $0x380;
	s5 =	simm.s32 @!p1 $0x0;
	s1 =	sadd.s32 @!p1 $0x80, s1  }
0x4e: {  	[tilespmem:s4], [sflag:$0x1] =	stream.linear.gather @!p1 [hbm4b:s1+s5], $0x80, $0x38;
	[tilespmem:$0x700] =	vst v63  }
0x4f: {  	_ =	swait.ge [sflag:s25], $0x80  }
0x50: {  	[sflag:s25] =	ssyncset.done $0x0  }
0x51: {  	[sflag:s25] =	ssyncadd.s32 $0xFFFFFF80  }
0x52: {  	[spmem:s2] =	stream.indirect.scatter.add.f32 [tilespmem:s10], [sflag:$0x2], $0x1, s18, s26, $0xb8;
	[tilespmem:$0x700] =	vst v63  }
0x53: {  	_ =	swait.ge [sflag:s11], $0x80  }
0x54: {  	s4 =	rddreg [dreg:$0x7]  }
0x55: {  	[sflag:s11] =	ssyncset.done $0x0;
	p1 =	sle.u32 s4, $0x0  }
0x56: {  	[sflag:s11] =	ssyncadd.s32 $0xFFFFFF80;
	s1 =	sadd.s32 @!p1 $0x0, s23  }
0x57: {  	s4 =	simm.s32 @!p1 $0x400;
	s5 =	simm.s32 @!p1 $0x0;
	s1 =	sadd.s32 @!p1 $0x90, s1  }
0x58: {  	[tilespmem:s4], [sflag:$0x1] =	stream.linear.gather @!p1 [hbm4b:s1+s5], $0x80, $0x38;
	[tilespmem:$0x700] =	vst v63  }
0x59: {  	_ =	swait.ge [sflag:s25], $0x80  }
0x5a: {  	[sflag:s25] =	ssyncset.done $0x0  }
0x5b: {  	[sflag:s25] =	ssyncadd.s32 $0xFFFFFF80  }
0x5c: {  	[spmem:s2] =	stream.indirect.scatter.add.f32 [tilespmem:s10], [sflag:$0x2], $0x1, s20, s26, $0xb8;
	[tilespmem:$0x700] =	vst v63  }
0x5d: {  	_ =	swait.ge [sflag:s11], $0x80  }
0x5e: {  	s5 =	rddreg [dreg:$0x8]  }
0x5f: {  	[sflag:s11] =	ssyncset.done $0x0;
	p1 =	sle.u32 s5, $0x0  }
0x60: {  	[sflag:s11] =	ssyncadd.s32 $0xFFFFFF80;
	s1 =	sadd.s32 @!p1 $0x0, s23  }
0x61: {  	s4 =	simm.s32 @!p1 $0x480;
	s5 =	simm.s32 @!p1 $0x0;
	s1 =	sadd.s32 @!p1 $0xA0, s1  }
0x62: {  	[tilespmem:s4], [sflag:$0x1] =	stream.linear.gather @!p1 [hbm4b:s1+s5], $0x80, $0x38;
	[tilespmem:$0x700] =	vst v63  }
0x63: {  	_ =	swait.ge [sflag:s25], $0x80  }
0x64: {  	[sflag:s25] =	ssyncset.done $0x0  }
0x65: {  	[sflag:s25] =	ssyncadd.s32 $0xFFFFFF80  }
0x66: {  	[spmem:s2] =	stream.indirect.scatter.add.f32 [tilespmem:s10], [sflag:$0x2], $0x1, s22, s26, $0xb8;
	[tilespmem:$0x700] =	vst v63  }
0x67: {  	_ =	swait.ge [sflag:s11], $0x80  }
0x68: {  	s6 =	rddreg [dreg:$0x9]  }
0x69: {  	s28 =	simm.s32 $0x6;
	[sflag:s11] =	ssyncset.done $0x0;
	p2 =	sle.u32 s6, $0x0  }
0x6a: {  	s1 =	simm.s32 $0x60;
	[sflag:s11] =	ssyncadd.s32 $0xFFFFFF80;
	s4 =	sadd.s32 @!p2 $0x0, s23  }
0x6b: {  	s5 =	simm.s32 @!p2 $0x500;
	s29 =	sadd.s32 @!p2 $0xB0, s4;
	s4 =	simm.s32 @!p2 $0x0  }
.LBB2_2:
0x6c: {  	[tilespmem:s5], [sflag:$0x1] =	stream.linear.gather @!p2 [hbm4b:s29+s4], $0x80, $0x38;
	[tilespmem:$0x700] =	vst v63  }
0x6d: {  	_ =	swait.ge [sflag:s25], $0x80  }
0x6e: {  	[sflag:s25] =	ssyncset.done $0x0  }
0x6f: {  	[sflag:s25] =	ssyncadd.s32 $0xFFFFFF80  }
0x70: {  	[spmem:s2] =	stream.indirect.scatter.add.f32 [tilespmem:s10], [sflag:$0x2], $0x1, s12, s26, $0xb8;
	[tilespmem:$0x700] =	vst v63  }
0x71: {  	_ =	swait.ge [sflag:s11], $0x80  }
0x72: {  	s5 =	rddreg [dreg:$0x4]  }
0x73: {  	s29 =	smov.u32 s1;
	[sflag:s11] =	ssyncset.done $0x0;
	p2 =	sge.u32 s28, s5  }
0x74: {  	[sflag:s11] =	ssyncadd.s32 $0xFFFFFF80;
	s4 =	sadd.s32 @!p2 s29, s23  }
0x75: {  	s5 =	simm.s32 @!p2 $0x280;
	s6 =	simm.s32 @!p2 $0x0;
	s4 =	sadd.s32 @!p2 $0x60, s4  }
0x76: {  	[tilespmem:s5], [sflag:$0x1] =	stream.linear.gather @!p2 [hbm4b:s4+s6], $0x80, $0x38;
	[tilespmem:$0x700] =	vst v63  }
0x77: {  	_ =	swait.ge [sflag:s25], $0x80  }
0x78: {  	[sflag:s25] =	ssyncset.done $0x0  }
0x79: {  	[sflag:s25] =	ssyncadd.s32 $0xFFFFFF80  }
0x7a: {  	[spmem:s2] =	stream.indirect.scatter.add.f32 [tilespmem:s10], [sflag:$0x2], $0x1, s14, s26, $0xb8;
	[tilespmem:$0x700] =	vst v63  }
0x7b: {  	_ =	swait.ge [sflag:s11], $0x80  }
0x7c: {  	s6 =	rddreg [dreg:$0x5]  }
0x7d: {  	[sflag:s11] =	ssyncset.done $0x0;
	p2 =	sge.u32 s28, s6  }
0x7e: {  	[sflag:s11] =	ssyncadd.s32 $0xFFFFFF80;
	s4 =	sadd.s32 @!p2 s29, s23  }
0x7f: {  	s5 =	simm.s32 @!p2 $0x300;
	s6 =	simm.s32 @!p2 $0x0;
	s4 =	sadd.s32 @!p2 $0x70, s4  }
0x80: {  	[tilespmem:s5], [sflag:$0x1] =	stream.linear.gather @!p2 [hbm4b:s4+s6], $0x80, $0x38;
	[tilespmem:$0x700] =	vst v63  }
0x81: {  	_ =	swait.ge [sflag:s25], $0x80  }
0x82: {  	[sflag:s25] =	ssyncset.done $0x0  }
0x83: {  	[sflag:s25] =	ssyncadd.s32 $0xFFFFFF80  }
0x84: {  	[spmem:s2] =	stream.indirect.scatter.add.f32 [tilespmem:s10], [sflag:$0x2], $0x1, s16, s26, $0xb8;
	[tilespmem:$0x700] =	vst v63  }
0x85: {  	_ =	swait.ge [sflag:s11], $0x80  }
0x86: {  	s5 =	rddreg [dreg:$0x6]  }
0x87: {  	[sflag:s11] =	ssyncset.done $0x0;
	p2 =	sge.u32 s28, s5  }
0x88: {  	[sflag:s11] =	ssyncadd.s32 $0xFFFFFF80;
	s4 =	sadd.s32 @!p2 s29, s23  }
0x89: {  	s5 =	simm.s32 @!p2 $0x380;
	s6 =	simm.s32 @!p2 $0x0;
	s4 =	sadd.s32 @!p2 $0x80, s4  }
0x8a: {  	[tilespmem:s5], [sflag:$0x1] =	stream.linear.gather @!p2 [hbm4b:s4+s6], $0x80, $0x38;
	[tilespmem:$0x700] =	vst v63  }
0x8b: {  	_ =	swait.ge [sflag:s25], $0x80  }
0x8c: {  	[sflag:s25] =	ssyncset.done $0x0  }
0x8d: {  	[sflag:s25] =	ssyncadd.s32 $0xFFFFFF80  }
0x8e: {  	[spmem:s2] =	stream.indirect.scatter.add.f32 [tilespmem:s10], [sflag:$0x2], $0x1, s18, s26, $0xb8;
	[tilespmem:$0x700] =	vst v63  }
0x8f: {  	_ =	swait.ge [sflag:s11], $0x80  }
0x90: {  	s6 =	rddreg [dreg:$0x7]  }
0x91: {  	[sflag:s11] =	ssyncset.done $0x0;
	p2 =	sge.u32 s28, s6  }
0x92: {  	[sflag:s11] =	ssyncadd.s32 $0xFFFFFF80;
	s4 =	sadd.s32 @!p2 s29, s23  }
0x93: {  	s5 =	simm.s32 @!p2 $0x400;
	s6 =	simm.s32 @!p2 $0x0;
	s4 =	sadd.s32 @!p2 $0x90, s4  }
0x94: {  	[tilespmem:s5], [sflag:$0x1] =	stream.linear.gather @!p2 [hbm4b:s4+s6], $0x80, $0x38;
	[tilespmem:$0x700] =	vst v63  }
0x95: {  	_ =	swait.ge [sflag:s25], $0x80  }
0x96: {  	[sflag:s25] =	ssyncset.done $0x0  }
0x97: {  	[sflag:s25] =	ssyncadd.s32 $0xFFFFFF80  }
0x98: {  	[spmem:s2] =	stream.indirect.scatter.add.f32 [tilespmem:s10], [sflag:$0x2], $0x1, s20, s26, $0xb8;
	[tilespmem:$0x700] =	vst v63  }
0x99: {  	_ =	swait.ge [sflag:s11], $0x80  }
0x9a: {  	s5 =	rddreg [dreg:$0x8]  }
0x9b: {  	[sflag:s11] =	ssyncset.done $0x0;
	p2 =	sge.u32 s28, s5  }
0x9c: {  	[sflag:s11] =	ssyncadd.s32 $0xFFFFFF80;
	s4 =	sadd.s32 @!p2 s29, s23  }
0x9d: {  	s5 =	simm.s32 @!p2 $0x480;
	s6 =	simm.s32 @!p2 $0x0;
	s4 =	sadd.s32 @!p2 $0xA0, s4  }
0x9e: {  	[tilespmem:s5], [sflag:$0x1] =	stream.linear.gather @!p2 [hbm4b:s4+s6], $0x80, $0x38;
	[tilespmem:$0x700] =	vst v63  }
0x9f: {  	_ =	swait.ge [sflag:s25], $0x80  }
0xa0: {  	s1 =	sadd.s32 $0x60, s1;
	[sflag:s25] =	ssyncset.done $0x0  }
0xa1: {  	p1 =	sne.s32 s1, $0x4E0;
	[sflag:s25] =	ssyncadd.s32 $0xFFFFFF80  }
0xa2: {  	[spmem:s2] =	stream.indirect.scatter.add.f32 [tilespmem:s10], [sflag:$0x2], $0x1, s22, s26, $0xb8;
	[tilespmem:$0x700] =	vst v63  }
.Ltmp0:
0xa3: {  	_ =	swait.ge [sflag:s11], $0x80;
	(pc) =	sbr.rel @p1 .LBB2_2-.Ltmp0, $4  }
0xa4: {  	s6 =	rddreg [dreg:$0x9]  }
0xa5: {  	[sflag:s11] =	ssyncset.done $0x0;
	p2 =	sge.u32 s28, s6  }
0xa6: {  	[sflag:s11] =	ssyncadd.s32 $0xFFFFFF80;
	s28 =	sadd.s32 $0x6, s28;
	s4 =	sadd.s32 @!p2 s29, s23  }
0xa7: {  	s5 =	simm.s32 @!p2 $0x500;
	s29 =	sadd.s32 @!p2 $0xB0, s4;
	s4 =	simm.s32 @!p2 $0x0  }
0xa8: {  	[tilespmem:s5], [sflag:$0x1] =	stream.linear.gather @!p2 [hbm4b:s29+s4], $0x80, $0x38;
	[tilespmem:$0x700] =	vst v63  }
0xa9: {  	s1 =	simm.s32 @!p0 $0x1  }
0xaa: {  	_ =	swait.ge @!p0 [sflag:s1], $0x80  }
0xab: {  	s4 =	simm.s32 @!p0 $0x280;
	[sflag:s1] =	ssyncset.done @!p0 $0x0  }
0xac: {  	s5 =	simm.s32 @!p0 $0x680;
	[sflag:s1] =	ssyncadd.s32 @!p0 $0xFFFFFF80;
	s1 =	simm.s32 @!p0 $0x80  }
0xad: {  	[spmem:s2] =	stream.indirect.scatter.add.f32 @!p0 [tilespmem:s5], [sflag:$0x2], $0x1, s4, s1, $0xb8;
	[tilespmem:$0x700] =	vst v63  }
0xae: {  	s1 =	simm.s32 @!p0 $0x2  }
0xaf: {  	_ =	swait.ge @!p0 [sflag:s1], $0x80  }
0xb0: {  	s30 =	sadd.s32 $0x1, s30;
	[sflag:s1] =	ssyncset.done @!p0 $0x0  }
0xb1: {  	s28 =	simm.s32 $0x20;
	p1 =	sne.s32 s30, s9;
	[sflag:s1] =	ssyncadd.s32 @!p0 $0xFFFFFF80  }
.Ltmp1:
0xb2: {  	s29 =	simm.s32 $0x10;
	[bflag:$0x0] =	sbarrier.arrive $0xFFFF;
	(pc) =	sbr.rel @p1 .LBB2_1-.Ltmp1, $4  }
0xb3: {  	[hbm:s24@s28], [sflag:s31] =	dma.strided [spmem:s0@s29], $0x50, s25, $0x10   }
0xb4: {  	_ =	swait.ge [sflag:s11], $0x50  }
0xb5: {  	[sflag:s11] =	ssyncset.done $0x0  }
0xb6: {  	[sflag:s11] =	ssyncadd.s32 $0xFFFFFFB0  }
0xb7: {  	_ =	sfence.sel $0x180000  }
0xb8: {  	[bflag:$0x0] =	sbarrier.arrive $0xFFFF  }
0xb9: {  	_ =	strace $0x90000047  }
0xba: {  	s0 =	stileid.u32;
	[bflag:$0x2] =	sbarrier.arrive $0xFFFF  }
0xbb: {  	p0 =	sne.s32 s0, $0x0;
	s0 =	rddreg [dreg:$0x3]  }
0xbc: {  	s0 =	sadd.s32 @!p0 $0x100000, s0  }
0xbd: {  	[sflag:s0] =	ssyncadd.tile.s32 @!p0 $0x1;
	_ =	shalt  }
.Lfunc_end2:
_tile_overlayer_lowered:
.L_overlay_start_2:
0xbe: {  	(tag) =	ssettag $0x2  }
0xbf: {  	s0 =	rddreg [dreg:$0x0];
	s2 =	stileid.u32  }
0xc0: {  	s1 =	rddreg [dreg:$0x1];
	p0 =	sne.s32 s2, $0x0  }
0xc1: {  	s3 =	rddreg [dreg:$0x2];
	[bflag:$0x3] =	sbarrier.arrive $0xFFFF;
	s2 =	simm.s32 @!p0 $0x1C02  }
0xc2: {  	[timem:s3], [sflag:s2] =	dma.local @!p0 [hbm:s0], s1  }
0xc3: {  	s0 =	simm.s32 @!p0 $0x2  }
0xc4: {  	_ =	swait.ge @!p0 [sflag:s0], s1  }
0xc5: {  	s1 =	ssub.s32 @!p0 $0x0, s1;
	[sflag:s0] =	ssyncset.done @!p0 $0x0  }
0xc6: {  	[sflag:s0] =	ssyncadd.s32 @!p0 s1  }
0xc7: {  	[bflag:$0x3] =	sbarrier.arrive $0xFFFF  }
0xc8: {  	_ =	shalt  }

// kernel: kernel.9.cloned.1.call-start
scs
__scs_entry_jumppad:
0x0: {  	(pc) =	sbr.rel $0x88, $3  }
0x1: {  	(tag) =	ssettag $0x0;
	lr =	simm.s32 $0x1  }
0x2: {  	[smem:$0x3F9D] =	sst lr;
	_ =	strace $0xD0000000  }
0x3: {  	_ = 	snop  }
0x4: {  	_ = 	snop  }
0x5: {  	_ = 	snop  }
0x6: {  	_ = 	snop  }
0x7: {  	_ = 	snop  }
__scs_overlays_trampoline_lowered:
0x8: {  	[smem:$0x3FAC] =	sst s0  }
0x9: {  	[smem:$0x3FAD] =	sst s1  }
0xa: {  	[smem:$0x3FAE] =	sst s2  }
0xb: {  	[smem:$0x3FAF] =	sst s3  }
0xc: {  	[smem:$0x3FB0] =	sst s4  }
0xd: {  	[smem:$0x3FB1] =	sst s5  }
0xe: {  	[smem:$0x3FB2] =	sst s6  }
0xf: {  	[smem:$0x3FB3] =	sst s7  }
0x10: {  	[smem:$0x3FB4] =	sst s8  }
0x11: {  	[smem:$0x3FB5] =	sst s9;
	s0 =	simm.s32 @!p0 $0x0  }
0x12: {  	s1 =	sld [smem:$0x3F9B];
	s0 =	simm.s32 @p0 $0x1  }
0x13: {  	[smem:$0x3FB6] =	sst s0;
	s0 =	simm.s32 @!p1 $0x0  }
0x14: {  	s2 =	sld [smem:$0x3F9A];
	s0 =	simm.s32 @p1 $0x1  }
0x15: {  	[smem:$0x3FB7] =	sst s0;
	s0 =	simm.s32 @!p2 $0x0  }
0x16: {  	s3 =	sld [smem:$0x3FDB];
	s0 =	simm.s32 @p2 $0x1  }
0x17: {  	s4 =	simm.s32 $0x1BF5;
	[smem:$0x3FB9] =	sst s0  }
0x18: {  	s0 =	sld [smem:$0x3F9C];
	_ =	swait.ge [sflag:s4], $0x0  }
0x19: {  	s7 =	sld [smem:$0x3F9D]  }
0x1a: {  	s8 =	sadd.s32 $0xFFFFE003, lr  }
0x1b: {  	s9 =	sadd.s32 $0xFFFFFEF7, lr;
	s5 =	simm.s32 $0xFFFFFFFF;
	p2 =	slt.u32 s8, $0xFFFFF086  }
0x1c: {  	p1 =	slt.u32 s9, $0xF7A;
	s5 =	simm.s32 @!p2 $0x0  }
0x1d: {  	s5 =	simm.s32 @p1 $0x1;
	p0 =	seq.s32 s7, s2  }
0x1e: {  	s7 =	smul.u32 @!p0 $0xF7A, s2;
	p2 =	seq.s32 @!p0 s5, $0x0  }
0x1f: {  	s9 =	smul.u32 $0xF7A, s1;
	s8 =	simm.s32 @!p0 $0x1BF5;
	p2 =	por !p2, p0  }
0x20: {  	[sflag:s8] =	ssyncset.s32 @!p0 $0xFFFFF086;
	s6 =	sadd.s32 @!p0 s3, s7;
	s7 =	simm.s32 @!p0 $0x108  }
0x21: {  	s3 =	sadd.s32 s3, s9;
	s6 =	sadd.s32 @!p0 $0x88, s6;
	s7 =	simm.s32 @p2 $0x1082  }
0x22: {  	[simem:s7], [sflag:s8] =	dma.local @!p0 [hbm:s6], $0xF7A  }
0x23: {  	s9 =	sor.u32 $0xD0000000, s2;
	s6 =	simm.s32 $0x108;
	_ =	swait.ge @!p0 [sflag:s8], $0x0  }
0x24: {  	s3 =	sadd.s32 $0x88, s3;
	s6 =	simm.s32 @!p1 $0x1082;
	[sflag:s4] =	ssyncset.s32 $0xFFFFF086  }
0x25: {  	[simem:s6], [sflag:s4] =	dma.local [hbm:s3], $0xF7A  }
0x26: {  	[smem:$0x3F9D] =	sst s1;
	(tag) =	ssettag s2;
	_ =	strace s9  }
0x27: {  	s1 =	sld [smem:$0x3FAD]  }
0x28: {  	s2 =	sld [smem:$0x3FAE]  }
0x29: {  	s4 =	sld [smem:$0x3FB0]  }
0x2a: {  	p0 =	seq.s32 s5, $0x0;
	s5 =	sld [smem:$0x3FB1]  }
0x2b: {  	s6 =	sld [smem:$0x3FB2]  }
0x2c: {  	s7 =	sld [smem:$0x3FB3]  }
0x2d: {  	s3 =	simm.s32 $0x108;
	s8 =	sld [smem:$0x3FB4]  }
0x2e: {  	s3 =	simm.s32 @!p0 $0x1082;
	s9 =	sld [smem:$0x3FB5]  }
0x2f: {  	lr =	sadd.s32 s0, s3;
	s0 =	sld [smem:$0x3FAC]  }
0x30: {  	s3 =	sld [smem:$0x3FAF]  }
0x31: {  	[smem:$0x3FB8] =	sst s10  }
0x32: {  	s10 =	sld [smem:$0x3FB6];
	_ =	sdelay $0x3  }
0x33: {  	p0 =	seq.s32 s10, $0x1;
	s10 =	sld [smem:$0x3FB8];
	_ =	sdelay $0x3  }
0x34: {  	[smem:$0x3FB8] =	sst s10  }
0x35: {  	s10 =	sld [smem:$0x3FB7];
	_ =	sdelay $0x3  }
0x36: {  	p1 =	seq.s32 s10, $0x1;
	s10 =	sld [smem:$0x3FB8];
	_ =	sdelay $0x3  }
0x37: {  	[smem:$0x3FB8] =	sst s10  }
0x38: {  	s10 =	sld [smem:$0x3FB9]  }
0x39: {  	_ = 	snop;
	(pc) =	sbr.ind lr, $3  }
0x3a: {  	_ = 	snop  }
0x3b: {  	_ = 	snop  }
0x3c: {  	p2 =	seq.s32 s10, $0x1;
	s10 =	sld [smem:$0x3FB8]  }
0x3d: {  	_ =	shalt  }
0x3e: {  	_ =	shalt  }
0x3f: {  	_ =	shalt  }
0x40: {  	_ =	shalt  }
0x41: {  	_ =	shalt  }
0x42: {  	_ =	shalt  }
0x43: {  	_ =	shalt  }
0x44: {  	_ =	shalt  }
0x45: {  	_ =	shalt  }
0x46: {  	_ =	shalt  }
0x47: {  	_ =	shalt  }
0x48: {  	_ =	shalt  }
0x49: {  	_ =	shalt  }
0x4a: {  	_ =	shalt  }
0x4b: {  	_ =	shalt  }
0x4c: {  	_ =	shalt  }
0x4d: {  	_ =	shalt  }
0x4e: {  	_ =	shalt  }
0x4f: {  	_ =	shalt  }
0x50: {  	_ =	shalt  }
0x51: {  	_ =	shalt  }
0x52: {  	_ =	shalt  }
0x53: {  	_ =	shalt  }
0x54: {  	_ =	shalt  }
0x55: {  	_ =	shalt  }
0x56: {  	_ =	shalt  }
0x57: {  	_ =	shalt  }
0x58: {  	_ =	shalt  }
0x59: {  	_ =	shalt  }
0x5a: {  	_ =	shalt  }
0x5b: {  	_ =	shalt  }
0x5c: {  	_ =	shalt  }
0x5d: {  	_ =	shalt  }
0x5e: {  	_ =	shalt  }
0x5f: {  	_ =	shalt  }
0x60: {  	_ =	shalt  }
0x61: {  	_ =	shalt  }
0x62: {  	_ =	shalt  }
0x63: {  	_ =	shalt  }
0x64: {  	_ =	shalt  }
0x65: {  	_ =	shalt  }
0x66: {  	_ =	shalt  }
0x67: {  	_ =	shalt  }
0x68: {  	_ =	shalt  }
0x69: {  	_ =	shalt  }
0x6a: {  	_ =	shalt  }
0x6b: {  	_ =	shalt  }
0x6c: {  	_ =	shalt  }
0x6d: {  	_ =	shalt  }
0x6e: {  	_ =	shalt  }
0x6f: {  	_ =	shalt  }
0x70: {  	_ =	shalt  }
0x71: {  	_ =	shalt  }
0x72: {  	_ =	shalt  }
0x73: {  	_ =	shalt  }
0x74: {  	_ =	shalt  }
0x75: {  	_ =	shalt  }
0x76: {  	_ =	shalt  }
0x77: {  	_ =	shalt  }
0x78: {  	_ =	shalt  }
0x79: {  	_ =	shalt  }
0x7a: {  	_ =	shalt  }
0x7b: {  	_ =	shalt  }
0x7c: {  	_ =	shalt  }
0x7d: {  	_ =	shalt  }
0x7e: {  	_ =	shalt  }
0x7f: {  	_ =	shalt  }
0x80: {  	_ =	shalt  }
0x81: {  	_ =	shalt  }
0x82: {  	_ =	shalt  }
0x83: {  	_ =	shalt  }
0x84: {  	_ =	shalt  }
0x85: {  	_ =	shalt  }
0x86: {  	_ =	shalt  }
0x87: {  	_ =	shalt  }
.Lfunc_end0:
.L_simem_size_0:
called_computation.1_lowered:
.L_overlay_start_0:
0x88: {  	s2 =	sld [smem:$0x3FD9]  }
0x89: {  	s3 =	sld [smem:$0x3FFE];
	_ =	sdelay $0x1  }
0x8a: {  	s1 =	srdreg.scid  }
0x8b: {  	s0 =	sand.u32 $0x1, s1  }
0x8c: {  	s17 =	sshll.u32 s0, $0xA;
	s2 =	sadd.s32 s3, s2  }
0x8d: {  	s2 =	sadd.s32 s2, s17  }
0x8e: {  	[smem:$0x3FC4] =	sst s2  }
0x8f: {  	_ = 	snop  }
0x90: {  	s2 =	sld [smem:$0x3FD0];
	(tm) =	ssettm $0x1  }
0x91: {  	s18 =	sld [smem:$0x3FFB];
	_ =	sdelay $0x3  }
0x92: {  	_ =	strace s18  }
0x93: {  	s3 =	sld [smem:$0x3FFC];
	_ =	sdelay $0x3  }
0x94: {  	_ =	strace s3  }
0x95: {  	s3 =	sld [smem:$0x3FFD];
	_ =	sdelay $0x3  }
0x96: {  	_ =	strace s3  }
0x97: {  	_ =	strace $0x8FFFFFFF  }
0x98: {  	s19 =	sld [smem:$0x3FDB];
	_ =	sdelay $0x1  }
0x99: {  	s4 =	simm.s32 $_scs_section_size  }
0x9a: {  	s5 =	simm.s32 $_size__tile_overlayer_lowered;
	s6 =	simm.s32 $_tile_overlayer_lowered  }
0x9b: {  	s22 =	simm.s32 $0x1BFF;
	s21 =	sshll.u32 s6, $0x1;
	s3 =	sadd.s32 s4, s19  }
0x9c: {  	s7 =	simm.s32 $0x0;
	s20 =	sshll.u32 s5, $0x1;
	s5 =	sadd.s32 s21, s3  }
0x9d: {  	[timem:s7], [sflag:s22] =	dma.local [hbm:s5], s20  }
0x9e: {  	_ =	swait.ge [sflag:s22], s20  }
0x9f: {  	s4 =	ssub.s32 $0x0, s20;
	[sflag:s22] =	ssyncset.done $0x0  }
0xa0: {  	[sflag:s22] =	ssyncadd.s32 s4;
	_ =	sdelay $0x1  }
0xa1: {  	s23 =	simm.s32 $0x1B8B  }
0xa2: {  	_ =	swait.ge [sflag:s23], $0x1  }
0xa3: {  	[sflag:s23] =	ssyncset.done $0x0  }
0xa4: {  	s25 =	simm.s32 $0x1B8E;
	s24 =	sld [smem:$0x3FFE];
	[sflag:s23] =	ssyncadd.s32 $0xFFFFFFFF  }
0xa5: {  	s26 =	simm.s32 $execute0_lowered;
	[smem:$0x3FD2] =	sst s25  }
0xa6: {  	s5 =	sshll.u32 s26, $0x1;
	_ =	strace $0x80000049;
	[dreg:$0x1] =	wrdreg $0xFFFFFFFF  }
0xa7: {  	s28 =	simm.s32 $_size_execute0_lowered;
	s3 =	sadd.s32 s3, s5;
	[dreg:$0x0] =	wrdreg $0x0  }
0xa8: {  	s5 =	sshll.u32 s28, $0x1;
	[dreg:$0x2] =	wrdreg s3  }
0xa9: {  	[dreg:$0x3] =	wrdreg s5  }
0xaa: {  	[dreg:$0x4] =	wrdreg $0xC0  }
0xab: {  	_ =	task [dreg:s7], $0x5FFFF  }
0xac: {  	[dreg:$0x1] =	wrdreg $0xFFFFFFFF  }
0xad: {  	[dreg:$0x0] =	wrdreg $0x60  }
0xae: {  	[dreg:$0x2] =	wrdreg s24  }
0xaf: {  	[dreg:$0x3] =	wrdreg s2  }
0xb0: {  	[dreg:$0x4] =	wrdreg $0x0  }
0xb1: {  	[dreg:$0x5] =	wrdreg $0x9  }
0xb2: {  	_ =	task.clear_ibuf [dreg:s7], $0x6FFFF;
	_ =	strace $0x90000049  }
0xb3: {  	s29 =	simm.s32 $0x9;
	_ =	strace $0x8000004B  }
0xb4: {  	_ =	swait.ge [sflag:s29], $0x1  }
0xb5: {  	[sflag:s29] =	ssyncadd.s32 $0xFFFFFFFF  }
0xb6: {  	_ =	strace $0x9000004B  }
0xb7: {  	_ =	sfence  }
0xb8: {  	s30 =	sld [smem:$0x0];
	_ =	sdelay $0x2  }
0xb9: {  	s31 =	sshll.u32 s1, $0xD;
	s1 =	sshrl.u32 s1, $0x2  }
0xba: {  	s3 =	sand.u32 $0x4000, s31;
	s1 =	sadd.s32 s1, s30  }
0xbb: {  	s0 =	sor.u32 s3, s0;
	s1 =	sshll.u32 s1, $0x11  }
0xbc: {  	s0 =	sor.u32 s1, s0  }
0xbd: {  	s0 =	sadd.s32 $0x8F2B, s0  }
0xbe: {  	[sflag:s0] =	ssyncadd.remote.s32 $0x1  }
0xbf: {  	_ =	sfence.sel $0xFFFF  }
0xc0: {  	[dreg:$0x0] =	wrdreg $0xFFFFFFFF;
	(pc) =	sbr.abs _section_cstart, $3  }
0xc1: {  	[dreg:$0x1] =	wrdreg $0xFFFFFFFF  }
0xc2: {  	_ =	task.clear_ibuf [dreg:s7], $0x2FFFF;
	_ =	strace $0x9FFFFFFF  }
0xc3: {  	(tm) =	ssettm $0x7FFFFFFF  }
tec
execute0_lowered:
.L_overlay_start_1:
0x0: {  	(tag) =	ssettag $0x1  }
0x1: {  	s0 =	rddreg [dreg:$0x0]  }
0x2: {  	s1 =	rddreg [dreg:$0x1]  }
0x3: {  	s2 =	rddreg [dreg:$0x2];
	s4 =	simm.s32 $0x0;
	s3 =	srdreg.scid  }
0x4: {  	s13 =	stileid.u32;
	s28 =	simm.s32 $0x13F00;
	s29 =	simm.s32 $0x1  }
0x5: {  	s30 =	simm.s32 $0x80;
	s31 =	simm.s32 $0x14000;
	[smem:$0x7FF] =	sst s4  }
0x6: {  	s3 =	sand.u32 $0x1, s3;
	s5 =	sshll.u32 s13, $0x1;
	s26 =	smul.u32 $0x4F000, s13  }
0x7: {  	s7 =	sadd.s32 $0x1C00, s0;
	s8 =	sadd.s32 $0x15600, s0;
	s11 =	smul.u32 $0x9C, s13  }
0x8: {  	p0 =	slt.u32 s13, $0x2;
	s14 =	sshll.u32 s13, $0x6;
	s21 =	smul.u32 $0x2780, s13  }
0x9: {  	_ =	strace $0x8000004A;
	s6 =	smul.u32 $0x27800, s3;
	s5 =	sor.u32 s3, s5  }
0xa: {  	[dreg:$0xa] =	wrdreg s8;
	s23 =	ssub.s32 $0x2, s3;
	s9 =	smul.u32 $0x4E, s5  }
0xb: {  	s3 =	smul.u32 $0x4E, s3;
	s24 =	sshrl.u32 s23, $0x1;
	s5 =	smin.u32 s5, $0x4  }
0xc: {  	s10 =	sadd.s32 s6, s0;
	s25 =	sadd.s32 s5, s9;
	s9 =	sshrl.u32 s26, $0x2  }
0xd: {  	s12 =	ssub.s32 s23, s24;
	s6 =	simm.s32 $0x4F;
	s9 =	sadd.s32 s9, s2  }
0xe: {  	s3 =	sadd.s32 s3, s11;
	s8 =	sshll.u32 s25, $0x4;
	[dreg:$0xb] =	wrdreg s9  }
0xf: {  	s19 =	sadd.s32 $0x17E00, s10;
	s25 =	smax.u32 s12, $0x1;
	[dreg:$0xc] =	wrdreg s8  }
0x10: {  	s11 =	sadd.s32 $0xB880, s0;
	s26 =	sadd.s32 s21, s19;
	[dreg:$0x16] =	wrdreg s25  }
0x11: {  	s9 =	sor.u32 $0x1C07, s14;
	s14 =	sadd.s32 s7, s8;
	[dreg:$0x17] =	wrdreg s26  }
0x12: {  	s16 =	sadd.s32 s5, s3;
	s15 =	sadd.s32 $0x10, s8;
	[dreg:$0xe] =	wrdreg s14  }
0x13: {  	s0 =	sshll.u32 s16, $0x4;
	s18 =	sadd.s32 $0x20, s8;
	[dreg:$0xf] =	wrdreg s15  }
0x14: {  	s6 =	simm.s32 @!p0 $0x4E;
	s20 =	sadd.s32 $0x50, s0;
	[dreg:$0x11] =	wrdreg s18  }
0x15: {  	p0 =	sgt.u32 s13, $0x1;
	s23 =	sadd.s32 $0x40, s0;
	[dreg:$0x13] =	wrdreg s20  }
0x16: {  	s5 =	simm.s32 $0x4;
	s0 =	sadd.s32 $0x30, s0;
	[dreg:$0x14] =	wrdreg s23  }
0x17: {  	s10 =	simm.s32 $0x1C000;
	s13 =	simm.s32 $0x5;
	[dreg:$0x15] =	wrdreg s0  }
0x18: {  	s12 =	simm.s32 $0x0;
	s17 =	sadd.s32 s7, s15;
	[dreg:$0xd] =	wrdreg s9  }
0x19: {  	s25 =	simm.s32 $0x13E80;
	s3 =	sadd.s32 s7, s18;
	[dreg:$0x10] =	wrdreg s17  }
0x1a: {  	s26 =	simm.s32 $0x13D00;
	s22 =	sadd.s32 s20, s7;
	[dreg:$0x12] =	wrdreg s3  }
0x1b: {  	s24 =	sadd.s32 s23, s7;
	s0 =	sadd.s32 s7, s0;
	[dreg:$0x4] =	wrdreg s22  }
0x1c: {  	s20 =	simm.s32 $0x7;
	s23 =	simm.s32 $0x13C80;
	[dreg:$0x5] =	wrdreg s24  }
0x1d: {  	s7 =	simm.s32 $0x3;
	s15 =	simm.s32 $0x6;
	[dreg:$0x6] =	wrdreg s0  }
0x1e: {  	s22 =	simm.s32 $0x13E00;
	s0 =	simm.s32 $0x2;
	s3 =	simm.s32 $0x18000  }
.LBB2_1:
0x1f: {  	s8 =	rddreg [dreg:$0xb]  }
0x20: {  	s21 =	rddreg [dreg:$0xa];
	s14 =	sshrl.u32 s8, $0x3  }
0x21: {  	[spmem:s14], [sflag:s9] =	dma.local [hbm:s21], $0x2780  }
0x22: {  	_ =	swait.ge [sflag:s20], $0x2780  }
0x23: {  	[sflag:s20] =	ssyncset.done $0x0  }
0x24: {  	[sflag:s20] =	ssyncadd.s32 $0xFFFFD880  }
0x25: {  	[bflag:$0x0] =	sbarrier.arrive $0xFFFF  }
0x26: {  	s24 =	rddreg [dreg:$0xe]  }
0x27: {  	s9 =	simm.s32 $0x13C00;
	s16 =	rddreg [dreg:$0xc]  }
0x28: {  	[tilespmem:s9], [sflag:$0x1] =	stream.linear.gather [hbm4b:s24+s4], $0x80, $0x38;
	v63 =	vld [tilespmem:$0x0]  }
0x29: {  	s17 =	rddreg [dreg:$0x10];
	s16 =	sadd.s32 s16, s11  }
0x2a: {  	[tilespmem:s22], [sflag:$0x1] =	stream.linear.gather [hbm4b:s16+s4], $0x80, $0x38;
	v63 =	vld [tilespmem:$0x0]  }
0x2b: {  	s18 =	rddreg [dreg:$0xf]  }
0x2c: {  	[tilespmem:s23], [sflag:$0x2] =	stream.linear.gather [hbm4b:s17+s4], $0x80, $0x38;
	v63 =	vld [tilespmem:$0x0]  }
0x2d: {  	s21 =	rddreg [dreg:$0x12];
	s19 =	sadd.s32 s18, s11  }
0x2e: {  	[tilespmem:s25], [sflag:$0x2] =	stream.linear.gather [hbm4b:s19+s4], $0x80, $0x38;
	v63 =	vld [tilespmem:$0x0]  }
0x2f: {  	s24 =	rddreg [dreg:$0x11]  }
0x30: {  	[tilespmem:s26], [sflag:$0x3] =	stream.linear.gather [hbm4b:s21+s4], $0x80, $0x38;
	v63 =	vld [tilespmem:$0x0]  }
0x31: {  	s8 =	sadd.s32 s24, s11  }
0x32: {  	[tilespmem:s28], [sflag:$0x3] =	stream.linear.gather [hbm4b:s8+s4], $0x80, $0x38;
	v63 =	vld [tilespmem:$0x0]  }
0x33: {  	_ =	swait.ge [sflag:s29], $0x80  }
0x34: {  	[sflag:s29] =	ssyncset.done $0x0  }
0x35: {  	[sflag:s29] =	ssyncadd.s32 $0xFFFFFF80  }
0x36: {  	_ =	swait.ge [sflag:s29], $0x80  }
0x37: {  	s16 =	rddreg [dreg:$0x13]  }
0x38: {  	[sflag:s29] =	ssyncset.done $0x0;
	s18 =	rddreg [dreg:$0x14]  }
0x39: {  	s21 =	rddreg [dreg:$0x15];
	[sflag:s29] =	ssyncadd.s32 $0xFFFFFF80;
	s17 =	sadd.s32 s11, s16  }
0x3a: {  	[tilespmem:s31], [sflag:$0x4] =	stream.indirect.gather [hbm4b:s1+s30], $0x80, s9, s30, $0xb8;
	v63 =	vld [tilespmem:$0x0]  }
0x3b: {  	s19 =	sadd.s32 s11, s18;
	[dreg:$0x7] =	wrdreg s17  }
0x3c: {  	s24 =	sadd.s32 s11, s21;
	[dreg:$0x8] =	wrdreg s19  }
0x3d: {  	[dreg:$0x9] =	wrdreg s24  }
0x3e: {  	_ =	swait.ge [sflag:s0], $0x80  }
0x3f: {  	[sflag:s0] =	ssyncset.done $0x0  }
0x40: {  	[sflag:s0] =	ssyncadd.s32 $0xFFFFFF80  }
0x41: {  	_ =	swait.ge [sflag:s0], $0x80  }
0x42: {  	[sflag:s0] =	ssyncset.done $0x0  }
0x43: {  	[sflag:s0] =	ssyncadd.s32 $0xFFFFFF80  }
0x44: {  	[tilespmem:s3], [sflag:$0x5] =	stream.indirect.gather [hbm4b:s1+s30], $0x80, s23, s30, $0xb8;
	v63 =	vld [tilespmem:$0x0]  }
0x45: {  	_ =	swait.ge [sflag:s5], $0x4000  }
0x46: {  	[sflag:s5] =	ssyncset.done $0x0  }
0x47: {  	p1 =	sle.u32 s6, $0x3;
	[sflag:s5] =	ssyncadd.s32 $0xFFFFC000  }
0x48: {  	[spmem:s2] =	stream.indirect.scatter.add.f32 [tilespmem:s31], [sflag:$0x7], $0x80, s22, s30, $0xb8;
	v63 =	vld [tilespmem:$0x0]  }
0x49: {  	s21 =	simm.s32 @!p1 $0x13C00;
	_ =	swait.ge [sflag:s20], $0x4000  }
0x4a: {  	s19 =	simm.s32 @!p1 $0x0;
	s16 =	rddreg [dreg:$0x6];
	[sflag:s20] =	ssyncset.done $0x0  }
0x4b: {  	s17 =	rddreg [dreg:$0x9];
	[sflag:s20] =	ssyncadd.s32 $0xFFFFC000;
	s16 =	sadd.s32 @!p1 $0x0, s16  }
0x4c: {  	[tilespmem:s21], [sflag:$0x1] =	stream.linear.gather @!p1 [hbm4b:s16+s19], $0x80, $0x38;
	v63 =	vld [tilespmem:$0x0]  }
0x4d: {  	s17 =	sadd.s32 @!p1 $0x0, s17;
	s16 =	simm.s32 @!p1 $0x13E00  }
0x4e: {  	[tilespmem:s16], [sflag:$0x1] =	stream.linear.gather @!p1 [hbm4b:s17+s19], $0x80, $0x38;
	v63 =	vld [tilespmem:$0x0]  }
0x4f: {  	_ =	swait.ge [sflag:s7], $0x80  }
0x50: {  	[sflag:s7] =	ssyncset.done $0x0  }
0x51: {  	[sflag:s7] =	ssyncadd.s32 $0xFFFFFF80  }
0x52: {  	_ =	swait.ge [sflag:s7], $0x80  }
0x53: {  	[sflag:s7] =	ssyncset.done $0x0  }
0x54: {  	[sflag:s7] =	ssyncadd.s32 $0xFFFFFF80  }
0x55: {  	[tilespmem:s10], [sflag:$0x6] =	stream.indirect.gather [hbm4b:s1+s30], $0x80, s26, s30, $0xb8;
	v63 =	vld [tilespmem:$0x0]  }
0x56: {  	_ =	swait.ge [sflag:s13], $0x4000  }
0x57: {  	[sflag:s13] =	ssyncset.done $0x0  }
0x58: {  	p2 =	sle.u32 s6, $0x4;
	[sflag:s13] =	ssyncadd.s32 $0xFFFFC000  }
0x59: {  	[spmem:s2] =	stream.indirect.scatter.add.f32 [tilespmem:s3], [sflag:$0x7], $0x80, s25, s30, $0xb8;
	v63 =	vld [tilespmem:$0x0]  }
0x5a: {  	s24 =	simm.s32 @!p2 $0x13C80;
	_ =	swait.ge [sflag:s20], $0x4000  }
0x5b: {  	s19 =	simm.s32 @!p2 $0x0;
	s16 =	rddreg [dreg:$0x5];
	[sflag:s20] =	ssyncset.done $0x0  }
0x5c: {  	s17 =	rddreg [dreg:$0x8];
	[sflag:s20] =	ssyncadd.s32 $0xFFFFC000;
	s16 =	sadd.s32 @!p2 $0x0, s16  }
0x5d: {  	[tilespmem:s24], [sflag:$0x2] =	stream.linear.gather @!p2 [hbm4b:s16+s19], $0x80, $0x38;
	v63 =	vld [tilespmem:$0x0]  }
0x5e: {  	s16 =	sadd.s32 @!p2 $0x0, s17;
	s17 =	simm.s32 @!p2 $0x13E80;
	s24 =	simm.s32 @!p1 $0x1  }
0x5f: {  	[tilespmem:s17], [sflag:$0x2] =	stream.linear.gather @!p2 [hbm4b:s16+s19], $0x80, $0x38;
	v63 =	vld [tilespmem:$0x0]  }
0x60: {  	_ =	swait.ge @!p1 [sflag:s24], $0x80  }
0x61: {  	[sflag:s24] =	ssyncset.done @!p1 $0x0  }
0x62: {  	[sflag:s24] =	ssyncadd.s32 @!p1 $0xFFFFFF80  }
0x63: {  	_ =	swait.ge @!p1 [sflag:s24], $0x80  }
0x64: {  	[sflag:s24] =	ssyncset.done @!p1 $0x0  }
0x65: {  	s16 =	simm.s32 @!p1 $0x80;
	s17 =	simm.s32 @!p1 $0x14000;
	[sflag:s24] =	ssyncadd.s32 @!p1 $0xFFFFFF80  }
0x66: {  	[tilespmem:s17], [sflag:$0x4] =	stream.indirect.gather @!p1 [hbm4b:s1+s16], $0x80, s21, s16, $0xb8;
	v63 =	vld [tilespmem:$0x0]  }
0x67: {  	_ =	swait.ge [sflag:s15], $0x4000  }
0x68: {  	[sflag:s15] =	ssyncset.done $0x0  }
0x69: {  	p2 =	sle.u32 s6, $0x5;
	[sflag:s15] =	ssyncadd.s32 $0xFFFFC000  }
0x6a: {  	[spmem:s2] =	stream.indirect.scatter.add.f32 [tilespmem:s10], [sflag:$0x7], $0x80, s28, s30, $0xb8;
	v63 =	vld [tilespmem:$0x0]  }
0x6b: {  	s19 =	simm.s32 @!p2 $0x13D00;
	_ =	swait.ge [sflag:s20], $0x4000  }
0x6c: {  	s17 =	simm.s32 @!p2 $0x0;
	s16 =	rddreg [dreg:$0x4];
	[sflag:s20] =	ssyncset.done $0x0  }
0x6d: {  	s21 =	simm.s32 $0x8;
	[sflag:s20] =	ssyncadd.s32 $0xFFFFC000;
	s16 =	sadd.s32 @!p2 $0x0, s16  }
0x6e: {  	[tilespmem:s19], [sflag:$0x3] =	stream.linear.gather @!p2 [hbm4b:s16+s17], $0x80, $0x38;
	v63 =	vld [tilespmem:$0x0]  }
0x6f: {  	s24 =	rddreg [dreg:$0x7];
	s19 =	simm.s32 $0x30;
	s16 =	simm.s32 $0x0  }
.LBB2_2:
0x70: {  	s24 =	sadd.s32 @!p2 s16, s24;
	s18 =	simm.s32 @!p2 $0x13F00  }
0x71: {  	[tilespmem:s18], [sflag:$0x3] =	stream.linear.gather @!p2 [hbm4b:s24+s17], $0x80, $0x38;
	v63 =	vld [tilespmem:$0x0]  }
0x72: {  	_ =	swait.ge [sflag:s0], $0x80  }
0x73: {  	[sflag:s0] =	ssyncset.done $0x0  }
0x74: {  	[sflag:s0] =	ssyncadd.s32 $0xFFFFFF80  }
0x75: {  	_ =	swait.ge [sflag:s0], $0x80  }
0x76: {  	[sflag:s0] =	ssyncset.done $0x0  }
0x77: {  	[sflag:s0] =	ssyncadd.s32 $0xFFFFFF80  }
0x78: {  	[tilespmem:s3], [sflag:$0x5] =	stream.indirect.gather [hbm4b:s1+s30], $0x80, s23, s30, $0xb8;
	v63 =	vld [tilespmem:$0x0]  }
0x79: {  	_ =	swait.ge [sflag:s5], $0x4000  }
0x7a: {  	s9 =	sadd.s32 $0xFFFFFFFE, s21;
	[sflag:s5] =	ssyncset.done $0x0  }
0x7b: {  	p2 =	sge.u32 s9, s6;
	[sflag:s5] =	ssyncadd.s32 $0xFFFFC000  }
0x7c: {  	[spmem:s2] =	stream.indirect.scatter.add.f32 [tilespmem:s31], [sflag:$0x7], $0x80, s22, s30, $0xb8;
	v63 =	vld [tilespmem:$0x0]  }
0x7d: {  	s16 =	smov.u32 s19;
	s8 =	simm.s32 @!p2 $0x0;
	_ =	swait.ge [sflag:s20], $0x4000  }
0x7e: {  	s17 =	simm.s32 @!p2 $0x13C00;
	s18 =	rddreg [dreg:$0x6];
	[sflag:s20] =	ssyncset.done $0x0  }
0x7f: {  	s24 =	rddreg [dreg:$0x9];
	[sflag:s20] =	ssyncadd.s32 $0xFFFFC000;
	s18 =	sadd.s32 @!p2 s16, s18  }
0x80: {  	[tilespmem:s17], [sflag:$0x1] =	stream.linear.gather @!p2 [hbm4b:s18+s8], $0x80, $0x38;
	v63 =	vld [tilespmem:$0x0]  }
0x81: {  	s9 =	simm.s32 @!p2 $0x13E00;
	s18 =	sadd.s32 @!p2 s16, s24  }
0x82: {  	[tilespmem:s9], [sflag:$0x1] =	stream.linear.gather @!p2 [hbm4b:s18+s8], $0x80, $0x38;
	v63 =	vld [tilespmem:$0x0]  }
0x83: {  	_ =	swait.ge [sflag:s7], $0x80  }
0x84: {  	[sflag:s7] =	ssyncset.done $0x0  }
0x85: {  	[sflag:s7] =	ssyncadd.s32 $0xFFFFFF80  }
0x86: {  	_ =	swait.ge [sflag:s7], $0x80  }
0x87: {  	[sflag:s7] =	ssyncset.done $0x0  }
0x88: {  	[sflag:s7] =	ssyncadd.s32 $0xFFFFFF80  }
0x89: {  	[tilespmem:s10], [sflag:$0x6] =	stream.indirect.gather [hbm4b:s1+s30], $0x80, s26, s30, $0xb8;
	v63 =	vld [tilespmem:$0x0]  }
0x8a: {  	_ =	swait.ge [sflag:s13], $0x4000  }
0x8b: {  	s24 =	sadd.s32 $0xFFFFFFFF, s21;
	[sflag:s13] =	ssyncset.done $0x0  }
0x8c: {  	p3 =	sge.u32 s24, s6;
	[sflag:s13] =	ssyncadd.s32 $0xFFFFC000  }
0x8d: {  	[spmem:s2] =	stream.indirect.scatter.add.f32 [tilespmem:s3], [sflag:$0x7], $0x80, s25, s30, $0xb8;
	v63 =	vld [tilespmem:$0x0]  }
0x8e: {  	s9 =	simm.s32 @!p3 $0x0;
	_ =	swait.ge [sflag:s20], $0x4000  }
0x8f: {  	s24 =	simm.s32 @!p3 $0x13C80;
	s8 =	rddreg [dreg:$0x5];
	[sflag:s20] =	ssyncset.done $0x0  }
0x90: {  	s18 =	rddreg [dreg:$0x8];
	[sflag:s20] =	ssyncadd.s32 $0xFFFFC000;
	s8 =	sadd.s32 @!p3 s16, s8  }
0x91: {  	[tilespmem:s24], [sflag:$0x2] =	stream.linear.gather @!p3 [hbm4b:s8+s9], $0x80, $0x38;
	v63 =	vld [tilespmem:$0x0]  }
0x92: {  	s8 =	sadd.s32 @!p3 s16, s18;
	s18 =	simm.s32 @!p3 $0x13E80;
	s24 =	simm.s32 @!p2 $0x1  }
0x93: {  	[tilespmem:s18], [sflag:$0x2] =	stream.linear.gather @!p3 [hbm4b:s8+s9], $0x80, $0x38;
	v63 =	vld [tilespmem:$0x0]  }
0x94: {  	_ =	swait.ge @!p2 [sflag:s24], $0x80  }
0x95: {  	[sflag:s24] =	ssyncset.done @!p2 $0x0  }
0x96: {  	[sflag:s24] =	ssyncadd.s32 @!p2 $0xFFFFFF80  }
0x97: {  	_ =	swait.ge @!p2 [sflag:s24], $0x80  }
0x98: {  	[sflag:s24] =	ssyncset.done @!p2 $0x0  }
0x99: {  	s8 =	simm.s32 @!p2 $0x80;
	s9 =	simm.s32 @!p2 $0x14000;
	[sflag:s24] =	ssyncadd.s32 @!p2 $0xFFFFFF80  }
0x9a: {  	[tilespmem:s9], [sflag:$0x4] =	stream.indirect.gather @!p2 [hbm4b:s1+s8], $0x80, s17, s8, $0xb8;
	v63 =	vld [tilespmem:$0x0]  }
0x9b: {  	_ =	swait.ge [sflag:s15], $0x4000  }
0x9c: {  	s19 =	sadd.s32 $0x30, s19;
	[sflag:s15] =	ssyncset.done $0x0  }
0x9d: {  	p1 =	sne.s32 s19, $0x4E0;
	[sflag:s15] =	ssyncadd.s32 $0xFFFFC000  }
0x9e: {  	[spmem:s2] =	stream.indirect.scatter.add.f32 [tilespmem:s10], [sflag:$0x7], $0x80, s28, s30, $0xb8;
	v63 =	vld [tilespmem:$0x0]  }
.Ltmp0:
0x9f: {  	p2 =	sge.u32 s21, s6;
	(pc) =	sbr.rel @p1 .LBB2_2-.Ltmp0, $4  }
0xa0: {  	s21 =	sadd.s32 $0x3, s21;
	s17 =	simm.s32 @!p2 $0x0;
	_ =	swait.ge [sflag:s20], $0x4000  }
0xa1: {  	s9 =	simm.s32 @!p2 $0x13D00;
	s8 =	rddreg [dreg:$0x4];
	[sflag:s20] =	ssyncset.done $0x0  }
0xa2: {  	s24 =	rddreg [dreg:$0x7];
	[sflag:s20] =	ssyncadd.s32 $0xFFFFC000;
	s8 =	sadd.s32 @!p2 s16, s8  }
0xa3: {  	[tilespmem:s9], [sflag:$0x3] =	stream.linear.gather @!p2 [hbm4b:s8+s17], $0x80, $0x38;
	v63 =	vld [tilespmem:$0x0]  }
0xa4: {  	s8 =	sadd.s32 @!p2 s16, s24;
	s9 =	simm.s32 @!p2 $0x13F00  }
0xa5: {  	[tilespmem:s9], [sflag:$0x3] =	stream.linear.gather @!p2 [hbm4b:s8+s17], $0x80, $0x38;
	v63 =	vld [tilespmem:$0x0]  }
0xa6: {  	s8 =	simm.s32 @!p0 $0x4  }
0xa7: {  	_ =	swait.ge @!p0 [sflag:s8], $0x4000  }
0xa8: {  	s16 =	simm.s32 @!p0 $0x14000;
	[sflag:s8] =	ssyncset.done @!p0 $0x0  }
0xa9: {  	s9 =	simm.s32 @!p0 $0x13E00;
	[sflag:s8] =	ssyncadd.s32 @!p0 $0xFFFFC000;
	s8 =	simm.s32 @!p0 $0x80  }
0xaa: {  	[spmem:s2] =	stream.indirect.scatter.add.f32 @!p0 [tilespmem:s16], [sflag:$0x7], $0x80, s9, s8, $0xb8;
	v63 =	vld [tilespmem:$0x0]  }
0xab: {  	s8 =	simm.s32 @!p0 $0x7  }
0xac: {  	_ =	swait.ge @!p0 [sflag:s8], $0x4000  }
0xad: {  	[sflag:s8] =	ssyncset.done @!p0 $0x0  }
0xae: {  	[sflag:s8] =	ssyncadd.s32 @!p0 $0xFFFFC000  }
0xaf: {  	[bflag:$0x0] =	sbarrier.arrive $0xFFFF  }
0xb0: {  	s9 =	rddreg [dreg:$0xd]  }
0xb1: {  	s21 =	rddreg [dreg:$0x17]  }
0xb2: {  	[hbm:s21], [sflag:s9] =	dma.local [spmem:s14], $0x2780  }
0xb3: {  	_ =	swait.ge [sflag:s20], $0x2780  }
0xb4: {  	s12 =	sadd.s32 $0x1, s12;
	s24 =	rddreg [dreg:$0x16]  }
0xb5: {  	p1 =	sne.s32 s12, s24  }
.Ltmp1:
0xb6: {  	_ = 	snop;
	(pc) =	sbr.rel @p1 .LBB2_1-.Ltmp1, $3  }
0xb7: {  	_ =	sdelay $0x1  }
0xb8: {  	[sflag:s20] =	ssyncset.done $0x0  }
0xb9: {  	[sflag:s20] =	ssyncadd.s32 $0xFFFFD880  }
0xba: {  	_ =	sfence.sel $0x180000  }
0xbb: {  	[bflag:$0x0] =	sbarrier.arrive $0xFFFF  }
0xbc: {  	_ =	strace $0x9000004A  }
0xbd: {  	s0 =	stileid.u32;
	[bflag:$0x2] =	sbarrier.arrive $0xFFFF  }
0xbe: {  	p0 =	sne.s32 s0, $0x0;
	s0 =	rddreg [dreg:$0x3]  }
0xbf: {  	s0 =	sadd.s32 @!p0 $0x100000, s0  }
0xc0: {  	[sflag:s0] =	ssyncadd.tile.s32 @!p0 $0x1;
	_ =	shalt  }
.Lfunc_end2:
_tile_overlayer_lowered:
.L_overlay_start_2:
0xc1: {  	(tag) =	ssettag $0x2  }
0xc2: {  	s0 =	rddreg [dreg:$0x0];
	s2 =	stileid.u32  }
0xc3: {  	s1 =	rddreg [dreg:$0x1];
	p0 =	sne.s32 s2, $0x0  }
0xc4: {  	s3 =	rddreg [dreg:$0x2];
	[bflag:$0x3] =	sbarrier.arrive $0xFFFF;
	s2 =	simm.s32 @!p0 $0x1C07  }
0xc5: {  	[timem:s3], [sflag:s2] =	dma.local @!p0 [hbm:s0], s1  }
0xc6: {  	s0 =	simm.s32 @!p0 $0x7  }
0xc7: {  	_ =	swait.ge @!p0 [sflag:s0], s1  }
0xc8: {  	s1 =	ssub.s32 @!p0 $0x0, s1;
	[sflag:s0] =	ssyncset.done @!p0 $0x0  }
0xc9: {  	[sflag:s0] =	ssyncadd.s32 @!p0 s1  }
0xca: {  	[bflag:$0x3] =	sbarrier.arrive $0xFFFF  }
0xcb: {  	_ =	shalt  }

</sc_bundles>
